<compile_context>
chip_gen: v7x
topology: tpu7x:2x2x1
jax: 0.10.2.dev20260603
libtpu: 0.0.44.dev20260713+nightly
codegen_flags: <defaults>
</compile_context>

<pallas_src>
import jax
import jax.numpy as jnp
from jax import lax
from jax.experimental import pallas as pl
from jax.experimental.pallas import tpu as pltpu
from jax.experimental.pallas import tpu_sc as plsc

B = 2
S = 2048
D = 1024
H = 16
DH = D // H
BS = 64
NB = S // BS
BH = B * H
TS = 256
EPS = 1e-4
SCALE = float(D) ** 0.5
NEG_INF = float("-inf")

L = 16
CH = 128
NCH = S // CH


def _proj_kernel(x_ref, wqt_ref, bq_ref, wvt_ref, bv_ref, whe_ref, who_ref,
                 q_ref, v_ref, ang_ref):
    xt = x_ref[0]
    q_ref[0] = jnp.dot(xt, wqt_ref[...], preferred_element_type=jnp.float32) + bq_ref[...]
    v_ref[0] = jnp.dot(xt, wvt_ref[...], preferred_element_type=jnp.float32) + bv_ref[...]
    num = jnp.dot(xt, whe_ref[...], preferred_element_type=jnp.float32)
    den = jnp.dot(xt, who_ref[...], preferred_element_type=jnp.float32)
    a = num / (den + EPS)
    ang_ref[...] = a.T


def _rank_kernel(a_ref, r_ref):
    arow = a_ref[0]
    acol = jnp.transpose(arow)
    for t in range(S // TS):
        asl = arow[:, t * TS:(t + 1) * TS]
        lt = acol < asl
        eq = acol == asl
        ti = lax.broadcasted_iota(jnp.int32, (S, TS), 0)
        si = t * TS + lax.broadcasted_iota(jnp.int32, (S, TS), 1)
        less = jnp.logical_or(lt, jnp.logical_and(eq, ti < si))
        cf = less.astype(jnp.float32)
        r_ref[0, :, t * TS:(t + 1) * TS] = jnp.sum(
            cf, axis=0, keepdims=True).astype(jnp.int32)


def _sc_sort_kernel(rank_hbm, qv_hbm, qvs_hbm, rank_v, perm_v, qvbuf, sem):
    wid = lax.axis_index("s") * 2 + lax.axis_index("c")
    base = wid * S
    pltpu.sync_copy(rank_hbm.at[pl.ds(base, S)], rank_v)

    def perm_body(i, carry):
        r16 = rank_v[pl.ds(i * L, L)]
        vals = base + i * L + lax.iota(jnp.int32, L)
        plsc.store_scatter(perm_v, [r16], vals)
        return carry

    lax.fori_loop(0, S // L, perm_body, 0)

    def chunk_body(c, carry):
        off = c * CH
        idx = perm_v.at[pl.ds(off, CH)]
        pltpu.async_copy(qv_hbm.at[idx], qvbuf, sem).wait()
        pltpu.sync_copy(qvbuf, qvs_hbm.at[pl.ds(base + off, CH)])
        return carry

    lax.fori_loop(0, NCH, chunk_body, 0)


def _attn_kernel(qv_ref, out_ref, ho0_ref):
    ii = lax.broadcasted_iota(jnp.int32, (BS, 2 * BS), 0)
    jj = lax.broadcasted_iota(jnp.int32, (BS, 2 * BS), 1)
    selfmask = ii == jj
    for n in range(NB):
        nn = (n + 1) % NB
        qn = qv_ref[0, n * BS:(n + 1) * BS, 0:DH]
        kn = jnp.concatenate(
            [qn, qv_ref[0, nn * BS:(nn + 1) * BS, 0:DH]], axis=0)
        vn = jnp.concatenate(
            [qv_ref[0, n * BS:(n + 1) * BS, DH:2 * DH],
             qv_ref[0, nn * BS:(nn + 1) * BS, DH:2 * DH]], axis=0)
        sc = lax.dot_general(qn, kn, (((1,), (1,)), ((), ())),
                             preferred_element_type=jnp.float32) / SCALE
        sc = jnp.where(selfmask, NEG_INF, sc)
        m = jnp.max(sc, axis=1, keepdims=True)
        e = jnp.exp(sc - m)
        p = e / jnp.sum(e, axis=1, keepdims=True)
        ho = jnp.dot(p, vn, preferred_element_type=jnp.float32)
        out_ref[0, n * BS:(n + 1) * BS, :] = ho
        ho0_ref[0, :, n * BS:(n + 1) * BS] = jnp.transpose(ho[:, 0:1])


def _sc_unsort_kernel(rank_hbm, ho0_hbm, c0_hbm, rank_v, ho0_v, c0_v):
    wid = lax.axis_index("s") * 2 + lax.axis_index("c")
    base = wid * S
    pltpu.sync_copy(rank_hbm.at[pl.ds(base, S)], rank_v)
    pltpu.sync_copy(ho0_hbm.at[pl.ds(base, S)], ho0_v)

    def body(i, carry):
        r16 = rank_v[pl.ds(i * L, L)]
        c0_v[pl.ds(i * L, L)] = plsc.load_gather(ho0_v, [r16])
        return carry

    lax.fori_loop(0, S // L, body, 0)
    pltpu.sync_copy(c0_v, c0_hbm.at[pl.ds(base, S)])


def _out_kernel(x_ref, c0_ref, wot_ref, bo_ref, o_ref):
    xt = x_ref[0]
    CT = jnp.transpose(c0_ref[...])
    hi = lax.broadcasted_iota(jnp.int32, (H, D), 0)
    ci = lax.broadcasted_iota(jnp.int32, (H, D), 1)
    E = (ci == hi * DH).astype(jnp.float32)
    rep = jnp.dot(CT, E, preferred_element_type=jnp.float32)
    li = lax.broadcasted_iota(jnp.int32, (TS, D), 1)
    xm = jnp.where(li % DH == 0, rep, xt)
    o_ref[0] = jnp.dot(xm, wot_ref[...], preferred_element_type=jnp.float32) + bo_ref[...]


_SC_MESH = plsc.VectorSubcoreMesh(core_axis_name="c", subcore_axis_name="s")


def kernel(x, W_hash, W_q, b_q, W_v, b_v, W_o, b_o):
    wqt = W_q.T
    wvt = W_v.T
    wot = W_o.T
    whe = W_hash[0::2].T
    who = W_hash[1::2].T
    bq2 = b_q[None, :]
    bv2 = b_v[None, :]
    bo2 = b_o[None, :]

    q, v, ang = pl.pallas_call(
        _proj_kernel,
        grid=(B, S // TS),
        in_specs=[
            pl.BlockSpec((1, TS, D), lambda b, t: (b, t, 0)),
            pl.BlockSpec((D, D), lambda b, t: (0, 0)),
            pl.BlockSpec((1, D), lambda b, t: (0, 0)),
            pl.BlockSpec((D, D), lambda b, t: (0, 0)),
            pl.BlockSpec((1, D), lambda b, t: (0, 0)),
            pl.BlockSpec((D, H), lambda b, t: (0, 0)),
            pl.BlockSpec((D, H), lambda b, t: (0, 0)),
        ],
        out_specs=[
            pl.BlockSpec((1, TS, D), lambda b, t: (b, t, 0)),
            pl.BlockSpec((1, TS, D), lambda b, t: (b, t, 0)),
            pl.BlockSpec((H, TS), lambda b, t: (b, t)),
        ],
        out_shape=[
            jax.ShapeDtypeStruct((B, S, D), jnp.float32),
            jax.ShapeDtypeStruct((B, S, D), jnp.float32),
            jax.ShapeDtypeStruct((BH, S), jnp.float32),
        ],
    )(x, wqt, bq2, wvt, bv2, whe, who)

    a3 = ang.reshape(BH, 1, S)
    rank = pl.pallas_call(
        _rank_kernel,
        grid=(BH,),
        in_specs=[pl.BlockSpec((1, 1, S), lambda i: (i, 0, 0))],
        out_specs=pl.BlockSpec((1, 1, S), lambda i: (i, 0, 0)),
        out_shape=jax.ShapeDtypeStruct((BH, 1, S), jnp.int32),
    )(a3)
    rank_flat = rank.reshape(BH * S)

    q4 = q.reshape(B, S, H, DH).transpose(0, 2, 1, 3)
    v4 = v.reshape(B, S, H, DH).transpose(0, 2, 1, 3)
    qv4f = jnp.concatenate([q4, v4], axis=3).reshape(BH * S, 2 * DH)

    qvs = pl.kernel(
        _sc_sort_kernel,
        compiler_params=pltpu.CompilerParams(needs_layout_passes=False),
        out_type=jax.ShapeDtypeStruct((BH * S, 2 * DH), jnp.float32),
        mesh=_SC_MESH,
        scratch_types=[
            pltpu.VMEM((S,), jnp.int32),
            pltpu.VMEM((S,), jnp.int32),
            pltpu.VMEM((CH, 2 * DH), jnp.float32),
            pltpu.SemaphoreType.DMA,
        ],
    )(rank_flat, qv4f)

    xs3, ho0 = pl.pallas_call(
        _attn_kernel,
        grid=(BH,),
        in_specs=[
            pl.BlockSpec((1, S, 2 * DH), lambda i: (i, 0, 0)),
        ],
        out_specs=[
            pl.BlockSpec((1, S, DH), lambda i: (i, 0, 0)),
            pl.BlockSpec((1, 1, S), lambda i: (i, 0, 0)),
        ],
        out_shape=[
            jax.ShapeDtypeStruct((BH, S, DH), jnp.float32),
            jax.ShapeDtypeStruct((BH, 1, S), jnp.float32),
        ],
    )(qvs.reshape(BH, S, 2 * DH))
    xs = xs3.reshape(B, H, S, DH).transpose(0, 2, 1, 3).reshape(B, S, D)

    c0 = pl.kernel(
        _sc_unsort_kernel,
        compiler_params=pltpu.CompilerParams(needs_layout_passes=False),
        out_type=jax.ShapeDtypeStruct((BH * S,), jnp.float32),
        mesh=_SC_MESH,
        scratch_types=[
            pltpu.VMEM((S,), jnp.int32),
            pltpu.VMEM((S,), jnp.float32),
            pltpu.VMEM((S,), jnp.float32),
        ],
    )(rank_flat, ho0.reshape(BH * S))

    out = pl.pallas_call(
        _out_kernel,
        grid=(B, S // TS),
        in_specs=[
            pl.BlockSpec((1, TS, D), lambda b, t: (b, t, 0)),
            pl.BlockSpec((H, TS), lambda b, t: (b, t)),
            pl.BlockSpec((D, D), lambda b, t: (0, 0)),
            pl.BlockSpec((1, D), lambda b, t: (0, 0)),
        ],
        out_specs=pl.BlockSpec((1, TS, D), lambda b, t: (b, t, 0)),
        out_shape=jax.ShapeDtypeStruct((B, S, D), jnp.float32),
    )(xs, c0.reshape(BH, S), wot, bo2)

    return out

# --- scband reference (transcript-rebuilt; emitter-appended) ---
"""Pipeline reference for scband-lshattention-47639777247446 (READ-ONLY COPY).

The authoritative reference and input builder live on the scoring server;
editing this copy changes nothing except your own understanding.
"""

import jax, jax.numpy as jnp
import numpy as np

N_HEADS = 16
BUCKET = 64
EPS = 1e-4


def setup_inputs(seed: int = 0) -> dict:
    key = jax.random.key(seed)
    ks = jax.random.split(key, 8)
    B, S, D = 2, 2048, 1024
    x = jax.random.normal(ks[0], (B, S, D), dtype=jnp.float32)
    W_hash = jax.random.normal(ks[1], (2 * N_HEADS, D), dtype=jnp.float32) * 0.02
    W_q = jax.random.normal(ks[2], (D, D), dtype=jnp.float32) * 0.02
    b_q = jax.random.normal(ks[3], (D,), dtype=jnp.float32) * 0.02
    W_v = jax.random.normal(ks[4], (D, D), dtype=jnp.float32) * 0.02
    b_v = jax.random.normal(ks[5], (D,), dtype=jnp.float32) * 0.02
    W_o = jax.random.normal(ks[6], (D, D), dtype=jnp.float32) * 0.02
    b_o = jax.random.normal(ks[7], (D,), dtype=jnp.float32) * 0.02
    return {"x": x, "W_hash": W_hash, "W_q": W_q, "b_q": b_q, "W_v": W_v, "b_v": b_v, "W_o": W_o, "b_o": b_o}


def _forward(x, W_hash, W_q, b_q, W_v, b_v, W_o, b_o):
    B, S, D = x.shape
    H, bs, eps = N_HEADS, BUCKET, EPS
    d_head = D // H
    # hash projection -> per-head angle -> per-head sort order
    h = x @ W_hash.T
    angles = h[:, :, 0::2] / (h[:, :, 1::2] + eps)  # [B, S, H]
    idx = jnp.argsort(angles, axis=1)  # [B, S, H]
    # shared QK projection
    q = x @ W_q.T + b_q
    k = q  # shared_qk=True -> proj_k is proj_q
    v = x @ W_v.T + b_v
    # default masks (None path in torch code)
    padding_mask = jnp.zeros((B, S), dtype=bool)
    attn_mask = jnp.zeros((B, S, S), dtype=bool)
    integrated = jnp.logical_or(jnp.broadcast_to(padding_mask[:, None, :], (B, S, S)), attn_mask)
    n_bucket = S // bs + 1
    p_src = bs - S % bs + bs
    p_tgt = bs - S % bs
    self_ref = jnp.concatenate([jnp.eye(bs, dtype=bool), jnp.zeros((bs, bs), dtype=bool)], axis=1)
    scale = float(D) ** 0.5
    b_idx = jnp.arange(B)[:, None]
    outs = []
    for hd in range(H):
        hi = idx[:, :, hd]  # [B, S]
        sl = slice(hd * d_head, (hd + 1) * d_head)
        qh = jnp.take_along_axis(q[:, :, sl], hi[:, :, None], axis=1)
        kh = jnp.take_along_axis(k[:, :, sl], hi[:, :, None], axis=1)
        vh = jnp.take_along_axis(v[:, :, sl], hi[:, :, None], axis=1)
        # faithful reproduction of torch.gather with index hi.expand(-1,-1,S)
        hm = jnp.take_along_axis(integrated, jnp.broadcast_to(hi[:, :, None], (B, S, S)), axis=2)
        hm = jnp.take_along_axis(hm, jnp.broadcast_to(hi[:, None, :], (B, S, S)), axis=1)
        hm = jnp.concatenate([hm, hm[:, :, :p_src]], axis=2)
        hm = jnp.concatenate([hm, hm[:, :p_tgt, :]], axis=1)
        sm = jnp.stack([hm[:, n * bs:(n + 1) * bs, n * bs:(n + 2) * bs] for n in range(n_bucket)], axis=0)
        sm = jnp.logical_or(sm, self_ref[None, None]).reshape(n_bucket * B, bs, 2 * bs)
        kp = jnp.concatenate([kh, kh[:, :p_src]], axis=1)
        vp = jnp.concatenate([vh, vh[:, :p_src]], axis=1)
        bk = jnp.stack([kp[:, n * bs:(n + 2) * bs] for n in range(n_bucket)], axis=0).reshape(n_bucket * B, 2 * bs, d_head)
        bv = jnp.stack([vp[:, n * bs:(n + 2) * bs] for n in range(n_bucket)], axis=0).reshape(n_bucket * B, 2 * bs, d_head)
        qp = jnp.concatenate([qh, qh[:, :p_tgt]], axis=1)
        bq = qp.reshape(B, n_bucket, bs, d_head).swapaxes(0, 1).reshape(n_bucket * B, bs, d_head)
        aw = jnp.matmul(bq, bk.swapaxes(1, 2)) / scale
        aw = aw + jnp.where(sm, -jnp.inf, 0.0)
        aw = jax.nn.softmax(aw, axis=2)
        ho = jnp.matmul(aw, bv)
        ho = ho.reshape(n_bucket, B, bs, d_head).swapaxes(0, 1).reshape(B, n_bucket * bs, d_head)[:, :S]
        # faithful reproduction of torch.scatter with un-expanded [B,S,1] index:
        # only channel 0 is un-sorted, other channels keep sorted order
        ho = ho.at[b_idx, hi, 0].set(ho[:, :, 0])
        outs.append(ho)
    out = jnp.concatenate(outs, axis=2)
    return out @ W_o.T + b_o


def reference(x, W_hash, W_q, b_q, W_v, b_v, W_o, b_o):
    return _forward(x, W_hash, W_q, b_q, W_v, b_v, W_o, b_o)

if __name__ == "__main__":
    import jax
    _d = setup_inputs()
    print(jax.jit(kernel)(*tuple(_d.values())))

</pallas_src>

<mosaic_0001>
#map = affine_map<(d0, d1) -> (0)>
module attributes {stable_mosaic.version = 14 : i64} {
  func.func @_sc_unsort_kernel(%arg0: i32, %arg1: i32, %arg2: memref<65536xi32, #tpu.memory_space<hbm>>, %arg3: memref<65536xf32, #tpu.memory_space<hbm>>, %arg4: memref<65536xf32, #tpu.memory_space<hbm>>, %arg5: memref<2048xi32, #tpu.memory_space<vmem>>, %arg6: memref<2048xf32, #tpu.memory_space<vmem>>, %arg7: memref<2048xf32, #tpu.memory_space<vmem>>) attributes {dimension_semantics = [#tpu.dimension_semantics<core_parallel>, #tpu.dimension_semantics<subcore_parallel>], iteration_bounds = array<i64: 2, 16>, scalar_prefetch = 0 : i64, scratch_operands = 3 : i64, tpu.core_type = #tpu.core_type<sc_vector_subcore>, window_params = [{transform_indices = #map}, {transform_indices = #map}, {transform_indices = #map}]} {
    %mul3A = arith.constant 2 : i32
    %mul3A_0 = arith.muli %arg1, %mul3A : i32
    %add3A = arith.addi %mul3A_0, %arg0 : i32
    %mul3A_1 = arith.constant 2048 : i32
    %mul3A_2 = arith.muli %add3A, %mul3A_1 : i32
    "tpu.region"() ({
      %run_scoped3A = tpu.sem_alloc : memref<!tpu.dma_semaphore, #tpu.memory_space<semaphore_mem>>
      %dma_start3A = tpu.memref_slice %arg2[%mul3A_2] : memref<65536xi32, #tpu.memory_space<hbm>> -> memref<2048xi32, #tpu.memory_space<hbm>>
      %dma_start3A_8 = tpu.memref_slice %arg2[%mul3A_2] : memref<65536xi32, #tpu.memory_space<hbm>> -> memref<2048xi32, #tpu.memory_space<hbm>>
      tpu.enqueue_dma source(%dma_start3A_8 : memref<2048xi32, #tpu.memory_space<hbm>>) target(%arg5 : memref<2048xi32, #tpu.memory_space<vmem>>) target_semaphore(%run_scoped3A : memref<!tpu.dma_semaphore, #tpu.memory_space<semaphore_mem>>)
      %dma_wait3A = tpu.memref_slice %arg2[%mul3A_2] : memref<65536xi32, #tpu.memory_space<hbm>> -> memref<2048xi32, #tpu.memory_space<hbm>>
      %dma_wait3A_9 = tpu.memref_slice %arg2[%mul3A_2] : memref<65536xi32, #tpu.memory_space<hbm>> -> memref<2048xi32, #tpu.memory_space<hbm>>
      tpu.wait_dma2 semaphore(%run_scoped3A : memref<!tpu.dma_semaphore, #tpu.memory_space<semaphore_mem>>) src(%dma_wait3A_9 : memref<2048xi32, #tpu.memory_space<hbm>>) dst(%arg5 : memref<2048xi32, #tpu.memory_space<vmem>>)
      tpu.yield
    }) : () -> ()
    "tpu.region"() ({
      %run_scoped3A = tpu.sem_alloc : memref<!tpu.dma_semaphore, #tpu.memory_space<semaphore_mem>>
      %dma_start3A = tpu.memref_slice %arg3[%mul3A_2] : memref<65536xf32, #tpu.memory_space<hbm>> -> memref<2048xf32, #tpu.memory_space<hbm>>
      %dma_start3A_8 = tpu.memref_slice %arg3[%mul3A_2] : memref<65536xf32, #tpu.memory_space<hbm>> -> memref<2048xf32, #tpu.memory_space<hbm>>
      tpu.enqueue_dma source(%dma_start3A_8 : memref<2048xf32, #tpu.memory_space<hbm>>) target(%arg6 : memref<2048xf32, #tpu.memory_space<vmem>>) target_semaphore(%run_scoped3A : memref<!tpu.dma_semaphore, #tpu.memory_space<semaphore_mem>>)
      %dma_wait3A = tpu.memref_slice %arg3[%mul3A_2] : memref<65536xf32, #tpu.memory_space<hbm>> -> memref<2048xf32, #tpu.memory_space<hbm>>
      %dma_wait3A_9 = tpu.memref_slice %arg3[%mul3A_2] : memref<65536xf32, #tpu.memory_space<hbm>> -> memref<2048xf32, #tpu.memory_space<hbm>>
      tpu.wait_dma2 semaphore(%run_scoped3A : memref<!tpu.dma_semaphore, #tpu.memory_space<semaphore_mem>>) src(%dma_wait3A_9 : memref<2048xf32, #tpu.memory_space<hbm>>) dst(%arg6 : memref<2048xf32, #tpu.memory_space<vmem>>)
      tpu.yield
    }) : () -> ()
    %scan3A = arith.constant 0 : i32
    %scan3A_3 = arith.constant 0 : i32
    %scan3A_4 = arith.constant 128 : i32
    %scan3A_5 = arith.addi %scan3A_3, %scan3A_4 : i32
    %scan3A_6 = arith.constant 1 : i32
    scf.for %scan3A_8 = %scan3A_3 to %scan3A_5 step %scan3A_6  : i32 {
      %mul3A_9 = arith.constant 16 : i32
      %mul3A_10 = arith.muli %scan3A_8, %mul3A_9 : i32
      %get3A = arith.index_cast %mul3A_10 : i32 to index
      %get3A_11 = tpu.vector_load %arg5[%get3A] {strides = array<i32>} : memref<2048xi32, #tpu.memory_space<vmem>>, vector<16xi32>,
      %gather3A = tpu.vector_load_idx %arg6[%get3A_11] : memref<2048xf32, #tpu.memory_space<vmem>>[vector<16xi32>], vector<16xf32>,
      %mul3A_12 = arith.constant 16 : i32
      %mul3A_13 = arith.muli %scan3A_8, %mul3A_12 : i32
      %swap3A = arith.index_cast %mul3A_13 : i32 to index
      %swap3A_14 = tpu.vector_load %arg7[%swap3A] {strides = array<i32>} : memref<2048xf32, #tpu.memory_space<vmem>>, vector<16xf32>,
      tpu.vector_store %arg7[%swap3A], %gather3A {strides = array<i32>} : memref<2048xf32, #tpu.memory_space<vmem>>, vector<16xf32>,
    }
    %scan3A_7 = arith.constant 128 : i32
    "tpu.region"() ({
      %run_scoped3A = tpu.sem_alloc : memref<!tpu.dma_semaphore, #tpu.memory_space<semaphore_mem>>
      %dma_start3A = tpu.memref_slice %arg4[%mul3A_2] : memref<65536xf32, #tpu.memory_space<hbm>> -> memref<2048xf32, #tpu.memory_space<hbm>>
      %dma_start3A_8 = tpu.memref_slice %arg4[%mul3A_2] : memref<65536xf32, #tpu.memory_space<hbm>> -> memref<2048xf32, #tpu.memory_space<hbm>>
      tpu.enqueue_dma source(%arg7 : memref<2048xf32, #tpu.memory_space<vmem>>) target(%dma_start3A_8 : memref<2048xf32, #tpu.memory_space<hbm>>) target_semaphore(%run_scoped3A : memref<!tpu.dma_semaphore, #tpu.memory_space<semaphore_mem>>)
      %dma_wait3A = tpu.memref_slice %arg4[%mul3A_2] : memref<65536xf32, #tpu.memory_space<hbm>> -> memref<2048xf32, #tpu.memory_space<hbm>>
      %dma_wait3A_9 = tpu.memref_slice %arg4[%mul3A_2] : memref<65536xf32, #tpu.memory_space<hbm>> -> memref<2048xf32, #tpu.memory_space<hbm>>
      tpu.wait_dma2 semaphore(%run_scoped3A : memref<!tpu.dma_semaphore, #tpu.memory_space<semaphore_mem>>) src(%arg7 : memref<2048xf32, #tpu.memory_space<vmem>>) dst(%dma_wait3A_9 : memref<2048xf32, #tpu.memory_space<hbm>>)
      tpu.yield
    }) : () -> ()
    return
  }
}

#map = affine_map<(d0, d1) -> (0)>
#map1 = affine_map<(d0, d1) -> (0, 0)>
module attributes {stable_mosaic.version = 14 : i64} {
  func.func @_sc_sort_kernel(%arg0: i32, %arg1: i32, %arg2: memref<65536xi32, #tpu.memory_space<hbm>>, %arg3: memref<65536x128xf32, #tpu.memory_space<hbm>>, %arg4: memref<65536x128xf32, #tpu.memory_space<hbm>>, %arg5: memref<2048xi32, #tpu.memory_space<vmem>>, %arg6: memref<2048xi32, #tpu.memory_space<vmem>>, %arg7: memref<128x128xf32, #tpu.memory_space<vmem>>, %arg8: memref<!tpu.dma_semaphore, #tpu.memory_space<semaphore_mem>>) attributes {dimension_semantics = [#tpu.dimension_semantics<core_parallel>, #tpu.dimension_semantics<subcore_parallel>], iteration_bounds = array<i64: 2, 16>, scalar_prefetch = 0 : i64, scratch_operands = 4 : i64, tpu.core_type = #tpu.core_type<sc_vector_subcore>, window_params = [{transform_indices = #map}, {transform_indices = #map1}, {transform_indices = #map1}]} {
    %mul3A = arith.constant 2 : i32
    %mul3A_0 = arith.muli %arg1, %mul3A : i32
    %add3A = arith.addi %mul3A_0, %arg0 : i32
    %mul3A_1 = arith.constant 2048 : i32
    %mul3A_2 = arith.muli %add3A, %mul3A_1 : i32
    "tpu.region"() ({
      %run_scoped3A = tpu.sem_alloc : memref<!tpu.dma_semaphore, #tpu.memory_space<semaphore_mem>>
      %dma_start3A = tpu.memref_slice %arg2[%mul3A_2] : memref<65536xi32, #tpu.memory_space<hbm>> -> memref<2048xi32, #tpu.memory_space<hbm>>
      %dma_start3A_14 = tpu.memref_slice %arg2[%mul3A_2] : memref<65536xi32, #tpu.memory_space<hbm>> -> memref<2048xi32, #tpu.memory_space<hbm>>
      tpu.enqueue_dma source(%dma_start3A_14 : memref<2048xi32, #tpu.memory_space<hbm>>) target(%arg5 : memref<2048xi32, #tpu.memory_space<vmem>>) target_semaphore(%run_scoped3A : memref<!tpu.dma_semaphore, #tpu.memory_space<semaphore_mem>>)
      %dma_wait3A = tpu.memref_slice %arg2[%mul3A_2] : memref<65536xi32, #tpu.memory_space<hbm>> -> memref<2048xi32, #tpu.memory_space<hbm>>
      %dma_wait3A_15 = tpu.memref_slice %arg2[%mul3A_2] : memref<65536xi32, #tpu.memory_space<hbm>> -> memref<2048xi32, #tpu.memory_space<hbm>>
      tpu.wait_dma2 semaphore(%run_scoped3A : memref<!tpu.dma_semaphore, #tpu.memory_space<semaphore_mem>>) src(%dma_wait3A_15 : memref<2048xi32, #tpu.memory_space<hbm>>) dst(%arg5 : memref<2048xi32, #tpu.memory_space<vmem>>)
      tpu.yield
    }) : () -> ()
    %scan3A = arith.constant 0 : i32
    %scan3A_3 = arith.constant 0 : i32
    %scan3A_4 = arith.constant 128 : i32
    %scan3A_5 = arith.addi %scan3A_3, %scan3A_4 : i32
    %scan3A_6 = arith.constant 1 : i32
    scf.for %scan3A_14 = %scan3A_3 to %scan3A_5 step %scan3A_6  : i32 {
      %mul3A_15 = arith.constant 16 : i32
      %mul3A_16 = arith.muli %scan3A_14, %mul3A_15 : i32
      %get3A = arith.index_cast %mul3A_16 : i32 to index
      %get3A_17 = tpu.vector_load %arg5[%get3A] {strides = array<i32>} : memref<2048xi32, #tpu.memory_space<vmem>>, vector<16xi32>,
      %mul3A_18 = arith.constant 16 : i32
      %mul3A_19 = arith.muli %scan3A_14, %mul3A_18 : i32
      %add3A_20 = arith.addi %mul3A_2, %mul3A_19 : i32
      %iota3A = tpu.iota {dimensions = array<i32: 0>} : vector<16xi32>
      %add3A_21 = vector.broadcast %add3A_20 : i32 to vector<16xi32>
      %add3A_22 = arith.addi %add3A_21, %iota3A : vector<16xi32>
      tpu.vector_store_idx %arg6[%get3A_17], %add3A_22 : memref<2048xi32, #tpu.memory_space<vmem>>[vector<16xi32>], vector<16xi32>,
    }
    %scan3A_7 = arith.constant 128 : i32
    %scan3A_8 = arith.constant 0 : i32
    %scan3A_9 = arith.constant 0 : i32
    %scan3A_10 = arith.constant 16 : i32
    %scan3A_11 = arith.addi %scan3A_9, %scan3A_10 : i32
    %scan3A_12 = arith.constant 1 : i32
    scf.for %scan3A_14 = %scan3A_9 to %scan3A_11 step %scan3A_12  : i32 {
      %mul3A_15 = arith.constant 128 : i32
      %mul3A_16 = arith.muli %scan3A_14, %mul3A_15 : i32
      %dma_start3A = tpu.memref_slice %arg6[%mul3A_16] : memref<2048xi32, #tpu.memory_space<vmem>> -> memref<128xi32, #tpu.memory_space<vmem>>
      %dma_start3A_17 = arith.constant 0 : i32
      %dma_start3A_18 = arith.constant 0 : i32
      %dma_start3A_19 = tpu.memref_slice %arg3[%dma_start3A_17, %dma_start3A_18] : memref<65536x128xf32, #tpu.memory_space<hbm>> -> memref<65536x128xf32, #tpu.memory_space<hbm>>
      tpu.enqueue_indirect_dma source(%dma_start3A_19 : memref<65536x128xf32, #tpu.memory_space<hbm>>) target(%arg7 : memref<128x128xf32, #tpu.memory_space<vmem>>) offsets(%dma_start3A : memref<128xi32, #tpu.memory_space<vmem>>) semaphore(%arg8 : memref<!tpu.dma_semaphore, #tpu.memory_space<semaphore_mem>>)
      %dma_wait3A = tpu.memref_slice %arg6[%mul3A_16] : memref<2048xi32, #tpu.memory_space<vmem>> -> memref<128xi32, #tpu.memory_space<vmem>>
      %dma_wait3A_20 = arith.constant 0 : i32
      %dma_wait3A_21 = arith.constant 0 : i32
      %dma_wait3A_22 = tpu.memref_slice %arg3[%dma_wait3A_20, %dma_wait3A_21] : memref<65536x128xf32, #tpu.memory_space<hbm>> -> memref<65536x128xf32, #tpu.memory_space<hbm>>
      tpu.wait_indirect_dma semaphore(%arg8 : memref<!tpu.dma_semaphore, #tpu.memory_space<semaphore_mem>>) src(%dma_wait3A_22 : memref<65536x128xf32, #tpu.memory_space<hbm>>) dst(%arg7 : memref<128x128xf32, #tpu.memory_space<vmem>>)
      %add3A_23 = arith.addi %mul3A_2, %mul3A_16 : i32
      "tpu.region"() ({
        %run_scoped3A = tpu.sem_alloc : memref<!tpu.dma_semaphore, #tpu.memory_space<semaphore_mem>>
        %dma_start3A_24 = arith.constant 0 : i32
        %dma_start3A_25 = tpu.memref_slice %arg4[%add3A_23, %dma_start3A_24] : memref<65536x128xf32, #tpu.memory_space<hbm>> -> memref<128x128xf32, #tpu.memory_space<hbm>>
        %dma_start3A_26 = arith.constant 0 : i32
        %dma_start3A_27 = tpu.memref_slice %arg4[%add3A_23, %dma_start3A_26] : memref<65536x128xf32, #tpu.memory_space<hbm>> -> memref<128x128xf32, #tpu.memory_space<hbm>>
        tpu.enqueue_dma source(%arg7 : memref<128x128xf32, #tpu.memory_space<vmem>>) target(%dma_start3A_27 : memref<128x128xf32, #tpu.memory_space<hbm>>) target_semaphore(%run_scoped3A : memref<!tpu.dma_semaphore, #tpu.memory_space<semaphore_mem>>)
        %dma_wait3A_28 = arith.constant 0 : i32
        %dma_wait3A_29 = tpu.memref_slice %arg4[%add3A_23, %dma_wait3A_28] : memref<65536x128xf32, #tpu.memory_space<hbm>> -> memref<128x128xf32, #tpu.memory_space<hbm>>
        %dma_wait3A_30 = arith.constant 0 : i32
        %dma_wait3A_31 = tpu.memref_slice %arg4[%add3A_23, %dma_wait3A_30] : memref<65536x128xf32, #tpu.memory_space<hbm>> -> memref<128x128xf32, #tpu.memory_space<hbm>>
        tpu.wait_dma2 semaphore(%run_scoped3A : memref<!tpu.dma_semaphore, #tpu.memory_space<semaphore_mem>>) src(%arg7 : memref<128x128xf32, #tpu.memory_space<vmem>>) dst(%dma_wait3A_31 : memref<128x128xf32, #tpu.memory_space<hbm>>)
        tpu.yield
      }) : () -> ()
    }
    %scan3A_13 = arith.constant 16 : i32
    return
  }
}

module attributes {stable_mosaic.version = 14 : i64} {
  func.func @_proj_kernel(%arg0: i32, %arg1: i32, %arg2: memref<1x256x1024xf32, #tpu.memory_space<vmem>>, %arg3: memref<1024x1024xf32, #tpu.memory_space<vmem>>, %arg4: memref<1x1024xf32, #tpu.memory_space<vmem>>, %arg5: memref<1024x1024xf32, #tpu.memory_space<vmem>>, %arg6: memref<1x1024xf32, #tpu.memory_space<vmem>>, %arg7: memref<1024x16xf32, #tpu.memory_space<vmem>>, %arg8: memref<1024x16xf32, #tpu.memory_space<vmem>>, %arg9: memref<1x256x1024xf32, #tpu.memory_space<vmem>>, %arg10: memref<1x256x1024xf32, #tpu.memory_space<vmem>>, %arg11: memref<16x256xf32, #tpu.memory_space<vmem>>) attributes {dimension_semantics = [#tpu.dimension_semantics<arbitrary>, #tpu.dimension_semantics<arbitrary>], iteration_bounds = array<i64: 2, 8>, scalar_prefetch = 0 : i64, scratch_operands = 0 : i64, tpu.core_type = #tpu.core_type<tc>, window_params = [{transform_indices = @transform_0, window_bounds = array<i64: 1, 256, 1024>}, {pipeline_mode = #tpu.pipeline_mode<synchronous>, transform_indices = @transform_1, window_bounds = array<i64: 1024, 1024>}, {pipeline_mode = #tpu.pipeline_mode<synchronous>, transform_indices = @transform_2, window_bounds = array<i64: 1, 1024>}, {pipeline_mode = #tpu.pipeline_mode<synchronous>, transform_indices = @transform_3, window_bounds = array<i64: 1024, 1024>}, {pipeline_mode = #tpu.pipeline_mode<synchronous>, transform_indices = @transform_4, window_bounds = array<i64: 1, 1024>}, {pipeline_mode = #tpu.pipeline_mode<synchronous>, transform_indices = @transform_5, window_bounds = array<i64: 1024, 16>}, {pipeline_mode = #tpu.pipeline_mode<synchronous>, transform_indices = @transform_6, window_bounds = array<i64: 1024, 16>}, {transform_indices = @transform_7, window_bounds = array<i64: 1, 256, 1024>}, {transform_indices = @transform_8, window_bounds = array<i64: 1, 256, 1024>}, {transform_indices = @transform_9, window_bounds = array<i64: 16, 256>}]} {
    %get3A = arith.constant 0 : index
    %get3A_0 = arith.constant 0 : index
    %get3A_1 = arith.constant 0 : index
    %get3A_2 = vector.load %arg2[%get3A, %get3A_0, %get3A_1] : memref<1x256x1024xf32, #tpu.memory_space<vmem>>, vector<1x256x1024xf32>
    %get3A_3 = vector.shape_cast %get3A_2 : vector<1x256x1024xf32> to vector<256x1024xf32>
    %get3A_4 = arith.constant 0 : index
    %get3A_5 = arith.constant 0 : index
    %get3A_6 = vector.load %arg3[%get3A_4, %get3A_5] : memref<1024x1024xf32, #tpu.memory_space<vmem>>, vector<1024x1024xf32>
    %dot_general3A = arith.constant dense<0.000000e+00> : vector<256x1024xf32>
    %dot_general3A_7 = tpu.matmul %get3A_3, %get3A_6, %dot_general3A {dimension_numbers = #tpu.dot_dimension_numbers<[1], [0], [0], [1], [0, 0, 1, 1], [], []>, transpose_lhs_hint = false} : vector<256x1024xf32>, vector<1024x1024xf32>, vector<256x1024xf32> -> vector<256x1024xf32>
    %get3A_8 = arith.constant 0 : index
    %get3A_9 = arith.constant 0 : index
    %get3A_10 = vector.load %arg4[%get3A_8, %get3A_9] : memref<1x1024xf32, #tpu.memory_space<vmem>>, vector<1x1024xf32>
    %add3A = vector.broadcast %get3A_10 : vector<1x1024xf32> to vector<256x1024xf32>
    %add3A_11 = arith.addf %dot_general3A_7, %add3A : vector<256x1024xf32>
    %swap3A = arith.constant 0 : index
    %swap3A_12 = arith.constant 0 : index
    %swap3A_13 = arith.constant 0 : index
    %swap3A_14 = vector.load %arg9[%swap3A, %swap3A_12, %swap3A_13] : memref<1x256x1024xf32, #tpu.memory_space<vmem>>, vector<1x256x1024xf32>
    %swap3A_15 = vector.shape_cast %swap3A_14 : vector<1x256x1024xf32> to vector<256x1024xf32>
    %swap3A_16 = vector.shape_cast %add3A_11 : vector<256x1024xf32> to vector<1x256x1024xf32>
    tpu.vector_store %arg9[%swap3A, %swap3A_12, %swap3A_13], %swap3A_16 {strides = array<i32>} : memref<1x256x1024xf32, #tpu.memory_space<vmem>>, vector<1x256x1024xf32>,
    %get3A_17 = arith.constant 0 : index
    %get3A_18 = arith.constant 0 : index
    %get3A_19 = vector.load %arg5[%get3A_17, %get3A_18] : memref<1024x1024xf32, #tpu.memory_space<vmem>>, vector<1024x1024xf32>
    %dot_general3A_20 = arith.constant dense<0.000000e+00> : vector<256x1024xf32>
    %dot_general3A_21 = tpu.matmul %get3A_3, %get3A_19, %dot_general3A_20 {dimension_numbers = #tpu.dot_dimension_numbers<[1], [0], [0], [1], [0, 0, 1, 1], [], []>, transpose_lhs_hint = false} : vector<256x1024xf32>, vector<1024x1024xf32>, vector<256x1024xf32> -> vector<256x1024xf32>
    %get3A_22 = arith.constant 0 : index
    %get3A_23 = arith.constant 0 : index
    %get3A_24 = vector.load %arg6[%get3A_22, %get3A_23] : memref<1x1024xf32, #tpu.memory_space<vmem>>, vector<1x1024xf32>
    %add3A_25 = vector.broadcast %get3A_24 : vector<1x1024xf32> to vector<256x1024xf32>
    %add3A_26 = arith.addf %dot_general3A_21, %add3A_25 : vector<256x1024xf32>
    %swap3A_27 = arith.constant 0 : index
    %swap3A_28 = arith.constant 0 : index
    %swap3A_29 = arith.constant 0 : index
    %swap3A_30 = vector.load %arg10[%swap3A_27, %swap3A_28, %swap3A_29] : memref<1x256x1024xf32, #tpu.memory_space<vmem>>, vector<1x256x1024xf32>
    %swap3A_31 = vector.shape_cast %swap3A_30 : vector<1x256x1024xf32> to vector<256x1024xf32>
    %swap3A_32 = vector.shape_cast %add3A_26 : vector<256x1024xf32> to vector<1x256x1024xf32>
    tpu.vector_store %arg10[%swap3A_27, %swap3A_28, %swap3A_29], %swap3A_32 {strides = array<i32>} : memref<1x256x1024xf32, #tpu.memory_space<vmem>>, vector<1x256x1024xf32>,
    %get3A_33 = arith.constant 0 : index
    %get3A_34 = arith.constant 0 : index
    %get3A_35 = vector.load %arg7[%get3A_33, %get3A_34] : memref<1024x16xf32, #tpu.memory_space<vmem>>, vector<1024x16xf32>
    %dot_general3A_36 = arith.constant dense<0.000000e+00> : vector<256x16xf32>
    %dot_general3A_37 = tpu.matmul %get3A_3, %get3A_35, %dot_general3A_36 {dimension_numbers = #tpu.dot_dimension_numbers<[1], [0], [0], [1], [0, 0, 1, 1], [], []>, transpose_lhs_hint = false} : vector<256x1024xf32>, vector<1024x16xf32>, vector<256x16xf32> -> vector<256x16xf32>
    %get3A_38 = arith.constant 0 : index
    %get3A_39 = arith.constant 0 : index
    %get3A_40 = vector.load %arg8[%get3A_38, %get3A_39] : memref<1024x16xf32, #tpu.memory_space<vmem>>, vector<1024x16xf32>
    %dot_general3A_41 = arith.constant dense<0.000000e+00> : vector<256x16xf32>
    %dot_general3A_42 = tpu.matmul %get3A_3, %get3A_40, %dot_general3A_41 {dimension_numbers = #tpu.dot_dimension_numbers<[1], [0], [0], [1], [0, 0, 1, 1], [], []>, transpose_lhs_hint = false} : vector<256x1024xf32>, vector<1024x16xf32>, vector<256x16xf32> -> vector<256x16xf32>
    %add3A_43 = arith.constant 9.99999974E-5 : f32
    %add3A_44 = vector.broadcast %add3A_43 : f32 to vector<256x16xf32>
    %add3A_45 = arith.addf %dot_general3A_42, %add3A_44 : vector<256x16xf32>
    %div3A = arith.divf %dot_general3A_37, %add3A_45 : vector<256x16xf32>
    %transpose3A = tpu.transpose %div3A, [1, 0] : vector<256x16xf32> -> vector<16x256xf32>
    %swap3A_46 = arith.constant 0 : index
    %swap3A_47 = arith.constant 0 : index
    %swap3A_48 = vector.load %arg11[%swap3A_46, %swap3A_47] : memref<16x256xf32, #tpu.memory_space<vmem>>, vector<16x256xf32>
    tpu.vector_store %arg11[%swap3A_46, %swap3A_47], %transpose3A {strides = array<i32>} : memref<16x256xf32, #tpu.memory_space<vmem>>, vector<16x256xf32>,
    return
  }
  func.func @transform_0(%arg0: i32, %arg1: i32) -> (i32, i32, i32) {
    %c0_i32 = arith.constant 0 : i32
    %c0_i32_0 = arith.constant 0 : i32
    return %arg0, %arg1, %c0_i32 : i32, i32, i32
  }
  func.func @transform_1(%arg0: i32, %arg1: i32) -> (i32, i32) {
    %c0_i32 = arith.constant 0 : i32
    %c0_i32_0 = arith.constant 0 : i32
    %c0_i32_1 = arith.constant 0 : i32
    return %c0_i32, %c0_i32_0 : i32, i32
  }
  func.func @transform_2(%arg0: i32, %arg1: i32) -> (i32, i32) {
    %c0_i32 = arith.constant 0 : i32
    %c0_i32_0 = arith.constant 0 : i32
    %c0_i32_1 = arith.constant 0 : i32
    return %c0_i32, %c0_i32_0 : i32, i32
  }
  func.func @transform_3(%arg0: i32, %arg1: i32) -> (i32, i32) {
    %c0_i32 = arith.constant 0 : i32
    %c0_i32_0 = arith.constant 0 : i32
    %c0_i32_1 = arith.constant 0 : i32
    return %c0_i32, %c0_i32_0 : i32, i32
  }
  func.func @transform_4(%arg0: i32, %arg1: i32) -> (i32, i32) {
    %c0_i32 = arith.constant 0 : i32
    %c0_i32_0 = arith.constant 0 : i32
    %c0_i32_1 = arith.constant 0 : i32
    return %c0_i32, %c0_i32_0 : i32, i32
  }
  func.func @transform_5(%arg0: i32, %arg1: i32) -> (i32, i32) {
    %c0_i32 = arith.constant 0 : i32
    %c0_i32_0 = arith.constant 0 : i32
    %c0_i32_1 = arith.constant 0 : i32
    return %c0_i32, %c0_i32_0 : i32, i32
  }
  func.func @transform_6(%arg0: i32, %arg1: i32) -> (i32, i32) {
    %c0_i32 = arith.constant 0 : i32
    %c0_i32_0 = arith.constant 0 : i32
    %c0_i32_1 = arith.constant 0 : i32
    return %c0_i32, %c0_i32_0 : i32, i32
  }
  func.func @transform_7(%arg0: i32, %arg1: i32) -> (i32, i32, i32) {
    %c0_i32 = arith.constant 0 : i32
    %c0_i32_0 = arith.constant 0 : i32
    return %arg0, %arg1, %c0_i32 : i32, i32, i32
  }
  func.func @transform_8(%arg0: i32, %arg1: i32) -> (i32, i32, i32) {
    %c0_i32 = arith.constant 0 : i32
    %c0_i32_0 = arith.constant 0 : i32
    return %arg0, %arg1, %c0_i32 : i32, i32, i32
  }
  func.func @transform_9(%arg0: i32, %arg1: i32) -> (i32, i32) {
    %c0_i32 = arith.constant 0 : i32
    return %arg0, %arg1 : i32, i32
  }
}

module attributes {stable_mosaic.version = 14 : i64} {
  func.func @_rank_kernel(%arg0: i32, %arg1: memref<1x1x2048xf32, #tpu.memory_space<vmem>>, %arg2: memref<1x1x2048xi32, #tpu.memory_space<vmem>>) attributes {dimension_semantics = [#tpu.dimension_semantics<arbitrary>], iteration_bounds = array<i64: 32>, scalar_prefetch = 0 : i64, scratch_operands = 0 : i64, tpu.core_type = #tpu.core_type<tc>, window_params = [{transform_indices = @transform_0, window_bounds = array<i64: 1, 1, 2048>}, {transform_indices = @transform_1, window_bounds = array<i64: 1, 1, 2048>}]} {
    %get3A = arith.constant 0 : index
    %get3A_0 = arith.constant 0 : index
    %get3A_1 = arith.constant 0 : index
    %get3A_2 = vector.load %arg1[%get3A, %get3A_0, %get3A_1] : memref<1x1x2048xf32, #tpu.memory_space<vmem>>, vector<1x1x2048xf32>
    %get3A_3 = vector.shape_cast %get3A_2 : vector<1x1x2048xf32> to vector<1x2048xf32>
    %transpose3A = tpu.transpose %get3A_3, [1, 0] : vector<1x2048xf32> -> vector<2048x1xf32>
    %slice3A = vector.extract_strided_slice %get3A_3 {offsets = [0, 0], sizes = [1, 256], strides = [1, 1]} : vector<1x2048xf32> to vector<1x256xf32>
    %lt3A = vector.broadcast %transpose3A : vector<2048x1xf32> to vector<2048x256xf32>
    %lt3A_4 = vector.broadcast %slice3A : vector<1x256xf32> to vector<2048x256xf32>
    %lt3A_5 = arith.cmpf olt, %lt3A, %lt3A_4 : vector<2048x256xf32>
    %eq3A = vector.broadcast %transpose3A : vector<2048x1xf32> to vector<2048x256xf32>
    %eq3A_6 = vector.broadcast %slice3A : vector<1x256xf32> to vector<2048x256xf32>
    %eq3A_7 = arith.cmpf oeq, %eq3A, %eq3A_6 : vector<2048x256xf32>
    %iota3A = tpu.iota {dimensions = array<i32: 0>} : vector<2048x256xi32>
    %iota3A_8 = tpu.iota {dimensions = array<i32: 1>} : vector<2048x256xi32>
    %add3A = arith.constant 0 : i32
    %add3A_9 = vector.broadcast %add3A : i32 to vector<2048x256xi32>
    %add3A_10 = arith.addi %add3A_9, %iota3A_8 : vector<2048x256xi32>
    %lt3A_11 = arith.cmpi slt, %iota3A, %add3A_10 : vector<2048x256xi32>
    %and3A = arith.andi %eq3A_7, %lt3A_11 : vector<2048x256xi1>
    %or3A = arith.ori %lt3A_5, %and3A : vector<2048x256xi1>
    %convert_element_type3A = arith.extui %or3A : vector<2048x256xi1> to vector<2048x256xi32>
    %convert_element_type3A_12 = arith.sitofp %convert_element_type3A : vector<2048x256xi32> to vector<2048x256xf32>
    %reduce_sum3A = arith.constant dense<0.000000e+00> : vector<256xf32>
    %reduce_sum3A_13 = vector.multi_reduction <add>, %convert_element_type3A_12, %reduce_sum3A [0] : vector<2048x256xf32> to vector<256xf32>
    %broadcast_in_dim3A = vector.shape_cast %reduce_sum3A_13 : vector<256xf32> to vector<1x256xf32>
    %convert_element_type3A_14 = arith.fptosi %broadcast_in_dim3A : vector<1x256xf32> to vector<1x256xi32>
    %swap3A = arith.constant 0 : index
    %swap3A_15 = arith.constant 0 : index
    %swap3A_16 = arith.constant 0 : index
    %swap3A_17 = vector.load %arg2[%swap3A, %swap3A_15, %swap3A_16] : memref<1x1x2048xi32, #tpu.memory_space<vmem>>, vector<1x1x256xi32>
    %swap3A_18 = vector.shape_cast %swap3A_17 : vector<1x1x256xi32> to vector<1x256xi32>
    %swap3A_19 = vector.shape_cast %convert_element_type3A_14 : vector<1x256xi32> to vector<1x1x256xi32>
    tpu.vector_store %arg2[%swap3A, %swap3A_15, %swap3A_16], %swap3A_19 {strides = array<i32>} : memref<1x1x2048xi32, #tpu.memory_space<vmem>>, vector<1x1x256xi32>,
    %slice3A_20 = vector.extract_strided_slice %get3A_3 {offsets = [0, 256], sizes = [1, 256], strides = [1, 1]} : vector<1x2048xf32> to vector<1x256xf32>
    %lt3A_21 = vector.broadcast %transpose3A : vector<2048x1xf32> to vector<2048x256xf32>
    %lt3A_22 = vector.broadcast %slice3A_20 : vector<1x256xf32> to vector<2048x256xf32>
    %lt3A_23 = arith.cmpf olt, %lt3A_21, %lt3A_22 : vector<2048x256xf32>
    %eq3A_24 = vector.broadcast %transpose3A : vector<2048x1xf32> to vector<2048x256xf32>
    %eq3A_25 = vector.broadcast %slice3A_20 : vector<1x256xf32> to vector<2048x256xf32>
    %eq3A_26 = arith.cmpf oeq, %eq3A_24, %eq3A_25 : vector<2048x256xf32>
    %iota3A_27 = tpu.iota {dimensions = array<i32: 0>} : vector<2048x256xi32>
    %iota3A_28 = tpu.iota {dimensions = array<i32: 1>} : vector<2048x256xi32>
    %add3A_29 = arith.constant 256 : i32
    %add3A_30 = vector.broadcast %add3A_29 : i32 to vector<2048x256xi32>
    %add3A_31 = arith.addi %add3A_30, %iota3A_28 : vector<2048x256xi32>
    %lt3A_32 = arith.cmpi slt, %iota3A_27, %add3A_31 : vector<2048x256xi32>
    %and3A_33 = arith.andi %eq3A_26, %lt3A_32 : vector<2048x256xi1>
    %or3A_34 = arith.ori %lt3A_23, %and3A_33 : vector<2048x256xi1>
    %convert_element_type3A_35 = arith.extui %or3A_34 : vector<2048x256xi1> to vector<2048x256xi32>
    %convert_element_type3A_36 = arith.sitofp %convert_element_type3A_35 : vector<2048x256xi32> to vector<2048x256xf32>
    %reduce_sum3A_37 = arith.constant dense<0.000000e+00> : vector<256xf32>
    %reduce_sum3A_38 = vector.multi_reduction <add>, %convert_element_type3A_36, %reduce_sum3A_37 [0] : vector<2048x256xf32> to vector<256xf32>
    %broadcast_in_dim3A_39 = vector.shape_cast %reduce_sum3A_38 : vector<256xf32> to vector<1x256xf32>
    %convert_element_type3A_40 = arith.fptosi %broadcast_in_dim3A_39 : vector<1x256xf32> to vector<1x256xi32>
    %swap3A_41 = arith.constant 0 : index
    %swap3A_42 = arith.constant 0 : index
    %swap3A_43 = arith.constant 256 : index
    %swap3A_44 = vector.load %arg2[%swap3A_41, %swap3A_42, %swap3A_43] : memref<1x1x2048xi32, #tpu.memory_space<vmem>>, vector<1x1x256xi32>
    %swap3A_45 = vector.shape_cast %swap3A_44 : vector<1x1x256xi32> to vector<1x256xi32>
    %swap3A_46 = vector.shape_cast %convert_element_type3A_40 : vector<1x256xi32> to vector<1x1x256xi32>
    tpu.vector_store %arg2[%swap3A_41, %swap3A_42, %swap3A_43], %swap3A_46 {strides = array<i32>} : memref<1x1x2048xi32, #tpu.memory_space<vmem>>, vector<1x1x256xi32>,
    %slice3A_47 = vector.extract_strided_slice %get3A_3 {offsets = [0, 512], sizes = [1, 256], strides = [1, 1]} : vector<1x2048xf32> to vector<1x256xf32>
    %lt3A_48 = vector.broadcast %transpose3A : vector<2048x1xf32> to vector<2048x256xf32>
    %lt3A_49 = vector.broadcast %slice3A_47 : vector<1x256xf32> to vector<2048x256xf32>
    %lt3A_50 = arith.cmpf olt, %lt3A_48, %lt3A_49 : vector<2048x256xf32>
    %eq3A_51 = vector.broadcast %transpose3A : vector<2048x1xf32> to vector<2048x256xf32>
    %eq3A_52 = vector.broadcast %slice3A_47 : vector<1x256xf32> to vector<2048x256xf32>
    %eq3A_53 = arith.cmpf oeq, %eq3A_51, %eq3A_52 : vector<2048x256xf32>
    %iota3A_54 = tpu.iota {dimensions = array<i32: 0>} : vector<2048x256xi32>
    %iota3A_55 = tpu.iota {dimensions = array<i32: 1>} : vector<2048x256xi32>
    %add3A_56 = arith.constant 512 : i32
    %add3A_57 = vector.broadcast %add3A_56 : i32 to vector<2048x256xi32>
    %add3A_58 = arith.addi %add3A_57, %iota3A_55 : vector<2048x256xi32>
    %lt3A_59 = arith.cmpi slt, %iota3A_54, %add3A_58 : vector<2048x256xi32>
    %and3A_60 = arith.andi %eq3A_53, %lt3A_59 : vector<2048x256xi1>
    %or3A_61 = arith.ori %lt3A_50, %and3A_60 : vector<2048x256xi1>
    %convert_element_type3A_62 = arith.extui %or3A_61 : vector<2048x256xi1> to vector<2048x256xi32>
    %convert_element_type3A_63 = arith.sitofp %convert_element_type3A_62 : vector<2048x256xi32> to vector<2048x256xf32>
    %reduce_sum3A_64 = arith.constant dense<0.000000e+00> : vector<256xf32>
    %reduce_sum3A_65 = vector.multi_reduction <add>, %convert_element_type3A_63, %reduce_sum3A_64 [0] : vector<2048x256xf32> to vector<256xf32>
    %broadcast_in_dim3A_66 = vector.shape_cast %reduce_sum3A_65 : vector<256xf32> to vector<1x256xf32>
    %convert_element_type3A_67 = arith.fptosi %broadcast_in_dim3A_66 : vector<1x256xf32> to vector<1x256xi32>
    %swap3A_68 = arith.constant 0 : index
    %swap3A_69 = arith.constant 0 : index
    %swap3A_70 = arith.constant 512 : index
    %swap3A_71 = vector.load %arg2[%swap3A_68, %swap3A_69, %swap3A_70] : memref<1x1x2048xi32, #tpu.memory_space<vmem>>, vector<1x1x256xi32>
    %swap3A_72 = vector.shape_cast %swap3A_71 : vector<1x1x256xi32> to vector<1x256xi32>
    %swap3A_73 = vector.shape_cast %convert_element_type3A_67 : vector<1x256xi32> to vector<1x1x256xi32>
    tpu.vector_store %arg2[%swap3A_68, %swap3A_69, %swap3A_70], %swap3A_73 {strides = array<i32>} : memref<1x1x2048xi32, #tpu.memory_space<vmem>>, vector<1x1x256xi32>,
    %slice3A_74 = vector.extract_strided_slice %get3A_3 {offsets = [0, 768], sizes = [1, 256], strides = [1, 1]} : vector<1x2048xf32> to vector<1x256xf32>
    %lt3A_75 = vector.broadcast %transpose3A : vector<2048x1xf32> to vector<2048x256xf32>
    %lt3A_76 = vector.broadcast %slice3A_74 : vector<1x256xf32> to vector<2048x256xf32>
    %lt3A_77 = arith.cmpf olt, %lt3A_75, %lt3A_76 : vector<2048x256xf32>
    %eq3A_78 = vector.broadcast %transpose3A : vector<2048x1xf32> to vector<2048x256xf32>
    %eq3A_79 = vector.broadcast %slice3A_74 : vector<1x256xf32> to vector<2048x256xf32>
    %eq3A_80 = arith.cmpf oeq, %eq3A_78, %eq3A_79 : vector<2048x256xf32>
    %iota3A_81 = tpu.iota {dimensions = array<i32: 0>} : vector<2048x256xi32>
    %iota3A_82 = tpu.iota {dimensions = array<i32: 1>} : vector<2048x256xi32>
    %add3A_83 = arith.constant 768 : i32
    %add3A_84 = vector.broadcast %add3A_83 : i32 to vector<2048x256xi32>
    %add3A_85 = arith.addi %add3A_84, %iota3A_82 : vector<2048x256xi32>
    %lt3A_86 = arith.cmpi slt, %iota3A_81, %add3A_85 : vector<2048x256xi32>
    %and3A_87 = arith.andi %eq3A_80, %lt3A_86 : vector<2048x256xi1>
    %or3A_88 = arith.ori %lt3A_77, %and3A_87 : vector<2048x256xi1>
    %convert_element_type3A_89 = arith.extui %or3A_88 : vector<2048x256xi1> to vector<2048x256xi32>
    %convert_element_type3A_90 = arith.sitofp %convert_element_type3A_89 : vector<2048x256xi32> to vector<2048x256xf32>
    %reduce_sum3A_91 = arith.constant dense<0.000000e+00> : vector<256xf32>
    %reduce_sum3A_92 = vector.multi_reduction <add>, %convert_element_type3A_90, %reduce_sum3A_91 [0] : vector<2048x256xf32> to vector<256xf32>
    %broadcast_in_dim3A_93 = vector.shape_cast %reduce_sum3A_92 : vector<256xf32> to vector<1x256xf32>
    %convert_element_type3A_94 = arith.fptosi %broadcast_in_dim3A_93 : vector<1x256xf32> to vector<1x256xi32>
    %swap3A_95 = arith.constant 0 : index
    %swap3A_96 = arith.constant 0 : index
    %swap3A_97 = arith.constant 768 : index
    %swap3A_98 = vector.load %arg2[%swap3A_95, %swap3A_96, %swap3A_97] : memref<1x1x2048xi32, #tpu.memory_space<vmem>>, vector<1x1x256xi32>
    %swap3A_99 = vector.shape_cast %swap3A_98 : vector<1x1x256xi32> to vector<1x256xi32>
    %swap3A_100 = vector.shape_cast %convert_element_type3A_94 : vector<1x256xi32> to vector<1x1x256xi32>
    tpu.vector_store %arg2[%swap3A_95, %swap3A_96, %swap3A_97], %swap3A_100 {strides = array<i32>} : memref<1x1x2048xi32, #tpu.memory_space<vmem>>, vector<1x1x256xi32>,
    %slice3A_101 = vector.extract_strided_slice %get3A_3 {offsets = [0, 1024], sizes = [1, 256], strides = [1, 1]} : vector<1x2048xf32> to vector<1x256xf32>
    %lt3A_102 = vector.broadcast %transpose3A : vector<2048x1xf32> to vector<2048x256xf32>
    %lt3A_103 = vector.broadcast %slice3A_101 : vector<1x256xf32> to vector<2048x256xf32>
    %lt3A_104 = arith.cmpf olt, %lt3A_102, %lt3A_103 : vector<2048x256xf32>
    %eq3A_105 = vector.broadcast %transpose3A : vector<2048x1xf32> to vector<2048x256xf32>
    %eq3A_106 = vector.broadcast %slice3A_101 : vector<1x256xf32> to vector<2048x256xf32>
    %eq3A_107 = arith.cmpf oeq, %eq3A_105, %eq3A_106 : vector<2048x256xf32>
    %iota3A_108 = tpu.iota {dimensions = array<i32: 0>} : vector<2048x256xi32>
    %iota3A_109 = tpu.iota {dimensions = array<i32: 1>} : vector<2048x256xi32>
    %add3A_110 = arith.constant 1024 : i32
    %add3A_111 = vector.broadcast %add3A_110 : i32 to vector<2048x256xi32>
    %add3A_112 = arith.addi %add3A_111, %iota3A_109 : vector<2048x256xi32>
    %lt3A_113 = arith.cmpi slt, %iota3A_108, %add3A_112 : vector<2048x256xi32>
    %and3A_114 = arith.andi %eq3A_107, %lt3A_113 : vector<2048x256xi1>
    %or3A_115 = arith.ori %lt3A_104, %and3A_114 : vector<2048x256xi1>
    %convert_element_type3A_116 = arith.extui %or3A_115 : vector<2048x256xi1> to vector<2048x256xi32>
    %convert_element_type3A_117 = arith.sitofp %convert_element_type3A_116 : vector<2048x256xi32> to vector<2048x256xf32>
    %reduce_sum3A_118 = arith.constant dense<0.000000e+00> : vector<256xf32>
    %reduce_sum3A_119 = vector.multi_reduction <add>, %convert_element_type3A_117, %reduce_sum3A_118 [0] : vector<2048x256xf32> to vector<256xf32>
    %broadcast_in_dim3A_120 = vector.shape_cast %reduce_sum3A_119 : vector<256xf32> to vector<1x256xf32>
    %convert_element_type3A_121 = arith.fptosi %broadcast_in_dim3A_120 : vector<1x256xf32> to vector<1x256xi32>
    %swap3A_122 = arith.constant 0 : index
    %swap3A_123 = arith.constant 0 : index
    %swap3A_124 = arith.constant 1024 : index
    %swap3A_125 = vector.load %arg2[%swap3A_122, %swap3A_123, %swap3A_124] : memref<1x1x2048xi32, #tpu.memory_space<vmem>>, vector<1x1x256xi32>
    %swap3A_126 = vector.shape_cast %swap3A_125 : vector<1x1x256xi32> to vector<1x256xi32>
    %swap3A_127 = vector.shape_cast %convert_element_type3A_121 : vector<1x256xi32> to vector<1x1x256xi32>
    tpu.vector_store %arg2[%swap3A_122, %swap3A_123, %swap3A_124], %swap3A_127 {strides = array<i32>} : memref<1x1x2048xi32, #tpu.memory_space<vmem>>, vector<1x1x256xi32>,
    %slice3A_128 = vector.extract_strided_slice %get3A_3 {offsets = [0, 1280], sizes = [1, 256], strides = [1, 1]} : vector<1x2048xf32> to vector<1x256xf32>
    %lt3A_129 = vector.broadcast %transpose3A : vector<2048x1xf32> to vector<2048x256xf32>
    %lt3A_130 = vector.broadcast %slice3A_128 : vector<1x256xf32> to vector<2048x256xf32>
    %lt3A_131 = arith.cmpf olt, %lt3A_129, %lt3A_130 : vector<2048x256xf32>
    %eq3A_132 = vector.broadcast %transpose3A : vector<2048x1xf32> to vector<2048x256xf32>
    %eq3A_133 = vector.broadcast %slice3A_128 : vector<1x256xf32> to vector<2048x256xf32>
    %eq3A_134 = arith.cmpf oeq, %eq3A_132, %eq3A_133 : vector<2048x256xf32>
    %iota3A_135 = tpu.iota {dimensions = array<i32: 0>} : vector<2048x256xi32>
    %iota3A_136 = tpu.iota {dimensions = array<i32: 1>} : vector<2048x256xi32>
    %add3A_137 = arith.constant 1280 : i32
    %add3A_138 = vector.broadcast %add3A_137 : i32 to vector<2048x256xi32>
    %add3A_139 = arith.addi %add3A_138, %iota3A_136 : vector<2048x256xi32>
    %lt3A_140 = arith.cmpi slt, %iota3A_135, %add3A_139 : vector<2048x256xi32>
    %and3A_141 = arith.andi %eq3A_134, %lt3A_140 : vector<2048x256xi1>
    %or3A_142 = arith.ori %lt3A_131, %and3A_141 : vector<2048x256xi1>
    %convert_element_type3A_143 = arith.extui %or3A_142 : vector<2048x256xi1> to vector<2048x256xi32>
    %convert_element_type3A_144 = arith.sitofp %convert_element_type3A_143 : vector<2048x256xi32> to vector<2048x256xf32>
    %reduce_sum3A_145 = arith.constant dense<0.000000e+00> : vector<256xf32>
    %reduce_sum3A_146 = vector.multi_reduction <add>, %convert_element_type3A_144, %reduce_sum3A_145 [0] : vector<2048x256xf32> to vector<256xf32>
    %broadcast_in_dim3A_147 = vector.shape_cast %reduce_sum3A_146 : vector<256xf32> to vector<1x256xf32>
    %convert_element_type3A_148 = arith.fptosi %broadcast_in_dim3A_147 : vector<1x256xf32> to vector<1x256xi32>
    %swap3A_149 = arith.constant 0 : index
    %swap3A_150 = arith.constant 0 : index
    %swap3A_151 = arith.constant 1280 : index
    %swap3A_152 = vector.load %arg2[%swap3A_149, %swap3A_150, %swap3A_151] : memref<1x1x2048xi32, #tpu.memory_space<vmem>>, vector<1x1x256xi32>
    %swap3A_153 = vector.shape_cast %swap3A_152 : vector<1x1x256xi32> to vector<1x256xi32>
    %swap3A_154 = vector.shape_cast %convert_element_type3A_148 : vector<1x256xi32> to vector<1x1x256xi32>
    tpu.vector_store %arg2[%swap3A_149, %swap3A_150, %swap3A_151], %swap3A_154 {strides = array<i32>} : memref<1x1x2048xi32, #tpu.memory_space<vmem>>, vector<1x1x256xi32>,
    %slice3A_155 = vector.extract_strided_slice %get3A_3 {offsets = [0, 1536], sizes = [1, 256], strides = [1, 1]} : vector<1x2048xf32> to vector<1x256xf32>
    %lt3A_156 = vector.broadcast %transpose3A : vector<2048x1xf32> to vector<2048x256xf32>
    %lt3A_157 = vector.broadcast %slice3A_155 : vector<1x256xf32> to vector<2048x256xf32>
    %lt3A_158 = arith.cmpf olt, %lt3A_156, %lt3A_157 : vector<2048x256xf32>
    %eq3A_159 = vector.broadcast %transpose3A : vector<2048x1xf32> to vector<2048x256xf32>
    %eq3A_160 = vector.broadcast %slice3A_155 : vector<1x256xf32> to vector<2048x256xf32>
    %eq3A_161 = arith.cmpf oeq, %eq3A_159, %eq3A_160 : vector<2048x256xf32>
    %iota3A_162 = tpu.iota {dimensions = array<i32: 0>} : vector<2048x256xi32>
    %iota3A_163 = tpu.iota {dimensions = array<i32: 1>} : vector<2048x256xi32>
    %add3A_164 = arith.constant 1536 : i32
    %add3A_165 = vector.broadcast %add3A_164 : i32 to vector<2048x256xi32>
    %add3A_166 = arith.addi %add3A_165, %iota3A_163 : vector<2048x256xi32>
    %lt3A_167 = arith.cmpi slt, %iota3A_162, %add3A_166 : vector<2048x256xi32>
    %and3A_168 = arith.andi %eq3A_161, %lt3A_167 : vector<2048x256xi1>
    %or3A_169 = arith.ori %lt3A_158, %and3A_168 : vector<2048x256xi1>
    %convert_element_type3A_170 = arith.extui %or3A_169 : vector<2048x256xi1> to vector<2048x256xi32>
    %convert_element_type3A_171 = arith.sitofp %convert_element_type3A_170 : vector<2048x256xi32> to vector<2048x256xf32>
    %reduce_sum3A_172 = arith.constant dense<0.000000e+00> : vector<256xf32>
    %reduce_sum3A_173 = vector.multi_reduction <add>, %convert_element_type3A_171, %reduce_sum3A_172 [0] : vector<2048x256xf32> to vector<256xf32>
    %broadcast_in_dim3A_174 = vector.shape_cast %reduce_sum3A_173 : vector<256xf32> to vector<1x256xf32>
    %convert_element_type3A_175 = arith.fptosi %broadcast_in_dim3A_174 : vector<1x256xf32> to vector<1x256xi32>
    %swap3A_176 = arith.constant 0 : index
    %swap3A_177 = arith.constant 0 : index
    %swap3A_178 = arith.constant 1536 : index
    %swap3A_179 = vector.load %arg2[%swap3A_176, %swap3A_177, %swap3A_178] : memref<1x1x2048xi32, #tpu.memory_space<vmem>>, vector<1x1x256xi32>
    %swap3A_180 = vector.shape_cast %swap3A_179 : vector<1x1x256xi32> to vector<1x256xi32>
    %swap3A_181 = vector.shape_cast %convert_element_type3A_175 : vector<1x256xi32> to vector<1x1x256xi32>
    tpu.vector_store %arg2[%swap3A_176, %swap3A_177, %swap3A_178], %swap3A_181 {strides = array<i32>} : memref<1x1x2048xi32, #tpu.memory_space<vmem>>, vector<1x1x256xi32>,
    %slice3A_182 = vector.extract_strided_slice %get3A_3 {offsets = [0, 1792], sizes = [1, 256], strides = [1, 1]} : vector<1x2048xf32> to vector<1x256xf32>
    %lt3A_183 = vector.broadcast %transpose3A : vector<2048x1xf32> to vector<2048x256xf32>
    %lt3A_184 = vector.broadcast %slice3A_182 : vector<1x256xf32> to vector<2048x256xf32>
    %lt3A_185 = arith.cmpf olt, %lt3A_183, %lt3A_184 : vector<2048x256xf32>
    %eq3A_186 = vector.broadcast %transpose3A : vector<2048x1xf32> to vector<2048x256xf32>
    %eq3A_187 = vector.broadcast %slice3A_182 : vector<1x256xf32> to vector<2048x256xf32>
    %eq3A_188 = arith.cmpf oeq, %eq3A_186, %eq3A_187 : vector<2048x256xf32>
    %iota3A_189 = tpu.iota {dimensions = array<i32: 0>} : vector<2048x256xi32>
    %iota3A_190 = tpu.iota {dimensions = array<i32: 1>} : vector<2048x256xi32>
    %add3A_191 = arith.constant 1792 : i32
    %add3A_192 = vector.broadcast %add3A_191 : i32 to vector<2048x256xi32>
    %add3A_193 = arith.addi %add3A_192, %iota3A_190 : vector<2048x256xi32>
    %lt3A_194 = arith.cmpi slt, %iota3A_189, %add3A_193 : vector<2048x256xi32>
    %and3A_195 = arith.andi %eq3A_188, %lt3A_194 : vector<2048x256xi1>
    %or3A_196 = arith.ori %lt3A_185, %and3A_195 : vector<2048x256xi1>
    %convert_element_type3A_197 = arith.extui %or3A_196 : vector<2048x256xi1> to vector<2048x256xi32>
    %convert_element_type3A_198 = arith.sitofp %convert_element_type3A_197 : vector<2048x256xi32> to vector<2048x256xf32>
    %reduce_sum3A_199 = arith.constant dense<0.000000e+00> : vector<256xf32>
    %reduce_sum3A_200 = vector.multi_reduction <add>, %convert_element_type3A_198, %reduce_sum3A_199 [0] : vector<2048x256xf32> to vector<256xf32>
    %broadcast_in_dim3A_201 = vector.shape_cast %reduce_sum3A_200 : vector<256xf32> to vector<1x256xf32>
    %convert_element_type3A_202 = arith.fptosi %broadcast_in_dim3A_201 : vector<1x256xf32> to vector<1x256xi32>
    %swap3A_203 = arith.constant 0 : index
    %swap3A_204 = arith.constant 0 : index
    %swap3A_205 = arith.constant 1792 : index
    %swap3A_206 = vector.load %arg2[%swap3A_203, %swap3A_204, %swap3A_205] : memref<1x1x2048xi32, #tpu.memory_space<vmem>>, vector<1x1x256xi32>
    %swap3A_207 = vector.shape_cast %swap3A_206 : vector<1x1x256xi32> to vector<1x256xi32>
    %swap3A_208 = vector.shape_cast %convert_element_type3A_202 : vector<1x256xi32> to vector<1x1x256xi32>
    tpu.vector_store %arg2[%swap3A_203, %swap3A_204, %swap3A_205], %swap3A_208 {strides = array<i32>} : memref<1x1x2048xi32, #tpu.memory_space<vmem>>, vector<1x1x256xi32>,
    return
  }
  func.func @transform_0(%arg0: i32) -> (i32, i32, i32) {
    %c0_i32 = arith.constant 0 : i32
    %c0_i32_0 = arith.constant 0 : i32
    %c0_i32_1 = arith.constant 0 : i32
    return %arg0, %c0_i32, %c0_i32_0 : i32, i32, i32
  }
  func.func @transform_1(%arg0: i32) -> (i32, i32, i32) {
    %c0_i32 = arith.constant 0 : i32
    %c0_i32_0 = arith.constant 0 : i32
    %c0_i32_1 = arith.constant 0 : i32
    return %arg0, %c0_i32, %c0_i32_0 : i32, i32, i32
  }
}

module attributes {stable_mosaic.version = 14 : i64} {
  func.func @_attn_kernel(%arg0: i32, %arg1: memref<1x2048x128xf32, #tpu.memory_space<vmem>>, %arg2: memref<1x2048x64xf32, #tpu.memory_space<vmem>>, %arg3: memref<1x1x2048xf32, #tpu.memory_space<vmem>>) attributes {dimension_semantics = [#tpu.dimension_semantics<arbitrary>], iteration_bounds = array<i64: 32>, scalar_prefetch = 0 : i64, scratch_operands = 0 : i64, tpu.core_type = #tpu.core_type<tc>, window_params = [{transform_indices = @transform_0, window_bounds = array<i64: 1, 2048, 128>}, {transform_indices = @transform_1, window_bounds = array<i64: 1, 2048, 64>}, {transform_indices = @transform_2, window_bounds = array<i64: 1, 1, 2048>}]} {
    %iota3A = tpu.iota {dimensions = array<i32: 0>} : vector<64x128xi32>
    %iota3A_0 = tpu.iota {dimensions = array<i32: 1>} : vector<64x128xi32>
    %eq3A = arith.cmpi eq, %iota3A, %iota3A_0 : vector<64x128xi32>
    %get3A = arith.constant 0 : index
    %get3A_1 = arith.constant 0 : index
    %get3A_2 = arith.constant 0 : index
    %get3A_3 = vector.load %arg1[%get3A, %get3A_1, %get3A_2] : memref<1x2048x128xf32, #tpu.memory_space<vmem>>, vector<1x64x64xf32>
    %get3A_4 = vector.shape_cast %get3A_3 : vector<1x64x64xf32> to vector<64x64xf32>
    %get3A_5 = arith.constant 0 : index
    %get3A_6 = arith.constant 64 : index
    %get3A_7 = arith.constant 0 : index
    %get3A_8 = vector.load %arg1[%get3A_5, %get3A_6, %get3A_7] : memref<1x2048x128xf32, #tpu.memory_space<vmem>>, vector<1x64x64xf32>
    %get3A_9 = vector.shape_cast %get3A_8 : vector<1x64x64xf32> to vector<64x64xf32>
    %concatenate3A = tpu.concatenate %get3A_4, %get3A_9 in 0 : vector<64x64xf32>, vector<64x64xf32> -> vector<128x64xf32>
    %get3A_10 = arith.constant 0 : index
    %get3A_11 = arith.constant 0 : index
    %get3A_12 = arith.constant 64 : index
    %get3A_13 = vector.load %arg1[%get3A_10, %get3A_11, %get3A_12] : memref<1x2048x128xf32, #tpu.memory_space<vmem>>, vector<1x64x64xf32>
    %get3A_14 = vector.shape_cast %get3A_13 : vector<1x64x64xf32> to vector<64x64xf32>
    %get3A_15 = arith.constant 0 : index
    %get3A_16 = arith.constant 64 : index
    %get3A_17 = arith.constant 64 : index
    %get3A_18 = vector.load %arg1[%get3A_15, %get3A_16, %get3A_17] : memref<1x2048x128xf32, #tpu.memory_space<vmem>>, vector<1x64x64xf32>
    %get3A_19 = vector.shape_cast %get3A_18 : vector<1x64x64xf32> to vector<64x64xf32>
    %concatenate3A_20 = tpu.concatenate %get3A_14, %get3A_19 in 0 : vector<64x64xf32>, vector<64x64xf32> -> vector<128x64xf32>
    %dot_general3A = arith.constant dense<0.000000e+00> : vector<64x128xf32>
    %dot_general3A_21 = tpu.matmul %get3A_4, %concatenate3A, %dot_general3A {dimension_numbers = #tpu.dot_dimension_numbers<[1], [1], [0], [0], [0, 0, 1, 0], [], []>, transpose_lhs_hint = false} : vector<64x64xf32>, vector<128x64xf32>, vector<64x128xf32> -> vector<64x128xf32>
    %div3A = arith.constant 3.200000e+01 : f32
    %div3A_22 = vector.broadcast %div3A : f32 to vector<64x128xf32>
    %div3A_23 = arith.divf %dot_general3A_21, %div3A_22 : vector<64x128xf32>
    %jit3A = arith.constant 0xFF800000 : f32
    %broadcast_in_dim3A = vector.broadcast %jit3A : f32 to vector<64x128xf32>
    %select_n3A = arith.select %eq3A, %broadcast_in_dim3A, %div3A_23 : vector<64x128xi1>, vector<64x128xf32>
    %reduce_max3A = arith.constant dense<0xFF800000> : vector<64xf32>
    %reduce_max3A_24 = vector.multi_reduction <maximumf>, %select_n3A, %reduce_max3A [1] : vector<64x128xf32> to vector<64xf32>
    %broadcast_in_dim3A_25 = vector.shape_cast %reduce_max3A_24 : vector<64xf32> to vector<64x1xf32>
    %sub3A = vector.broadcast %broadcast_in_dim3A_25 : vector<64x1xf32> to vector<64x128xf32>
    %sub3A_26 = arith.subf %select_n3A, %sub3A : vector<64x128xf32>
    %exp3A = math.exp %sub3A_26 : vector<64x128xf32>
    %reduce_sum3A = arith.constant dense<0.000000e+00> : vector<64xf32>
    %reduce_sum3A_27 = vector.multi_reduction <add>, %exp3A, %reduce_sum3A [1] : vector<64x128xf32> to vector<64xf32>
    %broadcast_in_dim3A_28 = vector.shape_cast %reduce_sum3A_27 : vector<64xf32> to vector<64x1xf32>
    %div3A_29 = vector.broadcast %broadcast_in_dim3A_28 : vector<64x1xf32> to vector<64x128xf32>
    %div3A_30 = arith.divf %exp3A, %div3A_29 : vector<64x128xf32>
    %dot_general3A_31 = arith.constant dense<0.000000e+00> : vector<64x64xf32>
    %dot_general3A_32 = tpu.matmul %div3A_30, %concatenate3A_20, %dot_general3A_31 {dimension_numbers = #tpu.dot_dimension_numbers<[1], [0], [0], [1], [0, 0, 1, 1], [], []>, transpose_lhs_hint = false} : vector<64x128xf32>, vector<128x64xf32>, vector<64x64xf32> -> vector<64x64xf32>
    %swap3A = arith.constant 0 : index
    %swap3A_33 = arith.constant 0 : index
    %swap3A_34 = arith.constant 0 : index
    %swap3A_35 = vector.load %arg2[%swap3A, %swap3A_33, %swap3A_34] : memref<1x2048x64xf32, #tpu.memory_space<vmem>>, vector<1x64x64xf32>
    %swap3A_36 = vector.shape_cast %swap3A_35 : vector<1x64x64xf32> to vector<64x64xf32>
    %swap3A_37 = vector.shape_cast %dot_general3A_32 : vector<64x64xf32> to vector<1x64x64xf32>
    tpu.vector_store %arg2[%swap3A, %swap3A_33, %swap3A_34], %swap3A_37 {strides = array<i32>} : memref<1x2048x64xf32, #tpu.memory_space<vmem>>, vector<1x64x64xf32>,
    %slice3A = vector.extract_strided_slice %dot_general3A_32 {offsets = [0, 0], sizes = [64, 1], strides = [1, 1]} : vector<64x64xf32> to vector<64x1xf32>
    %transpose3A = tpu.transpose %slice3A, [1, 0] : vector<64x1xf32> -> vector<1x64xf32>
    %swap3A_38 = arith.constant 0 : index
    %swap3A_39 = arith.constant 0 : index
    %swap3A_40 = arith.constant 0 : index
    %swap3A_41 = vector.load %arg3[%swap3A_38, %swap3A_39, %swap3A_40] : memref<1x1x2048xf32, #tpu.memory_space<vmem>>, vector<1x1x64xf32>
    %swap3A_42 = vector.shape_cast %swap3A_41 : vector<1x1x64xf32> to vector<1x64xf32>
    %swap3A_43 = vector.shape_cast %transpose3A : vector<1x64xf32> to vector<1x1x64xf32>
    tpu.vector_store %arg3[%swap3A_38, %swap3A_39, %swap3A_40], %swap3A_43 {strides = array<i32>} : memref<1x1x2048xf32, #tpu.memory_space<vmem>>, vector<1x1x64xf32>,
    %get3A_44 = arith.constant 0 : index
    %get3A_45 = arith.constant 64 : index
    %get3A_46 = arith.constant 0 : index
    %get3A_47 = vector.load %arg1[%get3A_44, %get3A_45, %get3A_46] : memref<1x2048x128xf32, #tpu.memory_space<vmem>>, vector<1x64x64xf32>
    %get3A_48 = vector.shape_cast %get3A_47 : vector<1x64x64xf32> to vector<64x64xf32>
    %get3A_49 = arith.constant 0 : index
    %get3A_50 = arith.constant 128 : index
    %get3A_51 = arith.constant 0 : index
    %get3A_52 = vector.load %arg1[%get3A_49, %get3A_50, %get3A_51] : memref<1x2048x128xf32, #tpu.memory_space<vmem>>, vector<1x64x64xf32>
    %get3A_53 = vector.shape_cast %get3A_52 : vector<1x64x64xf32> to vector<64x64xf32>
    %concatenate3A_54 = tpu.concatenate %get3A_48, %get3A_53 in 0 : vector<64x64xf32>, vector<64x64xf32> -> vector<128x64xf32>
    %get3A_55 = arith.constant 0 : index
    %get3A_56 = arith.constant 64 : index
    %get3A_57 = arith.constant 64 : index
    %get3A_58 = vector.load %arg1[%get3A_55, %get3A_56, %get3A_57] : memref<1x2048x128xf32, #tpu.memory_space<vmem>>, vector<1x64x64xf32>
    %get3A_59 = vector.shape_cast %get3A_58 : vector<1x64x64xf32> to vector<64x64xf32>
    %get3A_60 = arith.constant 0 : index
    %get3A_61 = arith.constant 128 : index
    %get3A_62 = arith.constant 64 : index
    %get3A_63 = vector.load %arg1[%get3A_60, %get3A_61, %get3A_62] : memref<1x2048x128xf32, #tpu.memory_space<vmem>>, vector<1x64x64xf32>
    %get3A_64 = vector.shape_cast %get3A_63 : vector<1x64x64xf32> to vector<64x64xf32>
    %concatenate3A_65 = tpu.concatenate %get3A_59, %get3A_64 in 0 : vector<64x64xf32>, vector<64x64xf32> -> vector<128x64xf32>
    %dot_general3A_66 = arith.constant dense<0.000000e+00> : vector<64x128xf32>
    %dot_general3A_67 = tpu.matmul %get3A_48, %concatenate3A_54, %dot_general3A_66 {dimension_numbers = #tpu.dot_dimension_numbers<[1], [1], [0], [0], [0, 0, 1, 0], [], []>, transpose_lhs_hint = false} : vector<64x64xf32>, vector<128x64xf32>, vector<64x128xf32> -> vector<64x128xf32>
    %div3A_68 = arith.constant 3.200000e+01 : f32
    %div3A_69 = vector.broadcast %div3A_68 : f32 to vector<64x128xf32>
    %div3A_70 = arith.divf %dot_general3A_67, %div3A_69 : vector<64x128xf32>
    %jit3A_71 = arith.constant 0xFF800000 : f32
    %broadcast_in_dim3A_72 = vector.broadcast %jit3A_71 : f32 to vector<64x128xf32>
    %select_n3A_73 = arith.select %eq3A, %broadcast_in_dim3A_72, %div3A_70 : vector<64x128xi1>, vector<64x128xf32>
    %reduce_max3A_74 = arith.constant dense<0xFF800000> : vector<64xf32>
    %reduce_max3A_75 = vector.multi_reduction <maximumf>, %select_n3A_73, %reduce_max3A_74 [1] : vector<64x128xf32> to vector<64xf32>
    %broadcast_in_dim3A_76 = vector.shape_cast %reduce_max3A_75 : vector<64xf32> to vector<64x1xf32>
    %sub3A_77 = vector.broadcast %broadcast_in_dim3A_76 : vector<64x1xf32> to vector<64x128xf32>
    %sub3A_78 = arith.subf %select_n3A_73, %sub3A_77 : vector<64x128xf32>
    %exp3A_79 = math.exp %sub3A_78 : vector<64x128xf32>
    %reduce_sum3A_80 = arith.constant dense<0.000000e+00> : vector<64xf32>
    %reduce_sum3A_81 = vector.multi_reduction <add>, %exp3A_79, %reduce_sum3A_80 [1] : vector<64x128xf32> to vector<64xf32>
    %broadcast_in_dim3A_82 = vector.shape_cast %reduce_sum3A_81 : vector<64xf32> to vector<64x1xf32>
    %div3A_83 = vector.broadcast %broadcast_in_dim3A_82 : vector<64x1xf32> to vector<64x128xf32>
    %div3A_84 = arith.divf %exp3A_79, %div3A_83 : vector<64x128xf32>
    %dot_general3A_85 = arith.constant dense<0.000000e+00> : vector<64x64xf32>
    %dot_general3A_86 = tpu.matmul %div3A_84, %concatenate3A_65, %dot_general3A_85 {dimension_numbers = #tpu.dot_dimension_numbers<[1], [0], [0], [1], [0, 0, 1, 1], [], []>, transpose_lhs_hint = false} : vector<64x128xf32>, vector<128x64xf32>, vector<64x64xf32> -> vector<64x64xf32>
    %swap3A_87 = arith.constant 0 : index
    %swap3A_88 = arith.constant 64 : index
    %swap3A_89 = arith.constant 0 : index
    %swap3A_90 = vector.load %arg2[%swap3A_87, %swap3A_88, %swap3A_89] : memref<1x2048x64xf32, #tpu.memory_space<vmem>>, vector<1x64x64xf32>
    %swap3A_91 = vector.shape_cast %swap3A_90 : vector<1x64x64xf32> to vector<64x64xf32>
    %swap3A_92 = vector.shape_cast %dot_general3A_86 : vector<64x64xf32> to vector<1x64x64xf32>
    tpu.vector_store %arg2[%swap3A_87, %swap3A_88, %swap3A_89], %swap3A_92 {strides = array<i32>} : memref<1x2048x64xf32, #tpu.memory_space<vmem>>, vector<1x64x64xf32>,
    %slice3A_93 = vector.extract_strided_slice %dot_general3A_86 {offsets = [0, 0], sizes = [64, 1], strides = [1, 1]} : vector<64x64xf32> to vector<64x1xf32>
    %transpose3A_94 = tpu.transpose %slice3A_93, [1, 0] : vector<64x1xf32> -> vector<1x64xf32>
    %swap3A_95 = arith.constant 0 : index
    %swap3A_96 = arith.constant 0 : index
    %swap3A_97 = arith.constant 64 : index
    %swap3A_98 = vector.load %arg3[%swap3A_95, %swap3A_96, %swap3A_97] : memref<1x1x2048xf32, #tpu.memory_space<vmem>>, vector<1x1x64xf32>
    %swap3A_99 = vector.shape_cast %swap3A_98 : vector<1x1x64xf32> to vector<1x64xf32>
    %swap3A_100 = vector.shape_cast %transpose3A_94 : vector<1x64xf32> to vector<1x1x64xf32>
    tpu.vector_store %arg3[%swap3A_95, %swap3A_96, %swap3A_97], %swap3A_100 {strides = array<i32>} : memref<1x1x2048xf32, #tpu.memory_space<vmem>>, vector<1x1x64xf32>,
    %get3A_101 = arith.constant 0 : index
    %get3A_102 = arith.constant 128 : index
    %get3A_103 = arith.constant 0 : index
    %get3A_104 = vector.load %arg1[%get3A_101, %get3A_102, %get3A_103] : memref<1x2048x128xf32, #tpu.memory_space<vmem>>, vector<1x64x64xf32>
    %get3A_105 = vector.shape_cast %get3A_104 : vector<1x64x64xf32> to vector<64x64xf32>
    %get3A_106 = arith.constant 0 : index
    %get3A_107 = arith.constant 192 : index
    %get3A_108 = arith.constant 0 : index
    %get3A_109 = vector.load %arg1[%get3A_106, %get3A_107, %get3A_108] : memref<1x2048x128xf32, #tpu.memory_space<vmem>>, vector<1x64x64xf32>
    %get3A_110 = vector.shape_cast %get3A_109 : vector<1x64x64xf32> to vector<64x64xf32>
    %concatenate3A_111 = tpu.concatenate %get3A_105, %get3A_110 in 0 : vector<64x64xf32>, vector<64x64xf32> -> vector<128x64xf32>
    %get3A_112 = arith.constant 0 : index
    %get3A_113 = arith.constant 128 : index
    %get3A_114 = arith.constant 64 : index
    %get3A_115 = vector.load %arg1[%get3A_112, %get3A_113, %get3A_114] : memref<1x2048x128xf32, #tpu.memory_space<vmem>>, vector<1x64x64xf32>
    %get3A_116 = vector.shape_cast %get3A_115 : vector<1x64x64xf32> to vector<64x64xf32>
    %get3A_117 = arith.constant 0 : index
    %get3A_118 = arith.constant 192 : index
    %get3A_119 = arith.constant 64 : index
    %get3A_120 = vector.load %arg1[%get3A_117, %get3A_118, %get3A_119] : memref<1x2048x128xf32, #tpu.memory_space<vmem>>, vector<1x64x64xf32>
    %get3A_121 = vector.shape_cast %get3A_120 : vector<1x64x64xf32> to vector<64x64xf32>
    %concatenate3A_122 = tpu.concatenate %get3A_116, %get3A_121 in 0 : vector<64x64xf32>, vector<64x64xf32> -> vector<128x64xf32>
    %dot_general3A_123 = arith.constant dense<0.000000e+00> : vector<64x128xf32>
    %dot_general3A_124 = tpu.matmul %get3A_105, %concatenate3A_111, %dot_general3A_123 {dimension_numbers = #tpu.dot_dimension_numbers<[1], [1], [0], [0], [0, 0, 1, 0], [], []>, transpose_lhs_hint = false} : vector<64x64xf32>, vector<128x64xf32>, vector<64x128xf32> -> vector<64x128xf32>
    %div3A_125 = arith.constant 3.200000e+01 : f32
    %div3A_126 = vector.broadcast %div3A_125 : f32 to vector<64x128xf32>
    %div3A_127 = arith.divf %dot_general3A_124, %div3A_126 : vector<64x128xf32>
    %jit3A_128 = arith.constant 0xFF800000 : f32
    %broadcast_in_dim3A_129 = vector.broadcast %jit3A_128 : f32 to vector<64x128xf32>
    %select_n3A_130 = arith.select %eq3A, %broadcast_in_dim3A_129, %div3A_127 : vector<64x128xi1>, vector<64x128xf32>
    %reduce_max3A_131 = arith.constant dense<0xFF800000> : vector<64xf32>
    %reduce_max3A_132 = vector.multi_reduction <maximumf>, %select_n3A_130, %reduce_max3A_131 [1] : vector<64x128xf32> to vector<64xf32>
    %broadcast_in_dim3A_133 = vector.shape_cast %reduce_max3A_132 : vector<64xf32> to vector<64x1xf32>
    %sub3A_134 = vector.broadcast %broadcast_in_dim3A_133 : vector<64x1xf32> to vector<64x128xf32>
    %sub3A_135 = arith.subf %select_n3A_130, %sub3A_134 : vector<64x128xf32>
    %exp3A_136 = math.exp %sub3A_135 : vector<64x128xf32>
    %reduce_sum3A_137 = arith.constant dense<0.000000e+00> : vector<64xf32>
    %reduce_sum3A_138 = vector.multi_reduction <add>, %exp3A_136, %reduce_sum3A_137 [1] : vector<64x128xf32> to vector<64xf32>
    %broadcast_in_dim3A_139 = vector.shape_cast %reduce_sum3A_138 : vector<64xf32> to vector<64x1xf32>
    %div3A_140 = vector.broadcast %broadcast_in_dim3A_139 : vector<64x1xf32> to vector<64x128xf32>
    %div3A_141 = arith.divf %exp3A_136, %div3A_140 : vector<64x128xf32>
    %dot_general3A_142 = arith.constant dense<0.000000e+00> : vector<64x64xf32>
    %dot_general3A_143 = tpu.matmul %div3A_141, %concatenate3A_122, %dot_general3A_142 {dimension_numbers = #tpu.dot_dimension_numbers<[1], [0], [0], [1], [0, 0, 1, 1], [], []>, transpose_lhs_hint = false} : vector<64x128xf32>, vector<128x64xf32>, vector<64x64xf32> -> vector<64x64xf32>
    %swap3A_144 = arith.constant 0 : index
    %swap3A_145 = arith.constant 128 : index
    %swap3A_146 = arith.constant 0 : index
    %swap3A_147 = vector.load %arg2[%swap3A_144, %swap3A_145, %swap3A_146] : memref<1x2048x64xf32, #tpu.memory_space<vmem>>, vector<1x64x64xf32>
    %swap3A_148 = vector.shape_cast %swap3A_147 : vector<1x64x64xf32> to vector<64x64xf32>
    %swap3A_149 = vector.shape_cast %dot_general3A_143 : vector<64x64xf32> to vector<1x64x64xf32>
    tpu.vector_store %arg2[%swap3A_144, %swap3A_145, %swap3A_146], %swap3A_149 {strides = array<i32>} : memref<1x2048x64xf32, #tpu.memory_space<vmem>>, vector<1x64x64xf32>,
    %slice3A_150 = vector.extract_strided_slice %dot_general3A_143 {offsets = [0, 0], sizes = [64, 1], strides = [1, 1]} : vector<64x64xf32> to vector<64x1xf32>
    %transpose3A_151 = tpu.transpose %slice3A_150, [1, 0] : vector<64x1xf32> -> vector<1x64xf32>
    %swap3A_152 = arith.constant 0 : index
    %swap3A_153 = arith.constant 0 : index
    %swap3A_154 = arith.constant 128 : index
    %swap3A_155 = vector.load %arg3[%swap3A_152, %swap3A_153, %swap3A_154] : memref<1x1x2048xf32, #tpu.memory_space<vmem>>, vector<1x1x64xf32>
    %swap3A_156 = vector.shape_cast %swap3A_155 : vector<1x1x64xf32> to vector<1x64xf32>
    %swap3A_157 = vector.shape_cast %transpose3A_151 : vector<1x64xf32> to vector<1x1x64xf32>
    tpu.vector_store %arg3[%swap3A_152, %swap3A_153, %swap3A_154], %swap3A_157 {strides = array<i32>} : memref<1x1x2048xf32, #tpu.memory_space<vmem>>, vector<1x1x64xf32>,
    %get3A_158 = arith.constant 0 : index
    %get3A_159 = arith.constant 192 : index
    %get3A_160 = arith.constant 0 : index
    %get3A_161 = vector.load %arg1[%get3A_158, %get3A_159, %get3A_160] : memref<1x2048x128xf32, #tpu.memory_space<vmem>>, vector<1x64x64xf32>
    %get3A_162 = vector.shape_cast %get3A_161 : vector<1x64x64xf32> to vector<64x64xf32>
    %get3A_163 = arith.constant 0 : index
    %get3A_164 = arith.constant 256 : index
    %get3A_165 = arith.constant 0 : index
    %get3A_166 = vector.load %arg1[%get3A_163, %get3A_164, %get3A_165] : memref<1x2048x128xf32, #tpu.memory_space<vmem>>, vector<1x64x64xf32>
    %get3A_167 = vector.shape_cast %get3A_166 : vector<1x64x64xf32> to vector<64x64xf32>
    %concatenate3A_168 = tpu.concatenate %get3A_162, %get3A_167 in 0 : vector<64x64xf32>, vector<64x64xf32> -> vector<128x64xf32>
    %get3A_169 = arith.constant 0 : index
    %get3A_170 = arith.constant 192 : index
    %get3A_171 = arith.constant 64 : index
    %get3A_172 = vector.load %arg1[%get3A_169, %get3A_170, %get3A_171] : memref<1x2048x128xf32, #tpu.memory_space<vmem>>, vector<1x64x64xf32>
    %get3A_173 = vector.shape_cast %get3A_172 : vector<1x64x64xf32> to vector<64x64xf32>
    %get3A_174 = arith.constant 0 : index
    %get3A_175 = arith.constant 256 : index
    %get3A_176 = arith.constant 64 : index
    %get3A_177 = vector.load %arg1[%get3A_174, %get3A_175, %get3A_176] : memref<1x2048x128xf32, #tpu.memory_space<vmem>>, vector<1x64x64xf32>
    %get3A_178 = vector.shape_cast %get3A_177 : vector<1x64x64xf32> to vector<64x64xf32>
    %concatenate3A_179 = tpu.concatenate %get3A_173, %get3A_178 in 0 : vector<64x64xf32>, vector<64x64xf32> -> vector<128x64xf32>
    %dot_general3A_180 = arith.constant dense<0.000000e+00> : vector<64x128xf32>
    %dot_general3A_181 = tpu.matmul %get3A_162, %concatenate3A_168, %dot_general3A_180 {dimension_numbers = #tpu.dot_dimension_numbers<[1], [1], [0], [0], [0, 0, 1, 0], [], []>, transpose_lhs_hint = false} : vector<64x64xf32>, vector<128x64xf32>, vector<64x128xf32> -> vector<64x128xf32>
    %div3A_182 = arith.constant 3.200000e+01 : f32
    %div3A_183 = vector.broadcast %div3A_182 : f32 to vector<64x128xf32>
    %div3A_184 = arith.divf %dot_general3A_181, %div3A_183 : vector<64x128xf32>
    %jit3A_185 = arith.constant 0xFF800000 : f32
    %broadcast_in_dim3A_186 = vector.broadcast %jit3A_185 : f32 to vector<64x128xf32>
    %select_n3A_187 = arith.select %eq3A, %broadcast_in_dim3A_186, %div3A_184 : vector<64x128xi1>, vector<64x128xf32>
    %reduce_max3A_188 = arith.constant dense<0xFF800000> : vector<64xf32>
    %reduce_max3A_189 = vector.multi_reduction <maximumf>, %select_n3A_187, %reduce_max3A_188 [1] : vector<64x128xf32> to vector<64xf32>
    %broadcast_in_dim3A_190 = vector.shape_cast %reduce_max3A_189 : vector<64xf32> to vector<64x1xf32>
    %sub3A_191 = vector.broadcast %broadcast_in_dim3A_190 : vector<64x1xf32> to vector<64x128xf32>
    %sub3A_192 = arith.subf %select_n3A_187, %sub3A_191 : vector<64x128xf32>
    %exp3A_193 = math.exp %sub3A_192 : vector<64x128xf32>
    %reduce_sum3A_194 = arith.constant dense<0.000000e+00> : vector<64xf32>
    %reduce_sum3A_195 = vector.multi_reduction <add>, %exp3A_193, %reduce_sum3A_194 [1] : vector<64x128xf32> to vector<64xf32>
    %broadcast_in_dim3A_196 = vector.shape_cast %reduce_sum3A_195 : vector<64xf32> to vector<64x1xf32>
    %div3A_197 = vector.broadcast %broadcast_in_dim3A_196 : vector<64x1xf32> to vector<64x128xf32>
    %div3A_198 = arith.divf %exp3A_193, %div3A_197 : vector<64x128xf32>
    %dot_general3A_199 = arith.constant dense<0.000000e+00> : vector<64x64xf32>
    %dot_general3A_200 = tpu.matmul %div3A_198, %concatenate3A_179, %dot_general3A_199 {dimension_numbers = #tpu.dot_dimension_numbers<[1], [0], [0], [1], [0, 0, 1, 1], [], []>, transpose_lhs_hint = false} : vector<64x128xf32>, vector<128x64xf32>, vector<64x64xf32> -> vector<64x64xf32>
    %swap3A_201 = arith.constant 0 : index
    %swap3A_202 = arith.constant 192 : index
    %swap3A_203 = arith.constant 0 : index
    %swap3A_204 = vector.load %arg2[%swap3A_201, %swap3A_202, %swap3A_203] : memref<1x2048x64xf32, #tpu.memory_space<vmem>>, vector<1x64x64xf32>
    %swap3A_205 = vector.shape_cast %swap3A_204 : vector<1x64x64xf32> to vector<64x64xf32>
    %swap3A_206 = vector.shape_cast %dot_general3A_200 : vector<64x64xf32> to vector<1x64x64xf32>
    tpu.vector_store %arg2[%swap3A_201, %swap3A_202, %swap3A_203], %swap3A_206 {strides = array<i32>} : memref<1x2048x64xf32, #tpu.memory_space<vmem>>, vector<1x64x64xf32>,
    %slice3A_207 = vector.extract_strided_slice %dot_general3A_200 {offsets = [0, 0], sizes = [64, 1], strides = [1, 1]} : vector<64x64xf32> to vector<64x1xf32>
    %transpose3A_208 = tpu.transpose %slice3A_207, [1, 0] : vector<64x1xf32> -> vector<1x64xf32>
    %swap3A_209 = arith.constant 0 : index
    %swap3A_210 = arith.constant 0 : index
    %swap3A_211 = arith.constant 192 : index
    %swap3A_212 = vector.load %arg3[%swap3A_209, %swap3A_210, %swap3A_211] : memref<1x1x2048xf32, #tpu.memory_space<vmem>>, vector<1x1x64xf32>
    %swap3A_213 = vector.shape_cast %swap3A_212 : vector<1x1x64xf32> to vector<1x64xf32>
    %swap3A_214 = vector.shape_cast %transpose3A_208 : vector<1x64xf32> to vector<1x1x64xf32>
    tpu.vector_store %arg3[%swap3A_209, %swap3A_210, %swap3A_211], %swap3A_214 {strides = array<i32>} : memref<1x1x2048xf32, #tpu.memory_space<vmem>>, vector<1x1x64xf32>,
    %get3A_215 = arith.constant 0 : index
    %get3A_216 = arith.constant 256 : index
    %get3A_217 = arith.constant 0 : index
    %get3A_218 = vector.load %arg1[%get3A_215, %get3A_216, %get3A_217] : memref<1x2048x128xf32, #tpu.memory_space<vmem>>, vector<1x64x64xf32>
    %get3A_219 = vector.shape_cast %get3A_218 : vector<1x64x64xf32> to vector<64x64xf32>
    %get3A_220 = arith.constant 0 : index
    %get3A_221 = arith.constant 320 : index
    %get3A_222 = arith.constant 0 : index
    %get3A_223 = vector.load %arg1[%get3A_220, %get3A_221, %get3A_222] : memref<1x2048x128xf32, #tpu.memory_space<vmem>>, vector<1x64x64xf32>
    %get3A_224 = vector.shape_cast %get3A_223 : vector<1x64x64xf32> to vector<64x64xf32>
    %concatenate3A_225 = tpu.concatenate %get3A_219, %get3A_224 in 0 : vector<64x64xf32>, vector<64x64xf32> -> vector<128x64xf32>
    %get3A_226 = arith.constant 0 : index
    %get3A_227 = arith.constant 256 : index
    %get3A_228 = arith.constant 64 : index
    %get3A_229 = vector.load %arg1[%get3A_226, %get3A_227, %get3A_228] : memref<1x2048x128xf32, #tpu.memory_space<vmem>>, vector<1x64x64xf32>
    %get3A_230 = vector.shape_cast %get3A_229 : vector<1x64x64xf32> to vector<64x64xf32>
    %get3A_231 = arith.constant 0 : index
    %get3A_232 = arith.constant 320 : index
    %get3A_233 = arith.constant 64 : index
    %get3A_234 = vector.load %arg1[%get3A_231, %get3A_232, %get3A_233] : memref<1x2048x128xf32, #tpu.memory_space<vmem>>, vector<1x64x64xf32>
    %get3A_235 = vector.shape_cast %get3A_234 : vector<1x64x64xf32> to vector<64x64xf32>
    %concatenate3A_236 = tpu.concatenate %get3A_230, %get3A_235 in 0 : vector<64x64xf32>, vector<64x64xf32> -> vector<128x64xf32>
    %dot_general3A_237 = arith.constant dense<0.000000e+00> : vector<64x128xf32>
    %dot_general3A_238 = tpu.matmul %get3A_219, %concatenate3A_225, %dot_general3A_237 {dimension_numbers = #tpu.dot_dimension_numbers<[1], [1], [0], [0], [0, 0, 1, 0], [], []>, transpose_lhs_hint = false} : vector<64x64xf32>, vector<128x64xf32>, vector<64x128xf32> -> vector<64x128xf32>
    %div3A_239 = arith.constant 3.200000e+01 : f32
    %div3A_240 = vector.broadcast %div3A_239 : f32 to vector<64x128xf32>
    %div3A_241 = arith.divf %dot_general3A_238, %div3A_240 : vector<64x128xf32>
    %jit3A_242 = arith.constant 0xFF800000 : f32
    %broadcast_in_dim3A_243 = vector.broadcast %jit3A_242 : f32 to vector<64x128xf32>
    %select_n3A_244 = arith.select %eq3A, %broadcast_in_dim3A_243, %div3A_241 : vector<64x128xi1>, vector<64x128xf32>
    %reduce_max3A_245 = arith.constant dense<0xFF800000> : vector<64xf32>
    %reduce_max3A_246 = vector.multi_reduction <maximumf>, %select_n3A_244, %reduce_max3A_245 [1] : vector<64x128xf32> to vector<64xf32>
    %broadcast_in_dim3A_247 = vector.shape_cast %reduce_max3A_246 : vector<64xf32> to vector<64x1xf32>
    %sub3A_248 = vector.broadcast %broadcast_in_dim3A_247 : vector<64x1xf32> to vector<64x128xf32>
    %sub3A_249 = arith.subf %select_n3A_244, %sub3A_248 : vector<64x128xf32>
    %exp3A_250 = math.exp %sub3A_249 : vector<64x128xf32>
    %reduce_sum3A_251 = arith.constant dense<0.000000e+00> : vector<64xf32>
    %reduce_sum3A_252 = vector.multi_reduction <add>, %exp3A_250, %reduce_sum3A_251 [1] : vector<64x128xf32> to vector<64xf32>
    %broadcast_in_dim3A_253 = vector.shape_cast %reduce_sum3A_252 : vector<64xf32> to vector<64x1xf32>
    %div3A_254 = vector.broadcast %broadcast_in_dim3A_253 : vector<64x1xf32> to vector<64x128xf32>
    %div3A_255 = arith.divf %exp3A_250, %div3A_254 : vector<64x128xf32>
    %dot_general3A_256 = arith.constant dense<0.000000e+00> : vector<64x64xf32>
    %dot_general3A_257 = tpu.matmul %div3A_255, %concatenate3A_236, %dot_general3A_256 {dimension_numbers = #tpu.dot_dimension_numbers<[1], [0], [0], [1], [0, 0, 1, 1], [], []>, transpose_lhs_hint = false} : vector<64x128xf32>, vector<128x64xf32>, vector<64x64xf32> -> vector<64x64xf32>
    %swap3A_258 = arith.constant 0 : index
    %swap3A_259 = arith.constant 256 : index
    %swap3A_260 = arith.constant 0 : index
    %swap3A_261 = vector.load %arg2[%swap3A_258, %swap3A_259, %swap3A_260] : memref<1x2048x64xf32, #tpu.memory_space<vmem>>, vector<1x64x64xf32>
    %swap3A_262 = vector.shape_cast %swap3A_261 : vector<1x64x64xf32> to vector<64x64xf32>
    %swap3A_263 = vector.shape_cast %dot_general3A_257 : vector<64x64xf32> to vector<1x64x64xf32>
    tpu.vector_store %arg2[%swap3A_258, %swap3A_259, %swap3A_260], %swap3A_263 {strides = array<i32>} : memref<1x2048x64xf32, #tpu.memory_space<vmem>>, vector<1x64x64xf32>,
    %slice3A_264 = vector.extract_strided_slice %dot_general3A_257 {offsets = [0, 0], sizes = [64, 1], strides = [1, 1]} : vector<64x64xf32> to vector<64x1xf32>
    %transpose3A_265 = tpu.transpose %slice3A_264, [1, 0] : vector<64x1xf32> -> vector<1x64xf32>
    %swap3A_266 = arith.constant 0 : index
    %swap3A_267 = arith.constant 0 : index
    %swap3A_268 = arith.constant 256 : index
    %swap3A_269 = vector.load %arg3[%swap3A_266, %swap3A_267, %swap3A_268] : memref<1x1x2048xf32, #tpu.memory_space<vmem>>, vector<1x1x64xf32>
    %swap3A_270 = vector.shape_cast %swap3A_269 : vector<1x1x64xf32> to vector<1x64xf32>
    %swap3A_271 = vector.shape_cast %transpose3A_265 : vector<1x64xf32> to vector<1x1x64xf32>
    tpu.vector_store %arg3[%swap3A_266, %swap3A_267, %swap3A_268], %swap3A_271 {strides = array<i32>} : memref<1x1x2048xf32, #tpu.memory_space<vmem>>, vector<1x1x64xf32>,
    %get3A_272 = arith.constant 0 : index
    %get3A_273 = arith.constant 320 : index
    %get3A_274 = arith.constant 0 : index
    %get3A_275 = vector.load %arg1[%get3A_272, %get3A_273, %get3A_274] : memref<1x2048x128xf32, #tpu.memory_space<vmem>>, vector<1x64x64xf32>
    %get3A_276 = vector.shape_cast %get3A_275 : vector<1x64x64xf32> to vector<64x64xf32>
    %get3A_277 = arith.constant 0 : index
    %get3A_278 = arith.constant 384 : index
    %get3A_279 = arith.constant 0 : index
    %get3A_280 = vector.load %arg1[%get3A_277, %get3A_278, %get3A_279] : memref<1x2048x128xf32, #tpu.memory_space<vmem>>, vector<1x64x64xf32>
    %get3A_281 = vector.shape_cast %get3A_280 : vector<1x64x64xf32> to vector<64x64xf32>
    %concatenate3A_282 = tpu.concatenate %get3A_276, %get3A_281 in 0 : vector<64x64xf32>, vector<64x64xf32> -> vector<128x64xf32>
    %get3A_283 = arith.constant 0 : index
    %get3A_284 = arith.constant 320 : index
    %get3A_285 = arith.constant 64 : index
    %get3A_286 = vector.load %arg1[%get3A_283, %get3A_284, %get3A_285] : memref<1x2048x128xf32, #tpu.memory_space<vmem>>, vector<1x64x64xf32>
    %get3A_287 = vector.shape_cast %get3A_286 : vector<1x64x64xf32> to vector<64x64xf32>
    %get3A_288 = arith.constant 0 : index
    %get3A_289 = arith.constant 384 : index
    %get3A_290 = arith.constant 64 : index
    %get3A_291 = vector.load %arg1[%get3A_288, %get3A_289, %get3A_290] : memref<1x2048x128xf32, #tpu.memory_space<vmem>>, vector<1x64x64xf32>
    %get3A_292 = vector.shape_cast %get3A_291 : vector<1x64x64xf32> to vector<64x64xf32>
    %concatenate3A_293 = tpu.concatenate %get3A_287, %get3A_292 in 0 : vector<64x64xf32>, vector<64x64xf32> -> vector<128x64xf32>
    %dot_general3A_294 = arith.constant dense<0.000000e+00> : vector<64x128xf32>
    %dot_general3A_295 = tpu.matmul %get3A_276, %concatenate3A_282, %dot_general3A_294 {dimension_numbers = #tpu.dot_dimension_numbers<[1], [1], [0], [0], [0, 0, 1, 0], [], []>, transpose_lhs_hint = false} : vector<64x64xf32>, vector<128x64xf32>, vector<64x128xf32> -> vector<64x128xf32>
    %div3A_296 = arith.constant 3.200000e+01 : f32
    %div3A_297 = vector.broadcast %div3A_296 : f32 to vector<64x128xf32>
    %div3A_298 = arith.divf %dot_general3A_295, %div3A_297 : vector<64x128xf32>
    %jit3A_299 = arith.constant 0xFF800000 : f32
    %broadcast_in_dim3A_300 = vector.broadcast %jit3A_299 : f32 to vector<64x128xf32>
    %select_n3A_301 = arith.select %eq3A, %broadcast_in_dim3A_300, %div3A_298 : vector<64x128xi1>, vector<64x128xf32>
    %reduce_max3A_302 = arith.constant dense<0xFF800000> : vector<64xf32>
    %reduce_max3A_303 = vector.multi_reduction <maximumf>, %select_n3A_301, %reduce_max3A_302 [1] : vector<64x128xf32> to vector<64xf32>
    %broadcast_in_dim3A_304 = vector.shape_cast %reduce_max3A_303 : vector<64xf32> to vector<64x1xf32>
    %sub3A_305 = vector.broadcast %broadcast_in_dim3A_304 : vector<64x1xf32> to vector<64x128xf32>
    %sub3A_306 = arith.subf %select_n3A_301, %sub3A_305 : vector<64x128xf32>
    %exp3A_307 = math.exp %sub3A_306 : vector<64x128xf32>
    %reduce_sum3A_308 = arith.constant dense<0.000000e+00> : vector<64xf32>
    %reduce_sum3A_309 = vector.multi_reduction <add>, %exp3A_307, %reduce_sum3A_308 [1] : vector<64x128xf32> to vector<64xf32>
    %broadcast_in_dim3A_310 = vector.shape_cast %reduce_sum3A_309 : vector<64xf32> to vector<64x1xf32>
    %div3A_311 = vector.broadcast %broadcast_in_dim3A_310 : vector<64x1xf32> to vector<64x128xf32>
    %div3A_312 = arith.divf %exp3A_307, %div3A_311 : vector<64x128xf32>
    %dot_general3A_313 = arith.constant dense<0.000000e+00> : vector<64x64xf32>
    %dot_general3A_314 = tpu.matmul %div3A_312, %concatenate3A_293, %dot_general3A_313 {dimension_numbers = #tpu.dot_dimension_numbers<[1], [0], [0], [1], [0, 0, 1, 1], [], []>, transpose_lhs_hint = false} : vector<64x128xf32>, vector<128x64xf32>, vector<64x64xf32> -> vector<64x64xf32>
    %swap3A_315 = arith.constant 0 : index
    %swap3A_316 = arith.constant 320 : index
    %swap3A_317 = arith.constant 0 : index
    %swap3A_318 = vector.load %arg2[%swap3A_315, %swap3A_316, %swap3A_317] : memref<1x2048x64xf32, #tpu.memory_space<vmem>>, vector<1x64x64xf32>
    %swap3A_319 = vector.shape_cast %swap3A_318 : vector<1x64x64xf32> to vector<64x64xf32>
    %swap3A_320 = vector.shape_cast %dot_general3A_314 : vector<64x64xf32> to vector<1x64x64xf32>
    tpu.vector_store %arg2[%swap3A_315, %swap3A_316, %swap3A_317], %swap3A_320 {strides = array<i32>} : memref<1x2048x64xf32, #tpu.memory_space<vmem>>, vector<1x64x64xf32>,
    %slice3A_321 = vector.extract_strided_slice %dot_general3A_314 {offsets = [0, 0], sizes = [64, 1], strides = [1, 1]} : vector<64x64xf32> to vector<64x1xf32>
    %transpose3A_322 = tpu.transpose %slice3A_321, [1, 0] : vector<64x1xf32> -> vector<1x64xf32>
    %swap3A_323 = arith.constant 0 : index
    %swap3A_324 = arith.constant 0 : index
    %swap3A_325 = arith.constant 320 : index
    %swap3A_326 = vector.load %arg3[%swap3A_323, %swap3A_324, %swap3A_325] : memref<1x1x2048xf32, #tpu.memory_space<vmem>>, vector<1x1x64xf32>
    %swap3A_327 = vector.shape_cast %swap3A_326 : vector<1x1x64xf32> to vector<1x64xf32>
    %swap3A_328 = vector.shape_cast %transpose3A_322 : vector<1x64xf32> to vector<1x1x64xf32>
    tpu.vector_store %arg3[%swap3A_323, %swap3A_324, %swap3A_325], %swap3A_328 {strides = array<i32>} : memref<1x1x2048xf32, #tpu.memory_space<vmem>>, vector<1x1x64xf32>,
    %get3A_329 = arith.constant 0 : index
    %get3A_330 = arith.constant 384 : index
    %get3A_331 = arith.constant 0 : index
    %get3A_332 = vector.load %arg1[%get3A_329, %get3A_330, %get3A_331] : memref<1x2048x128xf32, #tpu.memory_space<vmem>>, vector<1x64x64xf32>
    %get3A_333 = vector.shape_cast %get3A_332 : vector<1x64x64xf32> to vector<64x64xf32>
    %get3A_334 = arith.constant 0 : index
    %get3A_335 = arith.constant 448 : index
    %get3A_336 = arith.constant 0 : index
    %get3A_337 = vector.load %arg1[%get3A_334, %get3A_335, %get3A_336] : memref<1x2048x128xf32, #tpu.memory_space<vmem>>, vector<1x64x64xf32>
    %get3A_338 = vector.shape_cast %get3A_337 : vector<1x64x64xf32> to vector<64x64xf32>
    %concatenate3A_339 = tpu.concatenate %get3A_333, %get3A_338 in 0 : vector<64x64xf32>, vector<64x64xf32> -> vector<128x64xf32>
    %get3A_340 = arith.constant 0 : index
    %get3A_341 = arith.constant 384 : index
    %get3A_342 = arith.constant 64 : index
    %get3A_343 = vector.load %arg1[%get3A_340, %get3A_341, %get3A_342] : memref<1x2048x128xf32, #tpu.memory_space<vmem>>, vector<1x64x64xf32>
    %get3A_344 = vector.shape_cast %get3A_343 : vector<1x64x64xf32> to vector<64x64xf32>
    %get3A_345 = arith.constant 0 : index
    %get3A_346 = arith.constant 448 : index
    %get3A_347 = arith.constant 64 : index
    %get3A_348 = vector.load %arg1[%get3A_345, %get3A_346, %get3A_347] : memref<1x2048x128xf32, #tpu.memory_space<vmem>>, vector<1x64x64xf32>
    %get3A_349 = vector.shape_cast %get3A_348 : vector<1x64x64xf32> to vector<64x64xf32>
    %concatenate3A_350 = tpu.concatenate %get3A_344, %get3A_349 in 0 : vector<64x64xf32>, vector<64x64xf32> -> vector<128x64xf32>
    %dot_general3A_351 = arith.constant dense<0.000000e+00> : vector<64x128xf32>
    %dot_general3A_352 = tpu.matmul %get3A_333, %concatenate3A_339, %dot_general3A_351 {dimension_numbers = #tpu.dot_dimension_numbers<[1], [1], [0], [0], [0, 0, 1, 0], [], []>, transpose_lhs_hint = false} : vector<64x64xf32>, vector<128x64xf32>, vector<64x128xf32> -> vector<64x128xf32>
    %div3A_353 = arith.constant 3.200000e+01 : f32
    %div3A_354 = vector.broadcast %div3A_353 : f32 to vector<64x128xf32>
    %div3A_355 = arith.divf %dot_general3A_352, %div3A_354 : vector<64x128xf32>
    %jit3A_356 = arith.constant 0xFF800000 : f32
    %broadcast_in_dim3A_357 = vector.broadcast %jit3A_356 : f32 to vector<64x128xf32>
    %select_n3A_358 = arith.select %eq3A, %broadcast_in_dim3A_357, %div3A_355 : vector<64x128xi1>, vector<64x128xf32>
    %reduce_max3A_359 = arith.constant dense<0xFF800000> : vector<64xf32>
    %reduce_max3A_360 = vector.multi_reduction <maximumf>, %select_n3A_358, %reduce_max3A_359 [1] : vector<64x128xf32> to vector<64xf32>
    %broadcast_in_dim3A_361 = vector.shape_cast %reduce_max3A_360 : vector<64xf32> to vector<64x1xf32>
    %sub3A_362 = vector.broadcast %broadcast_in_dim3A_361 : vector<64x1xf32> to vector<64x128xf32>
    %sub3A_363 = arith.subf %select_n3A_358, %sub3A_362 : vector<64x128xf32>
    %exp3A_364 = math.exp %sub3A_363 : vector<64x128xf32>
    %reduce_sum3A_365 = arith.constant dense<0.000000e+00> : vector<64xf32>
    %reduce_sum3A_366 = vector.multi_reduction <add>, %exp3A_364, %reduce_sum3A_365 [1] : vector<64x128xf32> to vector<64xf32>
    %broadcast_in_dim3A_367 = vector.shape_cast %reduce_sum3A_366 : vector<64xf32> to vector<64x1xf32>
    %div3A_368 = vector.broadcast %broadcast_in_dim3A_367 : vector<64x1xf32> to vector<64x128xf32>
    %div3A_369 = arith.divf %exp3A_364, %div3A_368 : vector<64x128xf32>
    %dot_general3A_370 = arith.constant dense<0.000000e+00> : vector<64x64xf32>
    %dot_general3A_371 = tpu.matmul %div3A_369, %concatenate3A_350, %dot_general3A_370 {dimension_numbers = #tpu.dot_dimension_numbers<[1], [0], [0], [1], [0, 0, 1, 1], [], []>, transpose_lhs_hint = false} : vector<64x128xf32>, vector<128x64xf32>, vector<64x64xf32> -> vector<64x64xf32>
    %swap3A_372 = arith.constant 0 : index
    %swap3A_373 = arith.constant 384 : index
    %swap3A_374 = arith.constant 0 : index
    %swap3A_375 = vector.load %arg2[%swap3A_372, %swap3A_373, %swap3A_374] : memref<1x2048x64xf32, #tpu.memory_space<vmem>>, vector<1x64x64xf32>
    %swap3A_376 = vector.shape_cast %swap3A_375 : vector<1x64x64xf32> to vector<64x64xf32>
    %swap3A_377 = vector.shape_cast %dot_general3A_371 : vector<64x64xf32> to vector<1x64x64xf32>
    tpu.vector_store %arg2[%swap3A_372, %swap3A_373, %swap3A_374], %swap3A_377 {strides = array<i32>} : memref<1x2048x64xf32, #tpu.memory_space<vmem>>, vector<1x64x64xf32>,
    %slice3A_378 = vector.extract_strided_slice %dot_general3A_371 {offsets = [0, 0], sizes = [64, 1], strides = [1, 1]} : vector<64x64xf32> to vector<64x1xf32>
    %transpose3A_379 = tpu.transpose %slice3A_378, [1, 0] : vector<64x1xf32> -> vector<1x64xf32>
    %swap3A_380 = arith.constant 0 : index
    %swap3A_381 = arith.constant 0 : index
    %swap3A_382 = arith.constant 384 : index
    %swap3A_383 = vector.load %arg3[%swap3A_380, %swap3A_381, %swap3A_382] : memref<1x1x2048xf32, #tpu.memory_space<vmem>>, vector<1x1x64xf32>
    %swap3A_384 = vector.shape_cast %swap3A_383 : vector<1x1x64xf32> to vector<1x64xf32>
    %swap3A_385 = vector.shape_cast %transpose3A_379 : vector<1x64xf32> to vector<1x1x64xf32>
    tpu.vector_store %arg3[%swap3A_380, %swap3A_381, %swap3A_382], %swap3A_385 {strides = array<i32>} : memref<1x1x2048xf32, #tpu.memory_space<vmem>>, vector<1x1x64xf32>,
    %get3A_386 = arith.constant 0 : index
    %get3A_387 = arith.constant 448 : index
    %get3A_388 = arith.constant 0 : index
    %get3A_389 = vector.load %arg1[%get3A_386, %get3A_387, %get3A_388] : memref<1x2048x128xf32, #tpu.memory_space<vmem>>, vector<1x64x64xf32>
    %get3A_390 = vector.shape_cast %get3A_389 : vector<1x64x64xf32> to vector<64x64xf32>
    %get3A_391 = arith.constant 0 : index
    %get3A_392 = arith.constant 512 : index
    %get3A_393 = arith.constant 0 : index
    %get3A_394 = vector.load %arg1[%get3A_391, %get3A_392, %get3A_393] : memref<1x2048x128xf32, #tpu.memory_space<vmem>>, vector<1x64x64xf32>
    %get3A_395 = vector.shape_cast %get3A_394 : vector<1x64x64xf32> to vector<64x64xf32>
    %concatenate3A_396 = tpu.concatenate %get3A_390, %get3A_395 in 0 : vector<64x64xf32>, vector<64x64xf32> -> vector<128x64xf32>
    %get3A_397 = arith.constant 0 : index
    %get3A_398 = arith.constant 448 : index
    %get3A_399 = arith.constant 64 : index
    %get3A_400 = vector.load %arg1[%get3A_397, %get3A_398, %get3A_399] : memref<1x2048x128xf32, #tpu.memory_space<vmem>>, vector<1x64x64xf32>
    %get3A_401 = vector.shape_cast %get3A_400 : vector<1x64x64xf32> to vector<64x64xf32>
    %get3A_402 = arith.constant 0 : index
    %get3A_403 = arith.constant 512 : index
    %get3A_404 = arith.constant 64 : index
    %get3A_405 = vector.load %arg1[%get3A_402, %get3A_403, %get3A_404] : memref<1x2048x128xf32, #tpu.memory_space<vmem>>, vector<1x64x64xf32>
    %get3A_406 = vector.shape_cast %get3A_405 : vector<1x64x64xf32> to vector<64x64xf32>
    %concatenate3A_407 = tpu.concatenate %get3A_401, %get3A_406 in 0 : vector<64x64xf32>, vector<64x64xf32> -> vector<128x64xf32>
    %dot_general3A_408 = arith.constant dense<0.000000e+00> : vector<64x128xf32>
    %dot_general3A_409 = tpu.matmul %get3A_390, %concatenate3A_396, %dot_general3A_408 {dimension_numbers = #tpu.dot_dimension_numbers<[1], [1], [0], [0], [0, 0, 1, 0], [], []>, transpose_lhs_hint = false} : vector<64x64xf32>, vector<128x64xf32>, vector<64x128xf32> -> vector<64x128xf32>
    %div3A_410 = arith.constant 3.200000e+01 : f32
    %div3A_411 = vector.broadcast %div3A_410 : f32 to vector<64x128xf32>
    %div3A_412 = arith.divf %dot_general3A_409, %div3A_411 : vector<64x128xf32>
    %jit3A_413 = arith.constant 0xFF800000 : f32
    %broadcast_in_dim3A_414 = vector.broadcast %jit3A_413 : f32 to vector<64x128xf32>
    %select_n3A_415 = arith.select %eq3A, %broadcast_in_dim3A_414, %div3A_412 : vector<64x128xi1>, vector<64x128xf32>
    %reduce_max3A_416 = arith.constant dense<0xFF800000> : vector<64xf32>
    %reduce_max3A_417 = vector.multi_reduction <maximumf>, %select_n3A_415, %reduce_max3A_416 [1] : vector<64x128xf32> to vector<64xf32>
    %broadcast_in_dim3A_418 = vector.shape_cast %reduce_max3A_417 : vector<64xf32> to vector<64x1xf32>
    %sub3A_419 = vector.broadcast %broadcast_in_dim3A_418 : vector<64x1xf32> to vector<64x128xf32>
    %sub3A_420 = arith.subf %select_n3A_415, %sub3A_419 : vector<64x128xf32>
    %exp3A_421 = math.exp %sub3A_420 : vector<64x128xf32>
    %reduce_sum3A_422 = arith.constant dense<0.000000e+00> : vector<64xf32>
    %reduce_sum3A_423 = vector.multi_reduction <add>, %exp3A_421, %reduce_sum3A_422 [1] : vector<64x128xf32> to vector<64xf32>
    %broadcast_in_dim3A_424 = vector.shape_cast %reduce_sum3A_423 : vector<64xf32> to vector<64x1xf32>
    %div3A_425 = vector.broadcast %broadcast_in_dim3A_424 : vector<64x1xf32> to vector<64x128xf32>
    %div3A_426 = arith.divf %exp3A_421, %div3A_425 : vector<64x128xf32>
    %dot_general3A_427 = arith.constant dense<0.000000e+00> : vector<64x64xf32>
    %dot_general3A_428 = tpu.matmul %div3A_426, %concatenate3A_407, %dot_general3A_427 {dimension_numbers = #tpu.dot_dimension_numbers<[1], [0], [0], [1], [0, 0, 1, 1], [], []>, transpose_lhs_hint = false} : vector<64x128xf32>, vector<128x64xf32>, vector<64x64xf32> -> vector<64x64xf32>
    %swap3A_429 = arith.constant 0 : index
    %swap3A_430 = arith.constant 448 : index
    %swap3A_431 = arith.constant 0 : index
    %swap3A_432 = vector.load %arg2[%swap3A_429, %swap3A_430, %swap3A_431] : memref<1x2048x64xf32, #tpu.memory_space<vmem>>, vector<1x64x64xf32>
    %swap3A_433 = vector.shape_cast %swap3A_432 : vector<1x64x64xf32> to vector<64x64xf32>
    %swap3A_434 = vector.shape_cast %dot_general3A_428 : vector<64x64xf32> to vector<1x64x64xf32>
    tpu.vector_store %arg2[%swap3A_429, %swap3A_430, %swap3A_431], %swap3A_434 {strides = array<i32>} : memref<1x2048x64xf32, #tpu.memory_space<vmem>>, vector<1x64x64xf32>,
    %slice3A_435 = vector.extract_strided_slice %dot_general3A_428 {offsets = [0, 0], sizes = [64, 1], strides = [1, 1]} : vector<64x64xf32> to vector<64x1xf32>
    %transpose3A_436 = tpu.transpose %slice3A_435, [1, 0] : vector<64x1xf32> -> vector<1x64xf32>
    %swap3A_437 = arith.constant 0 : index
    %swap3A_438 = arith.constant 0 : index
    %swap3A_439 = arith.constant 448 : index
    %swap3A_440 = vector.load %arg3[%swap3A_437, %swap3A_438, %swap3A_439] : memref<1x1x2048xf32, #tpu.memory_space<vmem>>, vector<1x1x64xf32>
    %swap3A_441 = vector.shape_cast %swap3A_440 : vector<1x1x64xf32> to vector<1x64xf32>
    %swap3A_442 = vector.shape_cast %transpose3A_436 : vector<1x64xf32> to vector<1x1x64xf32>
    tpu.vector_store %arg3[%swap3A_437, %swap3A_438, %swap3A_439], %swap3A_442 {strides = array<i32>} : memref<1x1x2048xf32, #tpu.memory_space<vmem>>, vector<1x1x64xf32>,
    %get3A_443 = arith.constant 0 : index
    %get3A_444 = arith.constant 512 : index
    %get3A_445 = arith.constant 0 : index
    %get3A_446 = vector.load %arg1[%get3A_443, %get3A_444, %get3A_445] : memref<1x2048x128xf32, #tpu.memory_space<vmem>>, vector<1x64x64xf32>
    %get3A_447 = vector.shape_cast %get3A_446 : vector<1x64x64xf32> to vector<64x64xf32>
    %get3A_448 = arith.constant 0 : index
    %get3A_449 = arith.constant 576 : index
    %get3A_450 = arith.constant 0 : index
    %get3A_451 = vector.load %arg1[%get3A_448, %get3A_449, %get3A_450] : memref<1x2048x128xf32, #tpu.memory_space<vmem>>, vector<1x64x64xf32>
    %get3A_452 = vector.shape_cast %get3A_451 : vector<1x64x64xf32> to vector<64x64xf32>
    %concatenate3A_453 = tpu.concatenate %get3A_447, %get3A_452 in 0 : vector<64x64xf32>, vector<64x64xf32> -> vector<128x64xf32>
    %get3A_454 = arith.constant 0 : index
    %get3A_455 = arith.constant 512 : index
    %get3A_456 = arith.constant 64 : index
    %get3A_457 = vector.load %arg1[%get3A_454, %get3A_455, %get3A_456] : memref<1x2048x128xf32, #tpu.memory_space<vmem>>, vector<1x64x64xf32>
    %get3A_458 = vector.shape_cast %get3A_457 : vector<1x64x64xf32> to vector<64x64xf32>
    %get3A_459 = arith.constant 0 : index
    %get3A_460 = arith.constant 576 : index
    %get3A_461 = arith.constant 64 : index
    %get3A_462 = vector.load %arg1[%get3A_459, %get3A_460, %get3A_461] : memref<1x2048x128xf32, #tpu.memory_space<vmem>>, vector<1x64x64xf32>
    %get3A_463 = vector.shape_cast %get3A_462 : vector<1x64x64xf32> to vector<64x64xf32>
    %concatenate3A_464 = tpu.concatenate %get3A_458, %get3A_463 in 0 : vector<64x64xf32>, vector<64x64xf32> -> vector<128x64xf32>
    %dot_general3A_465 = arith.constant dense<0.000000e+00> : vector<64x128xf32>
    %dot_general3A_466 = tpu.matmul %get3A_447, %concatenate3A_453, %dot_general3A_465 {dimension_numbers = #tpu.dot_dimension_numbers<[1], [1], [0], [0], [0, 0, 1, 0], [], []>, transpose_lhs_hint = false} : vector<64x64xf32>, vector<128x64xf32>, vector<64x128xf32> -> vector<64x128xf32>
    %div3A_467 = arith.constant 3.200000e+01 : f32
    %div3A_468 = vector.broadcast %div3A_467 : f32 to vector<64x128xf32>
    %div3A_469 = arith.divf %dot_general3A_466, %div3A_468 : vector<64x128xf32>
    %jit3A_470 = arith.constant 0xFF800000 : f32
    %broadcast_in_dim3A_471 = vector.broadcast %jit3A_470 : f32 to vector<64x128xf32>
    %select_n3A_472 = arith.select %eq3A, %broadcast_in_dim3A_471, %div3A_469 : vector<64x128xi1>, vector<64x128xf32>
    %reduce_max3A_473 = arith.constant dense<0xFF800000> : vector<64xf32>
    %reduce_max3A_474 = vector.multi_reduction <maximumf>, %select_n3A_472, %reduce_max3A_473 [1] : vector<64x128xf32> to vector<64xf32>
    %broadcast_in_dim3A_475 = vector.shape_cast %reduce_max3A_474 : vector<64xf32> to vector<64x1xf32>
    %sub3A_476 = vector.broadcast %broadcast_in_dim3A_475 : vector<64x1xf32> to vector<64x128xf32>
    %sub3A_477 = arith.subf %select_n3A_472, %sub3A_476 : vector<64x128xf32>
    %exp3A_478 = math.exp %sub3A_477 : vector<64x128xf32>
    %reduce_sum3A_479 = arith.constant dense<0.000000e+00> : vector<64xf32>
    %reduce_sum3A_480 = vector.multi_reduction <add>, %exp3A_478, %reduce_sum3A_479 [1] : vector<64x128xf32> to vector<64xf32>
    %broadcast_in_dim3A_481 = vector.shape_cast %reduce_sum3A_480 : vector<64xf32> to vector<64x1xf32>
    %div3A_482 = vector.broadcast %broadcast_in_dim3A_481 : vector<64x1xf32> to vector<64x128xf32>
    %div3A_483 = arith.divf %exp3A_478, %div3A_482 : vector<64x128xf32>
    %dot_general3A_484 = arith.constant dense<0.000000e+00> : vector<64x64xf32>
    %dot_general3A_485 = tpu.matmul %div3A_483, %concatenate3A_464, %dot_general3A_484 {dimension_numbers = #tpu.dot_dimension_numbers<[1], [0], [0], [1], [0, 0, 1, 1], [], []>, transpose_lhs_hint = false} : vector<64x128xf32>, vector<128x64xf32>, vector<64x64xf32> -> vector<64x64xf32>
    %swap3A_486 = arith.constant 0 : index
    %swap3A_487 = arith.constant 512 : index
    %swap3A_488 = arith.constant 0 : index
    %swap3A_489 = vector.load %arg2[%swap3A_486, %swap3A_487, %swap3A_488] : memref<1x2048x64xf32, #tpu.memory_space<vmem>>, vector<1x64x64xf32>
    %swap3A_490 = vector.shape_cast %swap3A_489 : vector<1x64x64xf32> to vector<64x64xf32>
    %swap3A_491 = vector.shape_cast %dot_general3A_485 : vector<64x64xf32> to vector<1x64x64xf32>
    tpu.vector_store %arg2[%swap3A_486, %swap3A_487, %swap3A_488], %swap3A_491 {strides = array<i32>} : memref<1x2048x64xf32, #tpu.memory_space<vmem>>, vector<1x64x64xf32>,
    %slice3A_492 = vector.extract_strided_slice %dot_general3A_485 {offsets = [0, 0], sizes = [64, 1], strides = [1, 1]} : vector<64x64xf32> to vector<64x1xf32>
    %transpose3A_493 = tpu.transpose %slice3A_492, [1, 0] : vector<64x1xf32> -> vector<1x64xf32>
    %swap3A_494 = arith.constant 0 : index
    %swap3A_495 = arith.constant 0 : index
    %swap3A_496 = arith.constant 512 : index
    %swap3A_497 = vector.load %arg3[%swap3A_494, %swap3A_495, %swap3A_496] : memref<1x1x2048xf32, #tpu.memory_space<vmem>>, vector<1x1x64xf32>
    %swap3A_498 = vector.shape_cast %swap3A_497 : vector<1x1x64xf32> to vector<1x64xf32>
    %swap3A_499 = vector.shape_cast %transpose3A_493 : vector<1x64xf32> to vector<1x1x64xf32>
    tpu.vector_store %arg3[%swap3A_494, %swap3A_495, %swap3A_496], %swap3A_499 {strides = array<i32>} : memref<1x1x2048xf32, #tpu.memory_space<vmem>>, vector<1x1x64xf32>,
    %get3A_500 = arith.constant 0 : index
    %get3A_501 = arith.constant 576 : index
    %get3A_502 = arith.constant 0 : index
    %get3A_503 = vector.load %arg1[%get3A_500, %get3A_501, %get3A_502] : memref<1x2048x128xf32, #tpu.memory_space<vmem>>, vector<1x64x64xf32>
    %get3A_504 = vector.shape_cast %get3A_503 : vector<1x64x64xf32> to vector<64x64xf32>
    %get3A_505 = arith.constant 0 : index
    %get3A_506 = arith.constant 640 : index
    %get3A_507 = arith.constant 0 : index
    %get3A_508 = vector.load %arg1[%get3A_505, %get3A_506, %get3A_507] : memref<1x2048x128xf32, #tpu.memory_space<vmem>>, vector<1x64x64xf32>
    %get3A_509 = vector.shape_cast %get3A_508 : vector<1x64x64xf32> to vector<64x64xf32>
    %concatenate3A_510 = tpu.concatenate %get3A_504, %get3A_509 in 0 : vector<64x64xf32>, vector<64x64xf32> -> vector<128x64xf32>
    %get3A_511 = arith.constant 0 : index
    %get3A_512 = arith.constant 576 : index
    %get3A_513 = arith.constant 64 : index
    %get3A_514 = vector.load %arg1[%get3A_511, %get3A_512, %get3A_513] : memref<1x2048x128xf32, #tpu.memory_space<vmem>>, vector<1x64x64xf32>
    %get3A_515 = vector.shape_cast %get3A_514 : vector<1x64x64xf32> to vector<64x64xf32>
    %get3A_516 = arith.constant 0 : index
    %get3A_517 = arith.constant 640 : index
    %get3A_518 = arith.constant 64 : index
    %get3A_519 = vector.load %arg1[%get3A_516, %get3A_517, %get3A_518] : memref<1x2048x128xf32, #tpu.memory_space<vmem>>, vector<1x64x64xf32>
    %get3A_520 = vector.shape_cast %get3A_519 : vector<1x64x64xf32> to vector<64x64xf32>
    %concatenate3A_521 = tpu.concatenate %get3A_515, %get3A_520 in 0 : vector<64x64xf32>, vector<64x64xf32> -> vector<128x64xf32>
    %dot_general3A_522 = arith.constant dense<0.000000e+00> : vector<64x128xf32>
    %dot_general3A_523 = tpu.matmul %get3A_504, %concatenate3A_510, %dot_general3A_522 {dimension_numbers = #tpu.dot_dimension_numbers<[1], [1], [0], [0], [0, 0, 1, 0], [], []>, transpose_lhs_hint = false} : vector<64x64xf32>, vector<128x64xf32>, vector<64x128xf32> -> vector<64x128xf32>
    %div3A_524 = arith.constant 3.200000e+01 : f32
    %div3A_525 = vector.broadcast %div3A_524 : f32 to vector<64x128xf32>
    %div3A_526 = arith.divf %dot_general3A_523, %div3A_525 : vector<64x128xf32>
    %jit3A_527 = arith.constant 0xFF800000 : f32
    %broadcast_in_dim3A_528 = vector.broadcast %jit3A_527 : f32 to vector<64x128xf32>
    %select_n3A_529 = arith.select %eq3A, %broadcast_in_dim3A_528, %div3A_526 : vector<64x128xi1>, vector<64x128xf32>
    %reduce_max3A_530 = arith.constant dense<0xFF800000> : vector<64xf32>
    %reduce_max3A_531 = vector.multi_reduction <maximumf>, %select_n3A_529, %reduce_max3A_530 [1] : vector<64x128xf32> to vector<64xf32>
    %broadcast_in_dim3A_532 = vector.shape_cast %reduce_max3A_531 : vector<64xf32> to vector<64x1xf32>
    %sub3A_533 = vector.broadcast %broadcast_in_dim3A_532 : vector<64x1xf32> to vector<64x128xf32>
    %sub3A_534 = arith.subf %select_n3A_529, %sub3A_533 : vector<64x128xf32>
    %exp3A_535 = math.exp %sub3A_534 : vector<64x128xf32>
    %reduce_sum3A_536 = arith.constant dense<0.000000e+00> : vector<64xf32>
    %reduce_sum3A_537 = vector.multi_reduction <add>, %exp3A_535, %reduce_sum3A_536 [1] : vector<64x128xf32> to vector<64xf32>
    %broadcast_in_dim3A_538 = vector.shape_cast %reduce_sum3A_537 : vector<64xf32> to vector<64x1xf32>
    %div3A_539 = vector.broadcast %broadcast_in_dim3A_538 : vector<64x1xf32> to vector<64x128xf32>
    %div3A_540 = arith.divf %exp3A_535, %div3A_539 : vector<64x128xf32>
    %dot_general3A_541 = arith.constant dense<0.000000e+00> : vector<64x64xf32>
    %dot_general3A_542 = tpu.matmul %div3A_540, %concatenate3A_521, %dot_general3A_541 {dimension_numbers = #tpu.dot_dimension_numbers<[1], [0], [0], [1], [0, 0, 1, 1], [], []>, transpose_lhs_hint = false} : vector<64x128xf32>, vector<128x64xf32>, vector<64x64xf32> -> vector<64x64xf32>
    %swap3A_543 = arith.constant 0 : index
    %swap3A_544 = arith.constant 576 : index
    %swap3A_545 = arith.constant 0 : index
    %swap3A_546 = vector.load %arg2[%swap3A_543, %swap3A_544, %swap3A_545] : memref<1x2048x64xf32, #tpu.memory_space<vmem>>, vector<1x64x64xf32>
    %swap3A_547 = vector.shape_cast %swap3A_546 : vector<1x64x64xf32> to vector<64x64xf32>
    %swap3A_548 = vector.shape_cast %dot_general3A_542 : vector<64x64xf32> to vector<1x64x64xf32>
    tpu.vector_store %arg2[%swap3A_543, %swap3A_544, %swap3A_545], %swap3A_548 {strides = array<i32>} : memref<1x2048x64xf32, #tpu.memory_space<vmem>>, vector<1x64x64xf32>,
    %slice3A_549 = vector.extract_strided_slice %dot_general3A_542 {offsets = [0, 0], sizes = [64, 1], strides = [1, 1]} : vector<64x64xf32> to vector<64x1xf32>
    %transpose3A_550 = tpu.transpose %slice3A_549, [1, 0] : vector<64x1xf32> -> vector<1x64xf32>
    %swap3A_551 = arith.constant 0 : index
    %swap3A_552 = arith.constant 0 : index
    %swap3A_553 = arith.constant 576 : index
    %swap3A_554 = vector.load %arg3[%swap3A_551, %swap3A_552, %swap3A_553] : memref<1x1x2048xf32, #tpu.memory_space<vmem>>, vector<1x1x64xf32>
    %swap3A_555 = vector.shape_cast %swap3A_554 : vector<1x1x64xf32> to vector<1x64xf32>
    %swap3A_556 = vector.shape_cast %transpose3A_550 : vector<1x64xf32> to vector<1x1x64xf32>
    tpu.vector_store %arg3[%swap3A_551, %swap3A_552, %swap3A_553], %swap3A_556 {strides = array<i32>} : memref<1x1x2048xf32, #tpu.memory_space<vmem>>, vector<1x1x64xf32>,
    %get3A_557 = arith.constant 0 : index
    %get3A_558 = arith.constant 640 : index
    %get3A_559 = arith.constant 0 : index
    %get3A_560 = vector.load %arg1[%get3A_557, %get3A_558, %get3A_559] : memref<1x2048x128xf32, #tpu.memory_space<vmem>>, vector<1x64x64xf32>
    %get3A_561 = vector.shape_cast %get3A_560 : vector<1x64x64xf32> to vector<64x64xf32>
    %get3A_562 = arith.constant 0 : index
    %get3A_563 = arith.constant 704 : index
    %get3A_564 = arith.constant 0 : index
    %get3A_565 = vector.load %arg1[%get3A_562, %get3A_563, %get3A_564] : memref<1x2048x128xf32, #tpu.memory_space<vmem>>, vector<1x64x64xf32>
    %get3A_566 = vector.shape_cast %get3A_565 : vector<1x64x64xf32> to vector<64x64xf32>
    %concatenate3A_567 = tpu.concatenate %get3A_561, %get3A_566 in 0 : vector<64x64xf32>, vector<64x64xf32> -> vector<128x64xf32>
    %get3A_568 = arith.constant 0 : index
    %get3A_569 = arith.constant 640 : index
    %get3A_570 = arith.constant 64 : index
    %get3A_571 = vector.load %arg1[%get3A_568, %get3A_569, %get3A_570] : memref<1x2048x128xf32, #tpu.memory_space<vmem>>, vector<1x64x64xf32>
    %get3A_572 = vector.shape_cast %get3A_571 : vector<1x64x64xf32> to vector<64x64xf32>
    %get3A_573 = arith.constant 0 : index
    %get3A_574 = arith.constant 704 : index
    %get3A_575 = arith.constant 64 : index
    %get3A_576 = vector.load %arg1[%get3A_573, %get3A_574, %get3A_575] : memref<1x2048x128xf32, #tpu.memory_space<vmem>>, vector<1x64x64xf32>
    %get3A_577 = vector.shape_cast %get3A_576 : vector<1x64x64xf32> to vector<64x64xf32>
    %concatenate3A_578 = tpu.concatenate %get3A_572, %get3A_577 in 0 : vector<64x64xf32>, vector<64x64xf32> -> vector<128x64xf32>
    %dot_general3A_579 = arith.constant dense<0.000000e+00> : vector<64x128xf32>
    %dot_general3A_580 = tpu.matmul %get3A_561, %concatenate3A_567, %dot_general3A_579 {dimension_numbers = #tpu.dot_dimension_numbers<[1], [1], [0], [0], [0, 0, 1, 0], [], []>, transpose_lhs_hint = false} : vector<64x64xf32>, vector<128x64xf32>, vector<64x128xf32> -> vector<64x128xf32>
    %div3A_581 = arith.constant 3.200000e+01 : f32
    %div3A_582 = vector.broadcast %div3A_581 : f32 to vector<64x128xf32>
    %div3A_583 = arith.divf %dot_general3A_580, %div3A_582 : vector<64x128xf32>
    %jit3A_584 = arith.constant 0xFF800000 : f32
    %broadcast_in_dim3A_585 = vector.broadcast %jit3A_584 : f32 to vector<64x128xf32>
    %select_n3A_586 = arith.select %eq3A, %broadcast_in_dim3A_585, %div3A_583 : vector<64x128xi1>, vector<64x128xf32>
    %reduce_max3A_587 = arith.constant dense<0xFF800000> : vector<64xf32>
    %reduce_max3A_588 = vector.multi_reduction <maximumf>, %select_n3A_586, %reduce_max3A_587 [1] : vector<64x128xf32> to vector<64xf32>
    %broadcast_in_dim3A_589 = vector.shape_cast %reduce_max3A_588 : vector<64xf32> to vector<64x1xf32>
    %sub3A_590 = vector.broadcast %broadcast_in_dim3A_589 : vector<64x1xf32> to vector<64x128xf32>
    %sub3A_591 = arith.subf %select_n3A_586, %sub3A_590 : vector<64x128xf32>
    %exp3A_592 = math.exp %sub3A_591 : vector<64x128xf32>
    %reduce_sum3A_593 = arith.constant dense<0.000000e+00> : vector<64xf32>
    %reduce_sum3A_594 = vector.multi_reduction <add>, %exp3A_592, %reduce_sum3A_593 [1] : vector<64x128xf32> to vector<64xf32>
    %broadcast_in_dim3A_595 = vector.shape_cast %reduce_sum3A_594 : vector<64xf32> to vector<64x1xf32>
    %div3A_596 = vector.broadcast %broadcast_in_dim3A_595 : vector<64x1xf32> to vector<64x128xf32>
    %div3A_597 = arith.divf %exp3A_592, %div3A_596 : vector<64x128xf32>
    %dot_general3A_598 = arith.constant dense<0.000000e+00> : vector<64x64xf32>
    %dot_general3A_599 = tpu.matmul %div3A_597, %concatenate3A_578, %dot_general3A_598 {dimension_numbers = #tpu.dot_dimension_numbers<[1], [0], [0], [1], [0, 0, 1, 1], [], []>, transpose_lhs_hint = false} : vector<64x128xf32>, vector<128x64xf32>, vector<64x64xf32> -> vector<64x64xf32>
    %swap3A_600 = arith.constant 0 : index
    %swap3A_601 = arith.constant 640 : index
    %swap3A_602 = arith.constant 0 : index
    %swap3A_603 = vector.load %arg2[%swap3A_600, %swap3A_601, %swap3A_602] : memref<1x2048x64xf32, #tpu.memory_space<vmem>>, vector<1x64x64xf32>
    %swap3A_604 = vector.shape_cast %swap3A_603 : vector<1x64x64xf32> to vector<64x64xf32>
    %swap3A_605 = vector.shape_cast %dot_general3A_599 : vector<64x64xf32> to vector<1x64x64xf32>
    tpu.vector_store %arg2[%swap3A_600, %swap3A_601, %swap3A_602], %swap3A_605 {strides = array<i32>} : memref<1x2048x64xf32, #tpu.memory_space<vmem>>, vector<1x64x64xf32>,
    %slice3A_606 = vector.extract_strided_slice %dot_general3A_599 {offsets = [0, 0], sizes = [64, 1], strides = [1, 1]} : vector<64x64xf32> to vector<64x1xf32>
    %transpose3A_607 = tpu.transpose %slice3A_606, [1, 0] : vector<64x1xf32> -> vector<1x64xf32>
    %swap3A_608 = arith.constant 0 : index
    %swap3A_609 = arith.constant 0 : index
    %swap3A_610 = arith.constant 640 : index
    %swap3A_611 = vector.load %arg3[%swap3A_608, %swap3A_609, %swap3A_610] : memref<1x1x2048xf32, #tpu.memory_space<vmem>>, vector<1x1x64xf32>
    %swap3A_612 = vector.shape_cast %swap3A_611 : vector<1x1x64xf32> to vector<1x64xf32>
    %swap3A_613 = vector.shape_cast %transpose3A_607 : vector<1x64xf32> to vector<1x1x64xf32>
    tpu.vector_store %arg3[%swap3A_608, %swap3A_609, %swap3A_610], %swap3A_613 {strides = array<i32>} : memref<1x1x2048xf32, #tpu.memory_space<vmem>>, vector<1x1x64xf32>,
    %get3A_614 = arith.constant 0 : index
    %get3A_615 = arith.constant 704 : index
    %get3A_616 = arith.constant 0 : index
    %get3A_617 = vector.load %arg1[%get3A_614, %get3A_615, %get3A_616] : memref<1x2048x128xf32, #tpu.memory_space<vmem>>, vector<1x64x64xf32>
    %get3A_618 = vector.shape_cast %get3A_617 : vector<1x64x64xf32> to vector<64x64xf32>
    %get3A_619 = arith.constant 0 : index
    %get3A_620 = arith.constant 768 : index
    %get3A_621 = arith.constant 0 : index
    %get3A_622 = vector.load %arg1[%get3A_619, %get3A_620, %get3A_621] : memref<1x2048x128xf32, #tpu.memory_space<vmem>>, vector<1x64x64xf32>
    %get3A_623 = vector.shape_cast %get3A_622 : vector<1x64x64xf32> to vector<64x64xf32>
    %concatenate3A_624 = tpu.concatenate %get3A_618, %get3A_623 in 0 : vector<64x64xf32>, vector<64x64xf32> -> vector<128x64xf32>
    %get3A_625 = arith.constant 0 : index
    %get3A_626 = arith.constant 704 : index
    %get3A_627 = arith.constant 64 : index
    %get3A_628 = vector.load %arg1[%get3A_625, %get3A_626, %get3A_627] : memref<1x2048x128xf32, #tpu.memory_space<vmem>>, vector<1x64x64xf32>
    %get3A_629 = vector.shape_cast %get3A_628 : vector<1x64x64xf32> to vector<64x64xf32>
    %get3A_630 = arith.constant 0 : index
    %get3A_631 = arith.constant 768 : index
    %get3A_632 = arith.constant 64 : index
    %get3A_633 = vector.load %arg1[%get3A_630, %get3A_631, %get3A_632] : memref<1x2048x128xf32, #tpu.memory_space<vmem>>, vector<1x64x64xf32>
    %get3A_634 = vector.shape_cast %get3A_633 : vector<1x64x64xf32> to vector<64x64xf32>
    %concatenate3A_635 = tpu.concatenate %get3A_629, %get3A_634 in 0 : vector<64x64xf32>, vector<64x64xf32> -> vector<128x64xf32>
    %dot_general3A_636 = arith.constant dense<0.000000e+00> : vector<64x128xf32>
    %dot_general3A_637 = tpu.matmul %get3A_618, %concatenate3A_624, %dot_general3A_636 {dimension_numbers = #tpu.dot_dimension_numbers<[1], [1], [0], [0], [0, 0, 1, 0], [], []>, transpose_lhs_hint = false} : vector<64x64xf32>, vector<128x64xf32>, vector<64x128xf32> -> vector<64x128xf32>
    %div3A_638 = arith.constant 3.200000e+01 : f32
    %div3A_639 = vector.broadcast %div3A_638 : f32 to vector<64x128xf32>
    %div3A_640 = arith.divf %dot_general3A_637, %div3A_639 : vector<64x128xf32>
    %jit3A_641 = arith.constant 0xFF800000 : f32
    %broadcast_in_dim3A_642 = vector.broadcast %jit3A_641 : f32 to vector<64x128xf32>
    %select_n3A_643 = arith.select %eq3A, %broadcast_in_dim3A_642, %div3A_640 : vector<64x128xi1>, vector<64x128xf32>
    %reduce_max3A_644 = arith.constant dense<0xFF800000> : vector<64xf32>
    %reduce_max3A_645 = vector.multi_reduction <maximumf>, %select_n3A_643, %reduce_max3A_644 [1] : vector<64x128xf32> to vector<64xf32>
    %broadcast_in_dim3A_646 = vector.shape_cast %reduce_max3A_645 : vector<64xf32> to vector<64x1xf32>
    %sub3A_647 = vector.broadcast %broadcast_in_dim3A_646 : vector<64x1xf32> to vector<64x128xf32>
    %sub3A_648 = arith.subf %select_n3A_643, %sub3A_647 : vector<64x128xf32>
    %exp3A_649 = math.exp %sub3A_648 : vector<64x128xf32>
    %reduce_sum3A_650 = arith.constant dense<0.000000e+00> : vector<64xf32>
    %reduce_sum3A_651 = vector.multi_reduction <add>, %exp3A_649, %reduce_sum3A_650 [1] : vector<64x128xf32> to vector<64xf32>
    %broadcast_in_dim3A_652 = vector.shape_cast %reduce_sum3A_651 : vector<64xf32> to vector<64x1xf32>
    %div3A_653 = vector.broadcast %broadcast_in_dim3A_652 : vector<64x1xf32> to vector<64x128xf32>
    %div3A_654 = arith.divf %exp3A_649, %div3A_653 : vector<64x128xf32>
    %dot_general3A_655 = arith.constant dense<0.000000e+00> : vector<64x64xf32>
    %dot_general3A_656 = tpu.matmul %div3A_654, %concatenate3A_635, %dot_general3A_655 {dimension_numbers = #tpu.dot_dimension_numbers<[1], [0], [0], [1], [0, 0, 1, 1], [], []>, transpose_lhs_hint = false} : vector<64x128xf32>, vector<128x64xf32>, vector<64x64xf32> -> vector<64x64xf32>
    %swap3A_657 = arith.constant 0 : index
    %swap3A_658 = arith.constant 704 : index
    %swap3A_659 = arith.constant 0 : index
    %swap3A_660 = vector.load %arg2[%swap3A_657, %swap3A_658, %swap3A_659] : memref<1x2048x64xf32, #tpu.memory_space<vmem>>, vector<1x64x64xf32>
    %swap3A_661 = vector.shape_cast %swap3A_660 : vector<1x64x64xf32> to vector<64x64xf32>
    %swap3A_662 = vector.shape_cast %dot_general3A_656 : vector<64x64xf32> to vector<1x64x64xf32>
    tpu.vector_store %arg2[%swap3A_657, %swap3A_658, %swap3A_659], %swap3A_662 {strides = array<i32>} : memref<1x2048x64xf32, #tpu.memory_space<vmem>>, vector<1x64x64xf32>,
    %slice3A_663 = vector.extract_strided_slice %dot_general3A_656 {offsets = [0, 0], sizes = [64, 1], strides = [1, 1]} : vector<64x64xf32> to vector<64x1xf32>
    %transpose3A_664 = tpu.transpose %slice3A_663, [1, 0] : vector<64x1xf32> -> vector<1x64xf32>
    %swap3A_665 = arith.constant 0 : index
    %swap3A_666 = arith.constant 0 : index
    %swap3A_667 = arith.constant 704 : index
    %swap3A_668 = vector.load %arg3[%swap3A_665, %swap3A_666, %swap3A_667] : memref<1x1x2048xf32, #tpu.memory_space<vmem>>, vector<1x1x64xf32>
    %swap3A_669 = vector.shape_cast %swap3A_668 : vector<1x1x64xf32> to vector<1x64xf32>
    %swap3A_670 = vector.shape_cast %transpose3A_664 : vector<1x64xf32> to vector<1x1x64xf32>
    tpu.vector_store %arg3[%swap3A_665, %swap3A_666, %swap3A_667], %swap3A_670 {strides = array<i32>} : memref<1x1x2048xf32, #tpu.memory_space<vmem>>, vector<1x1x64xf32>,
    %get3A_671 = arith.constant 0 : index
    %get3A_672 = arith.constant 768 : index
    %get3A_673 = arith.constant 0 : index
    %get3A_674 = vector.load %arg1[%get3A_671, %get3A_672, %get3A_673] : memref<1x2048x128xf32, #tpu.memory_space<vmem>>, vector<1x64x64xf32>
    %get3A_675 = vector.shape_cast %get3A_674 : vector<1x64x64xf32> to vector<64x64xf32>
    %get3A_676 = arith.constant 0 : index
    %get3A_677 = arith.constant 832 : index
    %get3A_678 = arith.constant 0 : index
    %get3A_679 = vector.load %arg1[%get3A_676, %get3A_677, %get3A_678] : memref<1x2048x128xf32, #tpu.memory_space<vmem>>, vector<1x64x64xf32>
    %get3A_680 = vector.shape_cast %get3A_679 : vector<1x64x64xf32> to vector<64x64xf32>
    %concatenate3A_681 = tpu.concatenate %get3A_675, %get3A_680 in 0 : vector<64x64xf32>, vector<64x64xf32> -> vector<128x64xf32>
    %get3A_682 = arith.constant 0 : index
    %get3A_683 = arith.constant 768 : index
    %get3A_684 = arith.constant 64 : index
    %get3A_685 = vector.load %arg1[%get3A_682, %get3A_683, %get3A_684] : memref<1x2048x128xf32, #tpu.memory_space<vmem>>, vector<1x64x64xf32>
    %get3A_686 = vector.shape_cast %get3A_685 : vector<1x64x64xf32> to vector<64x64xf32>
    %get3A_687 = arith.constant 0 : index
    %get3A_688 = arith.constant 832 : index
    %get3A_689 = arith.constant 64 : index
    %get3A_690 = vector.load %arg1[%get3A_687, %get3A_688, %get3A_689] : memref<1x2048x128xf32, #tpu.memory_space<vmem>>, vector<1x64x64xf32>
    %get3A_691 = vector.shape_cast %get3A_690 : vector<1x64x64xf32> to vector<64x64xf32>
    %concatenate3A_692 = tpu.concatenate %get3A_686, %get3A_691 in 0 : vector<64x64xf32>, vector<64x64xf32> -> vector<128x64xf32>
    %dot_general3A_693 = arith.constant dense<0.000000e+00> : vector<64x128xf32>
    %dot_general3A_694 = tpu.matmul %get3A_675, %concatenate3A_681, %dot_general3A_693 {dimension_numbers = #tpu.dot_dimension_numbers<[1], [1], [0], [0], [0, 0, 1, 0], [], []>, transpose_lhs_hint = false} : vector<64x64xf32>, vector<128x64xf32>, vector<64x128xf32> -> vector<64x128xf32>
    %div3A_695 = arith.constant 3.200000e+01 : f32
    %div3A_696 = vector.broadcast %div3A_695 : f32 to vector<64x128xf32>
    %div3A_697 = arith.divf %dot_general3A_694, %div3A_696 : vector<64x128xf32>
    %jit3A_698 = arith.constant 0xFF800000 : f32
    %broadcast_in_dim3A_699 = vector.broadcast %jit3A_698 : f32 to vector<64x128xf32>
    %select_n3A_700 = arith.select %eq3A, %broadcast_in_dim3A_699, %div3A_697 : vector<64x128xi1>, vector<64x128xf32>
    %reduce_max3A_701 = arith.constant dense<0xFF800000> : vector<64xf32>
    %reduce_max3A_702 = vector.multi_reduction <maximumf>, %select_n3A_700, %reduce_max3A_701 [1] : vector<64x128xf32> to vector<64xf32>
    %broadcast_in_dim3A_703 = vector.shape_cast %reduce_max3A_702 : vector<64xf32> to vector<64x1xf32>
    %sub3A_704 = vector.broadcast %broadcast_in_dim3A_703 : vector<64x1xf32> to vector<64x128xf32>
    %sub3A_705 = arith.subf %select_n3A_700, %sub3A_704 : vector<64x128xf32>
    %exp3A_706 = math.exp %sub3A_705 : vector<64x128xf32>
    %reduce_sum3A_707 = arith.constant dense<0.000000e+00> : vector<64xf32>
    %reduce_sum3A_708 = vector.multi_reduction <add>, %exp3A_706, %reduce_sum3A_707 [1] : vector<64x128xf32> to vector<64xf32>
    %broadcast_in_dim3A_709 = vector.shape_cast %reduce_sum3A_708 : vector<64xf32> to vector<64x1xf32>
    %div3A_710 = vector.broadcast %broadcast_in_dim3A_709 : vector<64x1xf32> to vector<64x128xf32>
    %div3A_711 = arith.divf %exp3A_706, %div3A_710 : vector<64x128xf32>
    %dot_general3A_712 = arith.constant dense<0.000000e+00> : vector<64x64xf32>
    %dot_general3A_713 = tpu.matmul %div3A_711, %concatenate3A_692, %dot_general3A_712 {dimension_numbers = #tpu.dot_dimension_numbers<[1], [0], [0], [1], [0, 0, 1, 1], [], []>, transpose_lhs_hint = false} : vector<64x128xf32>, vector<128x64xf32>, vector<64x64xf32> -> vector<64x64xf32>
    %swap3A_714 = arith.constant 0 : index
    %swap3A_715 = arith.constant 768 : index
    %swap3A_716 = arith.constant 0 : index
    %swap3A_717 = vector.load %arg2[%swap3A_714, %swap3A_715, %swap3A_716] : memref<1x2048x64xf32, #tpu.memory_space<vmem>>, vector<1x64x64xf32>
    %swap3A_718 = vector.shape_cast %swap3A_717 : vector<1x64x64xf32> to vector<64x64xf32>
    %swap3A_719 = vector.shape_cast %dot_general3A_713 : vector<64x64xf32> to vector<1x64x64xf32>
    tpu.vector_store %arg2[%swap3A_714, %swap3A_715, %swap3A_716], %swap3A_719 {strides = array<i32>} : memref<1x2048x64xf32, #tpu.memory_space<vmem>>, vector<1x64x64xf32>,
    %slice3A_720 = vector.extract_strided_slice %dot_general3A_713 {offsets = [0, 0], sizes = [64, 1], strides = [1, 1]} : vector<64x64xf32> to vector<64x1xf32>
    %transpose3A_721 = tpu.transpose %slice3A_720, [1, 0] : vector<64x1xf32> -> vector<1x64xf32>
    %swap3A_722 = arith.constant 0 : index
    %swap3A_723 = arith.constant 0 : index
    %swap3A_724 = arith.constant 768 : index
    %swap3A_725 = vector.load %arg3[%swap3A_722, %swap3A_723, %swap3A_724] : memref<1x1x2048xf32, #tpu.memory_space<vmem>>, vector<1x1x64xf32>
    %swap3A_726 = vector.shape_cast %swap3A_725 : vector<1x1x64xf32> to vector<1x64xf32>
    %swap3A_727 = vector.shape_cast %transpose3A_721 : vector<1x64xf32> to vector<1x1x64xf32>
    tpu.vector_store %arg3[%swap3A_722, %swap3A_723, %swap3A_724], %swap3A_727 {strides = array<i32>} : memref<1x1x2048xf32, #tpu.memory_space<vmem>>, vector<1x1x64xf32>,
    %get3A_728 = arith.constant 0 : index
    %get3A_729 = arith.constant 832 : index
    %get3A_730 = arith.constant 0 : index
    %get3A_731 = vector.load %arg1[%get3A_728, %get3A_729, %get3A_730] : memref<1x2048x128xf32, #tpu.memory_space<vmem>>, vector<1x64x64xf32>
    %get3A_732 = vector.shape_cast %get3A_731 : vector<1x64x64xf32> to vector<64x64xf32>
    %get3A_733 = arith.constant 0 : index
    %get3A_734 = arith.constant 896 : index
    %get3A_735 = arith.constant 0 : index
    %get3A_736 = vector.load %arg1[%get3A_733, %get3A_734, %get3A_735] : memref<1x2048x128xf32, #tpu.memory_space<vmem>>, vector<1x64x64xf32>
    %get3A_737 = vector.shape_cast %get3A_736 : vector<1x64x64xf32> to vector<64x64xf32>
    %concatenate3A_738 = tpu.concatenate %get3A_732, %get3A_737 in 0 : vector<64x64xf32>, vector<64x64xf32> -> vector<128x64xf32>
    %get3A_739 = arith.constant 0 : index
    %get3A_740 = arith.constant 832 : index
    %get3A_741 = arith.constant 64 : index
    %get3A_742 = vector.load %arg1[%get3A_739, %get3A_740, %get3A_741] : memref<1x2048x128xf32, #tpu.memory_space<vmem>>, vector<1x64x64xf32>
    %get3A_743 = vector.shape_cast %get3A_742 : vector<1x64x64xf32> to vector<64x64xf32>
    %get3A_744 = arith.constant 0 : index
    %get3A_745 = arith.constant 896 : index
    %get3A_746 = arith.constant 64 : index
    %get3A_747 = vector.load %arg1[%get3A_744, %get3A_745, %get3A_746] : memref<1x2048x128xf32, #tpu.memory_space<vmem>>, vector<1x64x64xf32>
    %get3A_748 = vector.shape_cast %get3A_747 : vector<1x64x64xf32> to vector<64x64xf32>
    %concatenate3A_749 = tpu.concatenate %get3A_743, %get3A_748 in 0 : vector<64x64xf32>, vector<64x64xf32> -> vector<128x64xf32>
    %dot_general3A_750 = arith.constant dense<0.000000e+00> : vector<64x128xf32>
    %dot_general3A_751 = tpu.matmul %get3A_732, %concatenate3A_738, %dot_general3A_750 {dimension_numbers = #tpu.dot_dimension_numbers<[1], [1], [0], [0], [0, 0, 1, 0], [], []>, transpose_lhs_hint = false} : vector<64x64xf32>, vector<128x64xf32>, vector<64x128xf32> -> vector<64x128xf32>
    %div3A_752 = arith.constant 3.200000e+01 : f32
    %div3A_753 = vector.broadcast %div3A_752 : f32 to vector<64x128xf32>
    %div3A_754 = arith.divf %dot_general3A_751, %div3A_753 : vector<64x128xf32>
    %jit3A_755 = arith.constant 0xFF800000 : f32
    %broadcast_in_dim3A_756 = vector.broadcast %jit3A_755 : f32 to vector<64x128xf32>
    %select_n3A_757 = arith.select %eq3A, %broadcast_in_dim3A_756, %div3A_754 : vector<64x128xi1>, vector<64x128xf32>
    %reduce_max3A_758 = arith.constant dense<0xFF800000> : vector<64xf32>
    %reduce_max3A_759 = vector.multi_reduction <maximumf>, %select_n3A_757, %reduce_max3A_758 [1] : vector<64x128xf32> to vector<64xf32>
    %broadcast_in_dim3A_760 = vector.shape_cast %reduce_max3A_759 : vector<64xf32> to vector<64x1xf32>
    %sub3A_761 = vector.broadcast %broadcast_in_dim3A_760 : vector<64x1xf32> to vector<64x128xf32>
    %sub3A_762 = arith.subf %select_n3A_757, %sub3A_761 : vector<64x128xf32>
    %exp3A_763 = math.exp %sub3A_762 : vector<64x128xf32>
    %reduce_sum3A_764 = arith.constant dense<0.000000e+00> : vector<64xf32>
    %reduce_sum3A_765 = vector.multi_reduction <add>, %exp3A_763, %reduce_sum3A_764 [1] : vector<64x128xf32> to vector<64xf32>
    %broadcast_in_dim3A_766 = vector.shape_cast %reduce_sum3A_765 : vector<64xf32> to vector<64x1xf32>
    %div3A_767 = vector.broadcast %broadcast_in_dim3A_766 : vector<64x1xf32> to vector<64x128xf32>
    %div3A_768 = arith.divf %exp3A_763, %div3A_767 : vector<64x128xf32>
    %dot_general3A_769 = arith.constant dense<0.000000e+00> : vector<64x64xf32>
    %dot_general3A_770 = tpu.matmul %div3A_768, %concatenate3A_749, %dot_general3A_769 {dimension_numbers = #tpu.dot_dimension_numbers<[1], [0], [0], [1], [0, 0, 1, 1], [], []>, transpose_lhs_hint = false} : vector<64x128xf32>, vector<128x64xf32>, vector<64x64xf32> -> vector<64x64xf32>
    %swap3A_771 = arith.constant 0 : index
    %swap3A_772 = arith.constant 832 : index
    %swap3A_773 = arith.constant 0 : index
    %swap3A_774 = vector.load %arg2[%swap3A_771, %swap3A_772, %swap3A_773] : memref<1x2048x64xf32, #tpu.memory_space<vmem>>, vector<1x64x64xf32>
    %swap3A_775 = vector.shape_cast %swap3A_774 : vector<1x64x64xf32> to vector<64x64xf32>
    %swap3A_776 = vector.shape_cast %dot_general3A_770 : vector<64x64xf32> to vector<1x64x64xf32>
    tpu.vector_store %arg2[%swap3A_771, %swap3A_772, %swap3A_773], %swap3A_776 {strides = array<i32>} : memref<1x2048x64xf32, #tpu.memory_space<vmem>>, vector<1x64x64xf32>,
    %slice3A_777 = vector.extract_strided_slice %dot_general3A_770 {offsets = [0, 0], sizes = [64, 1], strides = [1, 1]} : vector<64x64xf32> to vector<64x1xf32>
    %transpose3A_778 = tpu.transpose %slice3A_777, [1, 0] : vector<64x1xf32> -> vector<1x64xf32>
    %swap3A_779 = arith.constant 0 : index
    %swap3A_780 = arith.constant 0 : index
    %swap3A_781 = arith.constant 832 : index
    %swap3A_782 = vector.load %arg3[%swap3A_779, %swap3A_780, %swap3A_781] : memref<1x1x2048xf32, #tpu.memory_space<vmem>>, vector<1x1x64xf32>
    %swap3A_783 = vector.shape_cast %swap3A_782 : vector<1x1x64xf32> to vector<1x64xf32>
    %swap3A_784 = vector.shape_cast %transpose3A_778 : vector<1x64xf32> to vector<1x1x64xf32>
    tpu.vector_store %arg3[%swap3A_779, %swap3A_780, %swap3A_781], %swap3A_784 {strides = array<i32>} : memref<1x1x2048xf32, #tpu.memory_space<vmem>>, vector<1x1x64xf32>,
    %get3A_785 = arith.constant 0 : index
    %get3A_786 = arith.constant 896 : index
    %get3A_787 = arith.constant 0 : index
    %get3A_788 = vector.load %arg1[%get3A_785, %get3A_786, %get3A_787] : memref<1x2048x128xf32, #tpu.memory_space<vmem>>, vector<1x64x64xf32>
    %get3A_789 = vector.shape_cast %get3A_788 : vector<1x64x64xf32> to vector<64x64xf32>
    %get3A_790 = arith.constant 0 : index
    %get3A_791 = arith.constant 960 : index
    %get3A_792 = arith.constant 0 : index
    %get3A_793 = vector.load %arg1[%get3A_790, %get3A_791, %get3A_792] : memref<1x2048x128xf32, #tpu.memory_space<vmem>>, vector<1x64x64xf32>
    %get3A_794 = vector.shape_cast %get3A_793 : vector<1x64x64xf32> to vector<64x64xf32>
    %concatenate3A_795 = tpu.concatenate %get3A_789, %get3A_794 in 0 : vector<64x64xf32>, vector<64x64xf32> -> vector<128x64xf32>
    %get3A_796 = arith.constant 0 : index
    %get3A_797 = arith.constant 896 : index
    %get3A_798 = arith.constant 64 : index
    %get3A_799 = vector.load %arg1[%get3A_796, %get3A_797, %get3A_798] : memref<1x2048x128xf32, #tpu.memory_space<vmem>>, vector<1x64x64xf32>
    %get3A_800 = vector.shape_cast %get3A_799 : vector<1x64x64xf32> to vector<64x64xf32>
    %get3A_801 = arith.constant 0 : index
    %get3A_802 = arith.constant 960 : index
    %get3A_803 = arith.constant 64 : index
    %get3A_804 = vector.load %arg1[%get3A_801, %get3A_802, %get3A_803] : memref<1x2048x128xf32, #tpu.memory_space<vmem>>, vector<1x64x64xf32>
    %get3A_805 = vector.shape_cast %get3A_804 : vector<1x64x64xf32> to vector<64x64xf32>
    %concatenate3A_806 = tpu.concatenate %get3A_800, %get3A_805 in 0 : vector<64x64xf32>, vector<64x64xf32> -> vector<128x64xf32>
    %dot_general3A_807 = arith.constant dense<0.000000e+00> : vector<64x128xf32>
    %dot_general3A_808 = tpu.matmul %get3A_789, %concatenate3A_795, %dot_general3A_807 {dimension_numbers = #tpu.dot_dimension_numbers<[1], [1], [0], [0], [0, 0, 1, 0], [], []>, transpose_lhs_hint = false} : vector<64x64xf32>, vector<128x64xf32>, vector<64x128xf32> -> vector<64x128xf32>
    %div3A_809 = arith.constant 3.200000e+01 : f32
    %div3A_810 = vector.broadcast %div3A_809 : f32 to vector<64x128xf32>
    %div3A_811 = arith.divf %dot_general3A_808, %div3A_810 : vector<64x128xf32>
    %jit3A_812 = arith.constant 0xFF800000 : f32
    %broadcast_in_dim3A_813 = vector.broadcast %jit3A_812 : f32 to vector<64x128xf32>
    %select_n3A_814 = arith.select %eq3A, %broadcast_in_dim3A_813, %div3A_811 : vector<64x128xi1>, vector<64x128xf32>
    %reduce_max3A_815 = arith.constant dense<0xFF800000> : vector<64xf32>
    %reduce_max3A_816 = vector.multi_reduction <maximumf>, %select_n3A_814, %reduce_max3A_815 [1] : vector<64x128xf32> to vector<64xf32>
    %broadcast_in_dim3A_817 = vector.shape_cast %reduce_max3A_816 : vector<64xf32> to vector<64x1xf32>
    %sub3A_818 = vector.broadcast %broadcast_in_dim3A_817 : vector<64x1xf32> to vector<64x128xf32>
    %sub3A_819 = arith.subf %select_n3A_814, %sub3A_818 : vector<64x128xf32>
    %exp3A_820 = math.exp %sub3A_819 : vector<64x128xf32>
    %reduce_sum3A_821 = arith.constant dense<0.000000e+00> : vector<64xf32>
    %reduce_sum3A_822 = vector.multi_reduction <add>, %exp3A_820, %reduce_sum3A_821 [1] : vector<64x128xf32> to vector<64xf32>
    %broadcast_in_dim3A_823 = vector.shape_cast %reduce_sum3A_822 : vector<64xf32> to vector<64x1xf32>
    %div3A_824 = vector.broadcast %broadcast_in_dim3A_823 : vector<64x1xf32> to vector<64x128xf32>
    %div3A_825 = arith.divf %exp3A_820, %div3A_824 : vector<64x128xf32>
    %dot_general3A_826 = arith.constant dense<0.000000e+00> : vector<64x64xf32>
    %dot_general3A_827 = tpu.matmul %div3A_825, %concatenate3A_806, %dot_general3A_826 {dimension_numbers = #tpu.dot_dimension_numbers<[1], [0], [0], [1], [0, 0, 1, 1], [], []>, transpose_lhs_hint = false} : vector<64x128xf32>, vector<128x64xf32>, vector<64x64xf32> -> vector<64x64xf32>
    %swap3A_828 = arith.constant 0 : index
    %swap3A_829 = arith.constant 896 : index
    %swap3A_830 = arith.constant 0 : index
    %swap3A_831 = vector.load %arg2[%swap3A_828, %swap3A_829, %swap3A_830] : memref<1x2048x64xf32, #tpu.memory_space<vmem>>, vector<1x64x64xf32>
    %swap3A_832 = vector.shape_cast %swap3A_831 : vector<1x64x64xf32> to vector<64x64xf32>
    %swap3A_833 = vector.shape_cast %dot_general3A_827 : vector<64x64xf32> to vector<1x64x64xf32>
    tpu.vector_store %arg2[%swap3A_828, %swap3A_829, %swap3A_830], %swap3A_833 {strides = array<i32>} : memref<1x2048x64xf32, #tpu.memory_space<vmem>>, vector<1x64x64xf32>,
    %slice3A_834 = vector.extract_strided_slice %dot_general3A_827 {offsets = [0, 0], sizes = [64, 1], strides = [1, 1]} : vector<64x64xf32> to vector<64x1xf32>
    %transpose3A_835 = tpu.transpose %slice3A_834, [1, 0] : vector<64x1xf32> -> vector<1x64xf32>
    %swap3A_836 = arith.constant 0 : index
    %swap3A_837 = arith.constant 0 : index
    %swap3A_838 = arith.constant 896 : index
    %swap3A_839 = vector.load %arg3[%swap3A_836, %swap3A_837, %swap3A_838] : memref<1x1x2048xf32, #tpu.memory_space<vmem>>, vector<1x1x64xf32>
    %swap3A_840 = vector.shape_cast %swap3A_839 : vector<1x1x64xf32> to vector<1x64xf32>
    %swap3A_841 = vector.shape_cast %transpose3A_835 : vector<1x64xf32> to vector<1x1x64xf32>
    tpu.vector_store %arg3[%swap3A_836, %swap3A_837, %swap3A_838], %swap3A_841 {strides = array<i32>} : memref<1x1x2048xf32, #tpu.memory_space<vmem>>, vector<1x1x64xf32>,
    %get3A_842 = arith.constant 0 : index
    %get3A_843 = arith.constant 960 : index
    %get3A_844 = arith.constant 0 : index
    %get3A_845 = vector.load %arg1[%get3A_842, %get3A_843, %get3A_844] : memref<1x2048x128xf32, #tpu.memory_space<vmem>>, vector<1x64x64xf32>
    %get3A_846 = vector.shape_cast %get3A_845 : vector<1x64x64xf32> to vector<64x64xf32>
    %get3A_847 = arith.constant 0 : index
    %get3A_848 = arith.constant 1024 : index
    %get3A_849 = arith.constant 0 : index
    %get3A_850 = vector.load %arg1[%get3A_847, %get3A_848, %get3A_849] : memref<1x2048x128xf32, #tpu.memory_space<vmem>>, vector<1x64x64xf32>
    %get3A_851 = vector.shape_cast %get3A_850 : vector<1x64x64xf32> to vector<64x64xf32>
    %concatenate3A_852 = tpu.concatenate %get3A_846, %get3A_851 in 0 : vector<64x64xf32>, vector<64x64xf32> -> vector<128x64xf32>
    %get3A_853 = arith.constant 0 : index
    %get3A_854 = arith.constant 960 : index
    %get3A_855 = arith.constant 64 : index
    %get3A_856 = vector.load %arg1[%get3A_853, %get3A_854, %get3A_855] : memref<1x2048x128xf32, #tpu.memory_space<vmem>>, vector<1x64x64xf32>
    %get3A_857 = vector.shape_cast %get3A_856 : vector<1x64x64xf32> to vector<64x64xf32>
    %get3A_858 = arith.constant 0 : index
    %get3A_859 = arith.constant 1024 : index
    %get3A_860 = arith.constant 64 : index
    %get3A_861 = vector.load %arg1[%get3A_858, %get3A_859, %get3A_860] : memref<1x2048x128xf32, #tpu.memory_space<vmem>>, vector<1x64x64xf32>
    %get3A_862 = vector.shape_cast %get3A_861 : vector<1x64x64xf32> to vector<64x64xf32>
    %concatenate3A_863 = tpu.concatenate %get3A_857, %get3A_862 in 0 : vector<64x64xf32>, vector<64x64xf32> -> vector<128x64xf32>
    %dot_general3A_864 = arith.constant dense<0.000000e+00> : vector<64x128xf32>
    %dot_general3A_865 = tpu.matmul %get3A_846, %concatenate3A_852, %dot_general3A_864 {dimension_numbers = #tpu.dot_dimension_numbers<[1], [1], [0], [0], [0, 0, 1, 0], [], []>, transpose_lhs_hint = false} : vector<64x64xf32>, vector<128x64xf32>, vector<64x128xf32> -> vector<64x128xf32>
    %div3A_866 = arith.constant 3.200000e+01 : f32
    %div3A_867 = vector.broadcast %div3A_866 : f32 to vector<64x128xf32>
    %div3A_868 = arith.divf %dot_general3A_865, %div3A_867 : vector<64x128xf32>
    %jit3A_869 = arith.constant 0xFF800000 : f32
    %broadcast_in_dim3A_870 = vector.broadcast %jit3A_869 : f32 to vector<64x128xf32>
    %select_n3A_871 = arith.select %eq3A, %broadcast_in_dim3A_870, %div3A_868 : vector<64x128xi1>, vector<64x128xf32>
    %reduce_max3A_872 = arith.constant dense<0xFF800000> : vector<64xf32>
    %reduce_max3A_873 = vector.multi_reduction <maximumf>, %select_n3A_871, %reduce_max3A_872 [1] : vector<64x128xf32> to vector<64xf32>
    %broadcast_in_dim3A_874 = vector.shape_cast %reduce_max3A_873 : vector<64xf32> to vector<64x1xf32>
    %sub3A_875 = vector.broadcast %broadcast_in_dim3A_874 : vector<64x1xf32> to vector<64x128xf32>
    %sub3A_876 = arith.subf %select_n3A_871, %sub3A_875 : vector<64x128xf32>
    %exp3A_877 = math.exp %sub3A_876 : vector<64x128xf32>
    %reduce_sum3A_878 = arith.constant dense<0.000000e+00> : vector<64xf32>
    %reduce_sum3A_879 = vector.multi_reduction <add>, %exp3A_877, %reduce_sum3A_878 [1] : vector<64x128xf32> to vector<64xf32>
    %broadcast_in_dim3A_880 = vector.shape_cast %reduce_sum3A_879 : vector<64xf32> to vector<64x1xf32>
    %div3A_881 = vector.broadcast %broadcast_in_dim3A_880 : vector<64x1xf32> to vector<64x128xf32>
    %div3A_882 = arith.divf %exp3A_877, %div3A_881 : vector<64x128xf32>
    %dot_general3A_883 = arith.constant dense<0.000000e+00> : vector<64x64xf32>
    %dot_general3A_884 = tpu.matmul %div3A_882, %concatenate3A_863, %dot_general3A_883 {dimension_numbers = #tpu.dot_dimension_numbers<[1], [0], [0], [1], [0, 0, 1, 1], [], []>, transpose_lhs_hint = false} : vector<64x128xf32>, vector<128x64xf32>, vector<64x64xf32> -> vector<64x64xf32>
    %swap3A_885 = arith.constant 0 : index
    %swap3A_886 = arith.constant 960 : index
    %swap3A_887 = arith.constant 0 : index
    %swap3A_888 = vector.load %arg2[%swap3A_885, %swap3A_886, %swap3A_887] : memref<1x2048x64xf32, #tpu.memory_space<vmem>>, vector<1x64x64xf32>
    %swap3A_889 = vector.shape_cast %swap3A_888 : vector<1x64x64xf32> to vector<64x64xf32>
    %swap3A_890 = vector.shape_cast %dot_general3A_884 : vector<64x64xf32> to vector<1x64x64xf32>
    tpu.vector_store %arg2[%swap3A_885, %swap3A_886, %swap3A_887], %swap3A_890 {strides = array<i32>} : memref<1x2048x64xf32, #tpu.memory_space<vmem>>, vector<1x64x64xf32>,
    %slice3A_891 = vector.extract_strided_slice %dot_general3A_884 {offsets = [0, 0], sizes = [64, 1], strides = [1, 1]} : vector<64x64xf32> to vector<64x1xf32>
    %transpose3A_892 = tpu.transpose %slice3A_891, [1, 0] : vector<64x1xf32> -> vector<1x64xf32>
    %swap3A_893 = arith.constant 0 : index
    %swap3A_894 = arith.constant 0 : index
    %swap3A_895 = arith.constant 960 : index
    %swap3A_896 = vector.load %arg3[%swap3A_893, %swap3A_894, %swap3A_895] : memref<1x1x2048xf32, #tpu.memory_space<vmem>>, vector<1x1x64xf32>
    %swap3A_897 = vector.shape_cast %swap3A_896 : vector<1x1x64xf32> to vector<1x64xf32>
    %swap3A_898 = vector.shape_cast %transpose3A_892 : vector<1x64xf32> to vector<1x1x64xf32>
    tpu.vector_store %arg3[%swap3A_893, %swap3A_894, %swap3A_895], %swap3A_898 {strides = array<i32>} : memref<1x1x2048xf32, #tpu.memory_space<vmem>>, vector<1x1x64xf32>,
    %get3A_899 = arith.constant 0 : index
    %get3A_900 = arith.constant 1024 : index
    %get3A_901 = arith.constant 0 : index
    %get3A_902 = vector.load %arg1[%get3A_899, %get3A_900, %get3A_901] : memref<1x2048x128xf32, #tpu.memory_space<vmem>>, vector<1x64x64xf32>
    %get3A_903 = vector.shape_cast %get3A_902 : vector<1x64x64xf32> to vector<64x64xf32>
    %get3A_904 = arith.constant 0 : index
    %get3A_905 = arith.constant 1088 : index
    %get3A_906 = arith.constant 0 : index
    %get3A_907 = vector.load %arg1[%get3A_904, %get3A_905, %get3A_906] : memref<1x2048x128xf32, #tpu.memory_space<vmem>>, vector<1x64x64xf32>
    %get3A_908 = vector.shape_cast %get3A_907 : vector<1x64x64xf32> to vector<64x64xf32>
    %concatenate3A_909 = tpu.concatenate %get3A_903, %get3A_908 in 0 : vector<64x64xf32>, vector<64x64xf32> -> vector<128x64xf32>
    %get3A_910 = arith.constant 0 : index
    %get3A_911 = arith.constant 1024 : index
    %get3A_912 = arith.constant 64 : index
    %get3A_913 = vector.load %arg1[%get3A_910, %get3A_911, %get3A_912] : memref<1x2048x128xf32, #tpu.memory_space<vmem>>, vector<1x64x64xf32>
    %get3A_914 = vector.shape_cast %get3A_913 : vector<1x64x64xf32> to vector<64x64xf32>
    %get3A_915 = arith.constant 0 : index
    %get3A_916 = arith.constant 1088 : index
    %get3A_917 = arith.constant 64 : index
    %get3A_918 = vector.load %arg1[%get3A_915, %get3A_916, %get3A_917] : memref<1x2048x128xf32, #tpu.memory_space<vmem>>, vector<1x64x64xf32>
    %get3A_919 = vector.shape_cast %get3A_918 : vector<1x64x64xf32> to vector<64x64xf32>
    %concatenate3A_920 = tpu.concatenate %get3A_914, %get3A_919 in 0 : vector<64x64xf32>, vector<64x64xf32> -> vector<128x64xf32>
    %dot_general3A_921 = arith.constant dense<0.000000e+00> : vector<64x128xf32>
    %dot_general3A_922 = tpu.matmul %get3A_903, %concatenate3A_909, %dot_general3A_921 {dimension_numbers = #tpu.dot_dimension_numbers<[1], [1], [0], [0], [0, 0, 1, 0], [], []>, transpose_lhs_hint = false} : vector<64x64xf32>, vector<128x64xf32>, vector<64x128xf32> -> vector<64x128xf32>
    %div3A_923 = arith.constant 3.200000e+01 : f32
    %div3A_924 = vector.broadcast %div3A_923 : f32 to vector<64x128xf32>
    %div3A_925 = arith.divf %dot_general3A_922, %div3A_924 : vector<64x128xf32>
    %jit3A_926 = arith.constant 0xFF800000 : f32
    %broadcast_in_dim3A_927 = vector.broadcast %jit3A_926 : f32 to vector<64x128xf32>
    %select_n3A_928 = arith.select %eq3A, %broadcast_in_dim3A_927, %div3A_925 : vector<64x128xi1>, vector<64x128xf32>
    %reduce_max3A_929 = arith.constant dense<0xFF800000> : vector<64xf32>
    %reduce_max3A_930 = vector.multi_reduction <maximumf>, %select_n3A_928, %reduce_max3A_929 [1] : vector<64x128xf32> to vector<64xf32>
    %broadcast_in_dim3A_931 = vector.shape_cast %reduce_max3A_930 : vector<64xf32> to vector<64x1xf32>
    %sub3A_932 = vector.broadcast %broadcast_in_dim3A_931 : vector<64x1xf32> to vector<64x128xf32>
    %sub3A_933 = arith.subf %select_n3A_928, %sub3A_932 : vector<64x128xf32>
    %exp3A_934 = math.exp %sub3A_933 : vector<64x128xf32>
    %reduce_sum3A_935 = arith.constant dense<0.000000e+00> : vector<64xf32>
    %reduce_sum3A_936 = vector.multi_reduction <add>, %exp3A_934, %reduce_sum3A_935 [1] : vector<64x128xf32> to vector<64xf32>
    %broadcast_in_dim3A_937 = vector.shape_cast %reduce_sum3A_936 : vector<64xf32> to vector<64x1xf32>
    %div3A_938 = vector.broadcast %broadcast_in_dim3A_937 : vector<64x1xf32> to vector<64x128xf32>
    %div3A_939 = arith.divf %exp3A_934, %div3A_938 : vector<64x128xf32>
    %dot_general3A_940 = arith.constant dense<0.000000e+00> : vector<64x64xf32>
    %dot_general3A_941 = tpu.matmul %div3A_939, %concatenate3A_920, %dot_general3A_940 {dimension_numbers = #tpu.dot_dimension_numbers<[1], [0], [0], [1], [0, 0, 1, 1], [], []>, transpose_lhs_hint = false} : vector<64x128xf32>, vector<128x64xf32>, vector<64x64xf32> -> vector<64x64xf32>
    %swap3A_942 = arith.constant 0 : index
    %swap3A_943 = arith.constant 1024 : index
    %swap3A_944 = arith.constant 0 : index
    %swap3A_945 = vector.load %arg2[%swap3A_942, %swap3A_943, %swap3A_944] : memref<1x2048x64xf32, #tpu.memory_space<vmem>>, vector<1x64x64xf32>
    %swap3A_946 = vector.shape_cast %swap3A_945 : vector<1x64x64xf32> to vector<64x64xf32>
    %swap3A_947 = vector.shape_cast %dot_general3A_941 : vector<64x64xf32> to vector<1x64x64xf32>
    tpu.vector_store %arg2[%swap3A_942, %swap3A_943, %swap3A_944], %swap3A_947 {strides = array<i32>} : memref<1x2048x64xf32, #tpu.memory_space<vmem>>, vector<1x64x64xf32>,
    %slice3A_948 = vector.extract_strided_slice %dot_general3A_941 {offsets = [0, 0], sizes = [64, 1], strides = [1, 1]} : vector<64x64xf32> to vector<64x1xf32>
    %transpose3A_949 = tpu.transpose %slice3A_948, [1, 0] : vector<64x1xf32> -> vector<1x64xf32>
    %swap3A_950 = arith.constant 0 : index
    %swap3A_951 = arith.constant 0 : index
    %swap3A_952 = arith.constant 1024 : index
    %swap3A_953 = vector.load %arg3[%swap3A_950, %swap3A_951, %swap3A_952] : memref<1x1x2048xf32, #tpu.memory_space<vmem>>, vector<1x1x64xf32>
    %swap3A_954 = vector.shape_cast %swap3A_953 : vector<1x1x64xf32> to vector<1x64xf32>
    %swap3A_955 = vector.shape_cast %transpose3A_949 : vector<1x64xf32> to vector<1x1x64xf32>
    tpu.vector_store %arg3[%swap3A_950, %swap3A_951, %swap3A_952], %swap3A_955 {strides = array<i32>} : memref<1x1x2048xf32, #tpu.memory_space<vmem>>, vector<1x1x64xf32>,
    %get3A_956 = arith.constant 0 : index
    %get3A_957 = arith.constant 1088 : index
    %get3A_958 = arith.constant 0 : index
    %get3A_959 = vector.load %arg1[%get3A_956, %get3A_957, %get3A_958] : memref<1x2048x128xf32, #tpu.memory_space<vmem>>, vector<1x64x64xf32>
    %get3A_960 = vector.shape_cast %get3A_959 : vector<1x64x64xf32> to vector<64x64xf32>
    %get3A_961 = arith.constant 0 : index
    %get3A_962 = arith.constant 1152 : index
    %get3A_963 = arith.constant 0 : index
    %get3A_964 = vector.load %arg1[%get3A_961, %get3A_962, %get3A_963] : memref<1x2048x128xf32, #tpu.memory_space<vmem>>, vector<1x64x64xf32>
    %get3A_965 = vector.shape_cast %get3A_964 : vector<1x64x64xf32> to vector<64x64xf32>
    %concatenate3A_966 = tpu.concatenate %get3A_960, %get3A_965 in 0 : vector<64x64xf32>, vector<64x64xf32> -> vector<128x64xf32>
    %get3A_967 = arith.constant 0 : index
    %get3A_968 = arith.constant 1088 : index
    %get3A_969 = arith.constant 64 : index
    %get3A_970 = vector.load %arg1[%get3A_967, %get3A_968, %get3A_969] : memref<1x2048x128xf32, #tpu.memory_space<vmem>>, vector<1x64x64xf32>
    %get3A_971 = vector.shape_cast %get3A_970 : vector<1x64x64xf32> to vector<64x64xf32>
    %get3A_972 = arith.constant 0 : index
    %get3A_973 = arith.constant 1152 : index
    %get3A_974 = arith.constant 64 : index
    %get3A_975 = vector.load %arg1[%get3A_972, %get3A_973, %get3A_974] : memref<1x2048x128xf32, #tpu.memory_space<vmem>>, vector<1x64x64xf32>
    %get3A_976 = vector.shape_cast %get3A_975 : vector<1x64x64xf32> to vector<64x64xf32>
    %concatenate3A_977 = tpu.concatenate %get3A_971, %get3A_976 in 0 : vector<64x64xf32>, vector<64x64xf32> -> vector<128x64xf32>
    %dot_general3A_978 = arith.constant dense<0.000000e+00> : vector<64x128xf32>
    %dot_general3A_979 = tpu.matmul %get3A_960, %concatenate3A_966, %dot_general3A_978 {dimension_numbers = #tpu.dot_dimension_numbers<[1], [1], [0], [0], [0, 0, 1, 0], [], []>, transpose_lhs_hint = false} : vector<64x64xf32>, vector<128x64xf32>, vector<64x128xf32> -> vector<64x128xf32>
    %div3A_980 = arith.constant 3.200000e+01 : f32
    %div3A_981 = vector.broadcast %div3A_980 : f32 to vector<64x128xf32>
    %div3A_982 = arith.divf %dot_general3A_979, %div3A_981 : vector<64x128xf32>
    %jit3A_983 = arith.constant 0xFF800000 : f32
    %broadcast_in_dim3A_984 = vector.broadcast %jit3A_983 : f32 to vector<64x128xf32>
    %select_n3A_985 = arith.select %eq3A, %broadcast_in_dim3A_984, %div3A_982 : vector<64x128xi1>, vector<64x128xf32>
    %reduce_max3A_986 = arith.constant dense<0xFF800000> : vector<64xf32>
    %reduce_max3A_987 = vector.multi_reduction <maximumf>, %select_n3A_985, %reduce_max3A_986 [1] : vector<64x128xf32> to vector<64xf32>
    %broadcast_in_dim3A_988 = vector.shape_cast %reduce_max3A_987 : vector<64xf32> to vector<64x1xf32>
    %sub3A_989 = vector.broadcast %broadcast_in_dim3A_988 : vector<64x1xf32> to vector<64x128xf32>
    %sub3A_990 = arith.subf %select_n3A_985, %sub3A_989 : vector<64x128xf32>
    %exp3A_991 = math.exp %sub3A_990 : vector<64x128xf32>
    %reduce_sum3A_992 = arith.constant dense<0.000000e+00> : vector<64xf32>
    %reduce_sum3A_993 = vector.multi_reduction <add>, %exp3A_991, %reduce_sum3A_992 [1] : vector<64x128xf32> to vector<64xf32>
    %broadcast_in_dim3A_994 = vector.shape_cast %reduce_sum3A_993 : vector<64xf32> to vector<64x1xf32>
    %div3A_995 = vector.broadcast %broadcast_in_dim3A_994 : vector<64x1xf32> to vector<64x128xf32>
    %div3A_996 = arith.divf %exp3A_991, %div3A_995 : vector<64x128xf32>
    %dot_general3A_997 = arith.constant dense<0.000000e+00> : vector<64x64xf32>
    %dot_general3A_998 = tpu.matmul %div3A_996, %concatenate3A_977, %dot_general3A_997 {dimension_numbers = #tpu.dot_dimension_numbers<[1], [0], [0], [1], [0, 0, 1, 1], [], []>, transpose_lhs_hint = false} : vector<64x128xf32>, vector<128x64xf32>, vector<64x64xf32> -> vector<64x64xf32>
    %swap3A_999 = arith.constant 0 : index
    %swap3A_1000 = arith.constant 1088 : index
    %swap3A_1001 = arith.constant 0 : index
    %swap3A_1002 = vector.load %arg2[%swap3A_999, %swap3A_1000, %swap3A_1001] : memref<1x2048x64xf32, #tpu.memory_space<vmem>>, vector<1x64x64xf32>
    %swap3A_1003 = vector.shape_cast %swap3A_1002 : vector<1x64x64xf32> to vector<64x64xf32>
    %swap3A_1004 = vector.shape_cast %dot_general3A_998 : vector<64x64xf32> to vector<1x64x64xf32>
    tpu.vector_store %arg2[%swap3A_999, %swap3A_1000, %swap3A_1001], %swap3A_1004 {strides = array<i32>} : memref<1x2048x64xf32, #tpu.memory_space<vmem>>, vector<1x64x64xf32>,
    %slice3A_1005 = vector.extract_strided_slice %dot_general3A_998 {offsets = [0, 0], sizes = [64, 1], strides = [1, 1]} : vector<64x64xf32> to vector<64x1xf32>
    %transpose3A_1006 = tpu.transpose %slice3A_1005, [1, 0] : vector<64x1xf32> -> vector<1x64xf32>
    %swap3A_1007 = arith.constant 0 : index
    %swap3A_1008 = arith.constant 0 : index
    %swap3A_1009 = arith.constant 1088 : index
    %swap3A_1010 = vector.load %arg3[%swap3A_1007, %swap3A_1008, %swap3A_1009] : memref<1x1x2048xf32, #tpu.memory_space<vmem>>, vector<1x1x64xf32>
    %swap3A_1011 = vector.shape_cast %swap3A_1010 : vector<1x1x64xf32> to vector<1x64xf32>
    %swap3A_1012 = vector.shape_cast %transpose3A_1006 : vector<1x64xf32> to vector<1x1x64xf32>
    tpu.vector_store %arg3[%swap3A_1007, %swap3A_1008, %swap3A_1009], %swap3A_1012 {strides = array<i32>} : memref<1x1x2048xf32, #tpu.memory_space<vmem>>, vector<1x1x64xf32>,
    %get3A_1013 = arith.constant 0 : index
    %get3A_1014 = arith.constant 1152 : index
    %get3A_1015 = arith.constant 0 : index
    %get3A_1016 = vector.load %arg1[%get3A_1013, %get3A_1014, %get3A_1015] : memref<1x2048x128xf32, #tpu.memory_space<vmem>>, vector<1x64x64xf32>
    %get3A_1017 = vector.shape_cast %get3A_1016 : vector<1x64x64xf32> to vector<64x64xf32>
    %get3A_1018 = arith.constant 0 : index
    %get3A_1019 = arith.constant 1216 : index
    %get3A_1020 = arith.constant 0 : index
    %get3A_1021 = vector.load %arg1[%get3A_1018, %get3A_1019, %get3A_1020] : memref<1x2048x128xf32, #tpu.memory_space<vmem>>, vector<1x64x64xf32>
    %get3A_1022 = vector.shape_cast %get3A_1021 : vector<1x64x64xf32> to vector<64x64xf32>
    %concatenate3A_1023 = tpu.concatenate %get3A_1017, %get3A_1022 in 0 : vector<64x64xf32>, vector<64x64xf32> -> vector<128x64xf32>
    %get3A_1024 = arith.constant 0 : index
    %get3A_1025 = arith.constant 1152 : index
    %get3A_1026 = arith.constant 64 : index
    %get3A_1027 = vector.load %arg1[%get3A_1024, %get3A_1025, %get3A_1026] : memref<1x2048x128xf32, #tpu.memory_space<vmem>>, vector<1x64x64xf32>
    %get3A_1028 = vector.shape_cast %get3A_1027 : vector<1x64x64xf32> to vector<64x64xf32>
    %get3A_1029 = arith.constant 0 : index
    %get3A_1030 = arith.constant 1216 : index
    %get3A_1031 = arith.constant 64 : index
    %get3A_1032 = vector.load %arg1[%get3A_1029, %get3A_1030, %get3A_1031] : memref<1x2048x128xf32, #tpu.memory_space<vmem>>, vector<1x64x64xf32>
    %get3A_1033 = vector.shape_cast %get3A_1032 : vector<1x64x64xf32> to vector<64x64xf32>
    %concatenate3A_1034 = tpu.concatenate %get3A_1028, %get3A_1033 in 0 : vector<64x64xf32>, vector<64x64xf32> -> vector<128x64xf32>
    %dot_general3A_1035 = arith.constant dense<0.000000e+00> : vector<64x128xf32>
    %dot_general3A_1036 = tpu.matmul %get3A_1017, %concatenate3A_1023, %dot_general3A_1035 {dimension_numbers = #tpu.dot_dimension_numbers<[1], [1], [0], [0], [0, 0, 1, 0], [], []>, transpose_lhs_hint = false} : vector<64x64xf32>, vector<128x64xf32>, vector<64x128xf32> -> vector<64x128xf32>
    %div3A_1037 = arith.constant 3.200000e+01 : f32
    %div3A_1038 = vector.broadcast %div3A_1037 : f32 to vector<64x128xf32>
    %div3A_1039 = arith.divf %dot_general3A_1036, %div3A_1038 : vector<64x128xf32>
    %jit3A_1040 = arith.constant 0xFF800000 : f32
    %broadcast_in_dim3A_1041 = vector.broadcast %jit3A_1040 : f32 to vector<64x128xf32>
    %select_n3A_1042 = arith.select %eq3A, %broadcast_in_dim3A_1041, %div3A_1039 : vector<64x128xi1>, vector<64x128xf32>
    %reduce_max3A_1043 = arith.constant dense<0xFF800000> : vector<64xf32>
    %reduce_max3A_1044 = vector.multi_reduction <maximumf>, %select_n3A_1042, %reduce_max3A_1043 [1] : vector<64x128xf32> to vector<64xf32>
    %broadcast_in_dim3A_1045 = vector.shape_cast %reduce_max3A_1044 : vector<64xf32> to vector<64x1xf32>
    %sub3A_1046 = vector.broadcast %broadcast_in_dim3A_1045 : vector<64x1xf32> to vector<64x128xf32>
    %sub3A_1047 = arith.subf %select_n3A_1042, %sub3A_1046 : vector<64x128xf32>
    %exp3A_1048 = math.exp %sub3A_1047 : vector<64x128xf32>
    %reduce_sum3A_1049 = arith.constant dense<0.000000e+00> : vector<64xf32>
    %reduce_sum3A_1050 = vector.multi_reduction <add>, %exp3A_1048, %reduce_sum3A_1049 [1] : vector<64x128xf32> to vector<64xf32>
    %broadcast_in_dim3A_1051 = vector.shape_cast %reduce_sum3A_1050 : vector<64xf32> to vector<64x1xf32>
    %div3A_1052 = vector.broadcast %broadcast_in_dim3A_1051 : vector<64x1xf32> to vector<64x128xf32>
    %div3A_1053 = arith.divf %exp3A_1048, %div3A_1052 : vector<64x128xf32>
    %dot_general3A_1054 = arith.constant dense<0.000000e+00> : vector<64x64xf32>
    %dot_general3A_1055 = tpu.matmul %div3A_1053, %concatenate3A_1034, %dot_general3A_1054 {dimension_numbers = #tpu.dot_dimension_numbers<[1], [0], [0], [1], [0, 0, 1, 1], [], []>, transpose_lhs_hint = false} : vector<64x128xf32>, vector<128x64xf32>, vector<64x64xf32> -> vector<64x64xf32>
    %swap3A_1056 = arith.constant 0 : index
    %swap3A_1057 = arith.constant 1152 : index
    %swap3A_1058 = arith.constant 0 : index
    %swap3A_1059 = vector.load %arg2[%swap3A_1056, %swap3A_1057, %swap3A_1058] : memref<1x2048x64xf32, #tpu.memory_space<vmem>>, vector<1x64x64xf32>
    %swap3A_1060 = vector.shape_cast %swap3A_1059 : vector<1x64x64xf32> to vector<64x64xf32>
    %swap3A_1061 = vector.shape_cast %dot_general3A_1055 : vector<64x64xf32> to vector<1x64x64xf32>
    tpu.vector_store %arg2[%swap3A_1056, %swap3A_1057, %swap3A_1058], %swap3A_1061 {strides = array<i32>} : memref<1x2048x64xf32, #tpu.memory_space<vmem>>, vector<1x64x64xf32>,
    %slice3A_1062 = vector.extract_strided_slice %dot_general3A_1055 {offsets = [0, 0], sizes = [64, 1], strides = [1, 1]} : vector<64x64xf32> to vector<64x1xf32>
    %transpose3A_1063 = tpu.transpose %slice3A_1062, [1, 0] : vector<64x1xf32> -> vector<1x64xf32>
    %swap3A_1064 = arith.constant 0 : index
    %swap3A_1065 = arith.constant 0 : index
    %swap3A_1066 = arith.constant 1152 : index
    %swap3A_1067 = vector.load %arg3[%swap3A_1064, %swap3A_1065, %swap3A_1066] : memref<1x1x2048xf32, #tpu.memory_space<vmem>>, vector<1x1x64xf32>
    %swap3A_1068 = vector.shape_cast %swap3A_1067 : vector<1x1x64xf32> to vector<1x64xf32>
    %swap3A_1069 = vector.shape_cast %transpose3A_1063 : vector<1x64xf32> to vector<1x1x64xf32>
    tpu.vector_store %arg3[%swap3A_1064, %swap3A_1065, %swap3A_1066], %swap3A_1069 {strides = array<i32>} : memref<1x1x2048xf32, #tpu.memory_space<vmem>>, vector<1x1x64xf32>,
    %get3A_1070 = arith.constant 0 : index
    %get3A_1071 = arith.constant 1216 : index
    %get3A_1072 = arith.constant 0 : index
    %get3A_1073 = vector.load %arg1[%get3A_1070, %get3A_1071, %get3A_1072] : memref<1x2048x128xf32, #tpu.memory_space<vmem>>, vector<1x64x64xf32>
    %get3A_1074 = vector.shape_cast %get3A_1073 : vector<1x64x64xf32> to vector<64x64xf32>
    %get3A_1075 = arith.constant 0 : index
    %get3A_1076 = arith.constant 1280 : index
    %get3A_1077 = arith.constant 0 : index
    %get3A_1078 = vector.load %arg1[%get3A_1075, %get3A_1076, %get3A_1077] : memref<1x2048x128xf32, #tpu.memory_space<vmem>>, vector<1x64x64xf32>
    %get3A_1079 = vector.shape_cast %get3A_1078 : vector<1x64x64xf32> to vector<64x64xf32>
    %concatenate3A_1080 = tpu.concatenate %get3A_1074, %get3A_1079 in 0 : vector<64x64xf32>, vector<64x64xf32> -> vector<128x64xf32>
    %get3A_1081 = arith.constant 0 : index
    %get3A_1082 = arith.constant 1216 : index
    %get3A_1083 = arith.constant 64 : index
    %get3A_1084 = vector.load %arg1[%get3A_1081, %get3A_1082, %get3A_1083] : memref<1x2048x128xf32, #tpu.memory_space<vmem>>, vector<1x64x64xf32>
    %get3A_1085 = vector.shape_cast %get3A_1084 : vector<1x64x64xf32> to vector<64x64xf32>
    %get3A_1086 = arith.constant 0 : index
    %get3A_1087 = arith.constant 1280 : index
    %get3A_1088 = arith.constant 64 : index
    %get3A_1089 = vector.load %arg1[%get3A_1086, %get3A_1087, %get3A_1088] : memref<1x2048x128xf32, #tpu.memory_space<vmem>>, vector<1x64x64xf32>
    %get3A_1090 = vector.shape_cast %get3A_1089 : vector<1x64x64xf32> to vector<64x64xf32>
    %concatenate3A_1091 = tpu.concatenate %get3A_1085, %get3A_1090 in 0 : vector<64x64xf32>, vector<64x64xf32> -> vector<128x64xf32>
    %dot_general3A_1092 = arith.constant dense<0.000000e+00> : vector<64x128xf32>
    %dot_general3A_1093 = tpu.matmul %get3A_1074, %concatenate3A_1080, %dot_general3A_1092 {dimension_numbers = #tpu.dot_dimension_numbers<[1], [1], [0], [0], [0, 0, 1, 0], [], []>, transpose_lhs_hint = false} : vector<64x64xf32>, vector<128x64xf32>, vector<64x128xf32> -> vector<64x128xf32>
    %div3A_1094 = arith.constant 3.200000e+01 : f32
    %div3A_1095 = vector.broadcast %div3A_1094 : f32 to vector<64x128xf32>
    %div3A_1096 = arith.divf %dot_general3A_1093, %div3A_1095 : vector<64x128xf32>
    %jit3A_1097 = arith.constant 0xFF800000 : f32
    %broadcast_in_dim3A_1098 = vector.broadcast %jit3A_1097 : f32 to vector<64x128xf32>
    %select_n3A_1099 = arith.select %eq3A, %broadcast_in_dim3A_1098, %div3A_1096 : vector<64x128xi1>, vector<64x128xf32>
    %reduce_max3A_1100 = arith.constant dense<0xFF800000> : vector<64xf32>
    %reduce_max3A_1101 = vector.multi_reduction <maximumf>, %select_n3A_1099, %reduce_max3A_1100 [1] : vector<64x128xf32> to vector<64xf32>
    %broadcast_in_dim3A_1102 = vector.shape_cast %reduce_max3A_1101 : vector<64xf32> to vector<64x1xf32>
    %sub3A_1103 = vector.broadcast %broadcast_in_dim3A_1102 : vector<64x1xf32> to vector<64x128xf32>
    %sub3A_1104 = arith.subf %select_n3A_1099, %sub3A_1103 : vector<64x128xf32>
    %exp3A_1105 = math.exp %sub3A_1104 : vector<64x128xf32>
    %reduce_sum3A_1106 = arith.constant dense<0.000000e+00> : vector<64xf32>
    %reduce_sum3A_1107 = vector.multi_reduction <add>, %exp3A_1105, %reduce_sum3A_1106 [1] : vector<64x128xf32> to vector<64xf32>
    %broadcast_in_dim3A_1108 = vector.shape_cast %reduce_sum3A_1107 : vector<64xf32> to vector<64x1xf32>
    %div3A_1109 = vector.broadcast %broadcast_in_dim3A_1108 : vector<64x1xf32> to vector<64x128xf32>
    %div3A_1110 = arith.divf %exp3A_1105, %div3A_1109 : vector<64x128xf32>
    %dot_general3A_1111 = arith.constant dense<0.000000e+00> : vector<64x64xf32>
    %dot_general3A_1112 = tpu.matmul %div3A_1110, %concatenate3A_1091, %dot_general3A_1111 {dimension_numbers = #tpu.dot_dimension_numbers<[1], [0], [0], [1], [0, 0, 1, 1], [], []>, transpose_lhs_hint = false} : vector<64x128xf32>, vector<128x64xf32>, vector<64x64xf32> -> vector<64x64xf32>
    %swap3A_1113 = arith.constant 0 : index
    %swap3A_1114 = arith.constant 1216 : index
    %swap3A_1115 = arith.constant 0 : index
    %swap3A_1116 = vector.load %arg2[%swap3A_1113, %swap3A_1114, %swap3A_1115] : memref<1x2048x64xf32, #tpu.memory_space<vmem>>, vector<1x64x64xf32>
    %swap3A_1117 = vector.shape_cast %swap3A_1116 : vector<1x64x64xf32> to vector<64x64xf32>
    %swap3A_1118 = vector.shape_cast %dot_general3A_1112 : vector<64x64xf32> to vector<1x64x64xf32>
    tpu.vector_store %arg2[%swap3A_1113, %swap3A_1114, %swap3A_1115], %swap3A_1118 {strides = array<i32>} : memref<1x2048x64xf32, #tpu.memory_space<vmem>>, vector<1x64x64xf32>,
    %slice3A_1119 = vector.extract_strided_slice %dot_general3A_1112 {offsets = [0, 0], sizes = [64, 1], strides = [1, 1]} : vector<64x64xf32> to vector<64x1xf32>
    %transpose3A_1120 = tpu.transpose %slice3A_1119, [1, 0] : vector<64x1xf32> -> vector<1x64xf32>
    %swap3A_1121 = arith.constant 0 : index
    %swap3A_1122 = arith.constant 0 : index
    %swap3A_1123 = arith.constant 1216 : index
    %swap3A_1124 = vector.load %arg3[%swap3A_1121, %swap3A_1122, %swap3A_1123] : memref<1x1x2048xf32, #tpu.memory_space<vmem>>, vector<1x1x64xf32>
    %swap3A_1125 = vector.shape_cast %swap3A_1124 : vector<1x1x64xf32> to vector<1x64xf32>
    %swap3A_1126 = vector.shape_cast %transpose3A_1120 : vector<1x64xf32> to vector<1x1x64xf32>
    tpu.vector_store %arg3[%swap3A_1121, %swap3A_1122, %swap3A_1123], %swap3A_1126 {strides = array<i32>} : memref<1x1x2048xf32, #tpu.memory_space<vmem>>, vector<1x1x64xf32>,
    %get3A_1127 = arith.constant 0 : index
    %get3A_1128 = arith.constant 1280 : index
    %get3A_1129 = arith.constant 0 : index
    %get3A_1130 = vector.load %arg1[%get3A_1127, %get3A_1128, %get3A_1129] : memref<1x2048x128xf32, #tpu.memory_space<vmem>>, vector<1x64x64xf32>
    %get3A_1131 = vector.shape_cast %get3A_1130 : vector<1x64x64xf32> to vector<64x64xf32>
    %get3A_1132 = arith.constant 0 : index
    %get3A_1133 = arith.constant 1344 : index
    %get3A_1134 = arith.constant 0 : index
    %get3A_1135 = vector.load %arg1[%get3A_1132, %get3A_1133, %get3A_1134] : memref<1x2048x128xf32, #tpu.memory_space<vmem>>, vector<1x64x64xf32>
    %get3A_1136 = vector.shape_cast %get3A_1135 : vector<1x64x64xf32> to vector<64x64xf32>
    %concatenate3A_1137 = tpu.concatenate %get3A_1131, %get3A_1136 in 0 : vector<64x64xf32>, vector<64x64xf32> -> vector<128x64xf32>
    %get3A_1138 = arith.constant 0 : index
    %get3A_1139 = arith.constant 1280 : index
    %get3A_1140 = arith.constant 64 : index
    %get3A_1141 = vector.load %arg1[%get3A_1138, %get3A_1139, %get3A_1140] : memref<1x2048x128xf32, #tpu.memory_space<vmem>>, vector<1x64x64xf32>
    %get3A_1142 = vector.shape_cast %get3A_1141 : vector<1x64x64xf32> to vector<64x64xf32>
    %get3A_1143 = arith.constant 0 : index
    %get3A_1144 = arith.constant 1344 : index
    %get3A_1145 = arith.constant 64 : index
    %get3A_1146 = vector.load %arg1[%get3A_1143, %get3A_1144, %get3A_1145] : memref<1x2048x128xf32, #tpu.memory_space<vmem>>, vector<1x64x64xf32>
    %get3A_1147 = vector.shape_cast %get3A_1146 : vector<1x64x64xf32> to vector<64x64xf32>
    %concatenate3A_1148 = tpu.concatenate %get3A_1142, %get3A_1147 in 0 : vector<64x64xf32>, vector<64x64xf32> -> vector<128x64xf32>
    %dot_general3A_1149 = arith.constant dense<0.000000e+00> : vector<64x128xf32>
    %dot_general3A_1150 = tpu.matmul %get3A_1131, %concatenate3A_1137, %dot_general3A_1149 {dimension_numbers = #tpu.dot_dimension_numbers<[1], [1], [0], [0], [0, 0, 1, 0], [], []>, transpose_lhs_hint = false} : vector<64x64xf32>, vector<128x64xf32>, vector<64x128xf32> -> vector<64x128xf32>
    %div3A_1151 = arith.constant 3.200000e+01 : f32
    %div3A_1152 = vector.broadcast %div3A_1151 : f32 to vector<64x128xf32>
    %div3A_1153 = arith.divf %dot_general3A_1150, %div3A_1152 : vector<64x128xf32>
    %jit3A_1154 = arith.constant 0xFF800000 : f32
    %broadcast_in_dim3A_1155 = vector.broadcast %jit3A_1154 : f32 to vector<64x128xf32>
    %select_n3A_1156 = arith.select %eq3A, %broadcast_in_dim3A_1155, %div3A_1153 : vector<64x128xi1>, vector<64x128xf32>
    %reduce_max3A_1157 = arith.constant dense<0xFF800000> : vector<64xf32>
    %reduce_max3A_1158 = vector.multi_reduction <maximumf>, %select_n3A_1156, %reduce_max3A_1157 [1] : vector<64x128xf32> to vector<64xf32>
    %broadcast_in_dim3A_1159 = vector.shape_cast %reduce_max3A_1158 : vector<64xf32> to vector<64x1xf32>
    %sub3A_1160 = vector.broadcast %broadcast_in_dim3A_1159 : vector<64x1xf32> to vector<64x128xf32>
    %sub3A_1161 = arith.subf %select_n3A_1156, %sub3A_1160 : vector<64x128xf32>
    %exp3A_1162 = math.exp %sub3A_1161 : vector<64x128xf32>
    %reduce_sum3A_1163 = arith.constant dense<0.000000e+00> : vector<64xf32>
    %reduce_sum3A_1164 = vector.multi_reduction <add>, %exp3A_1162, %reduce_sum3A_1163 [1] : vector<64x128xf32> to vector<64xf32>
    %broadcast_in_dim3A_1165 = vector.shape_cast %reduce_sum3A_1164 : vector<64xf32> to vector<64x1xf32>
    %div3A_1166 = vector.broadcast %broadcast_in_dim3A_1165 : vector<64x1xf32> to vector<64x128xf32>
    %div3A_1167 = arith.divf %exp3A_1162, %div3A_1166 : vector<64x128xf32>
    %dot_general3A_1168 = arith.constant dense<0.000000e+00> : vector<64x64xf32>
    %dot_general3A_1169 = tpu.matmul %div3A_1167, %concatenate3A_1148, %dot_general3A_1168 {dimension_numbers = #tpu.dot_dimension_numbers<[1], [0], [0], [1], [0, 0, 1, 1], [], []>, transpose_lhs_hint = false} : vector<64x128xf32>, vector<128x64xf32>, vector<64x64xf32> -> vector<64x64xf32>
    %swap3A_1170 = arith.constant 0 : index
    %swap3A_1171 = arith.constant 1280 : index
    %swap3A_1172 = arith.constant 0 : index
    %swap3A_1173 = vector.load %arg2[%swap3A_1170, %swap3A_1171, %swap3A_1172] : memref<1x2048x64xf32, #tpu.memory_space<vmem>>, vector<1x64x64xf32>
    %swap3A_1174 = vector.shape_cast %swap3A_1173 : vector<1x64x64xf32> to vector<64x64xf32>
    %swap3A_1175 = vector.shape_cast %dot_general3A_1169 : vector<64x64xf32> to vector<1x64x64xf32>
    tpu.vector_store %arg2[%swap3A_1170, %swap3A_1171, %swap3A_1172], %swap3A_1175 {strides = array<i32>} : memref<1x2048x64xf32, #tpu.memory_space<vmem>>, vector<1x64x64xf32>,
    %slice3A_1176 = vector.extract_strided_slice %dot_general3A_1169 {offsets = [0, 0], sizes = [64, 1], strides = [1, 1]} : vector<64x64xf32> to vector<64x1xf32>
    %transpose3A_1177 = tpu.transpose %slice3A_1176, [1, 0] : vector<64x1xf32> -> vector<1x64xf32>
    %swap3A_1178 = arith.constant 0 : index
    %swap3A_1179 = arith.constant 0 : index
    %swap3A_1180 = arith.constant 1280 : index
    %swap3A_1181 = vector.load %arg3[%swap3A_1178, %swap3A_1179, %swap3A_1180] : memref<1x1x2048xf32, #tpu.memory_space<vmem>>, vector<1x1x64xf32>
    %swap3A_1182 = vector.shape_cast %swap3A_1181 : vector<1x1x64xf32> to vector<1x64xf32>
    %swap3A_1183 = vector.shape_cast %transpose3A_1177 : vector<1x64xf32> to vector<1x1x64xf32>
    tpu.vector_store %arg3[%swap3A_1178, %swap3A_1179, %swap3A_1180], %swap3A_1183 {strides = array<i32>} : memref<1x1x2048xf32, #tpu.memory_space<vmem>>, vector<1x1x64xf32>,
    %get3A_1184 = arith.constant 0 : index
    %get3A_1185 = arith.constant 1344 : index
    %get3A_1186 = arith.constant 0 : index
    %get3A_1187 = vector.load %arg1[%get3A_1184, %get3A_1185, %get3A_1186] : memref<1x2048x128xf32, #tpu.memory_space<vmem>>, vector<1x64x64xf32>
    %get3A_1188 = vector.shape_cast %get3A_1187 : vector<1x64x64xf32> to vector<64x64xf32>
    %get3A_1189 = arith.constant 0 : index
    %get3A_1190 = arith.constant 1408 : index
    %get3A_1191 = arith.constant 0 : index
    %get3A_1192 = vector.load %arg1[%get3A_1189, %get3A_1190, %get3A_1191] : memref<1x2048x128xf32, #tpu.memory_space<vmem>>, vector<1x64x64xf32>
    %get3A_1193 = vector.shape_cast %get3A_1192 : vector<1x64x64xf32> to vector<64x64xf32>
    %concatenate3A_1194 = tpu.concatenate %get3A_1188, %get3A_1193 in 0 : vector<64x64xf32>, vector<64x64xf32> -> vector<128x64xf32>
    %get3A_1195 = arith.constant 0 : index
    %get3A_1196 = arith.constant 1344 : index
    %get3A_1197 = arith.constant 64 : index
    %get3A_1198 = vector.load %arg1[%get3A_1195, %get3A_1196, %get3A_1197] : memref<1x2048x128xf32, #tpu.memory_space<vmem>>, vector<1x64x64xf32>
    %get3A_1199 = vector.shape_cast %get3A_1198 : vector<1x64x64xf32> to vector<64x64xf32>
    %get3A_1200 = arith.constant 0 : index
    %get3A_1201 = arith.constant 1408 : index
    %get3A_1202 = arith.constant 64 : index
    %get3A_1203 = vector.load %arg1[%get3A_1200, %get3A_1201, %get3A_1202] : memref<1x2048x128xf32, #tpu.memory_space<vmem>>, vector<1x64x64xf32>
    %get3A_1204 = vector.shape_cast %get3A_1203 : vector<1x64x64xf32> to vector<64x64xf32>
    %concatenate3A_1205 = tpu.concatenate %get3A_1199, %get3A_1204 in 0 : vector<64x64xf32>, vector<64x64xf32> -> vector<128x64xf32>
    %dot_general3A_1206 = arith.constant dense<0.000000e+00> : vector<64x128xf32>
    %dot_general3A_1207 = tpu.matmul %get3A_1188, %concatenate3A_1194, %dot_general3A_1206 {dimension_numbers = #tpu.dot_dimension_numbers<[1], [1], [0], [0], [0, 0, 1, 0], [], []>, transpose_lhs_hint = false} : vector<64x64xf32>, vector<128x64xf32>, vector<64x128xf32> -> vector<64x128xf32>
    %div3A_1208 = arith.constant 3.200000e+01 : f32
    %div3A_1209 = vector.broadcast %div3A_1208 : f32 to vector<64x128xf32>
    %div3A_1210 = arith.divf %dot_general3A_1207, %div3A_1209 : vector<64x128xf32>
    %jit3A_1211 = arith.constant 0xFF800000 : f32
    %broadcast_in_dim3A_1212 = vector.broadcast %jit3A_1211 : f32 to vector<64x128xf32>
    %select_n3A_1213 = arith.select %eq3A, %broadcast_in_dim3A_1212, %div3A_1210 : vector<64x128xi1>, vector<64x128xf32>
    %reduce_max3A_1214 = arith.constant dense<0xFF800000> : vector<64xf32>
    %reduce_max3A_1215 = vector.multi_reduction <maximumf>, %select_n3A_1213, %reduce_max3A_1214 [1] : vector<64x128xf32> to vector<64xf32>
    %broadcast_in_dim3A_1216 = vector.shape_cast %reduce_max3A_1215 : vector<64xf32> to vector<64x1xf32>
    %sub3A_1217 = vector.broadcast %broadcast_in_dim3A_1216 : vector<64x1xf32> to vector<64x128xf32>
    %sub3A_1218 = arith.subf %select_n3A_1213, %sub3A_1217 : vector<64x128xf32>
    %exp3A_1219 = math.exp %sub3A_1218 : vector<64x128xf32>
    %reduce_sum3A_1220 = arith.constant dense<0.000000e+00> : vector<64xf32>
    %reduce_sum3A_1221 = vector.multi_reduction <add>, %exp3A_1219, %reduce_sum3A_1220 [1] : vector<64x128xf32> to vector<64xf32>
    %broadcast_in_dim3A_1222 = vector.shape_cast %reduce_sum3A_1221 : vector<64xf32> to vector<64x1xf32>
    %div3A_1223 = vector.broadcast %broadcast_in_dim3A_1222 : vector<64x1xf32> to vector<64x128xf32>
    %div3A_1224 = arith.divf %exp3A_1219, %div3A_1223 : vector<64x128xf32>
    %dot_general3A_1225 = arith.constant dense<0.000000e+00> : vector<64x64xf32>
    %dot_general3A_1226 = tpu.matmul %div3A_1224, %concatenate3A_1205, %dot_general3A_1225 {dimension_numbers = #tpu.dot_dimension_numbers<[1], [0], [0], [1], [0, 0, 1, 1], [], []>, transpose_lhs_hint = false} : vector<64x128xf32>, vector<128x64xf32>, vector<64x64xf32> -> vector<64x64xf32>
    %swap3A_1227 = arith.constant 0 : index
    %swap3A_1228 = arith.constant 1344 : index
    %swap3A_1229 = arith.constant 0 : index
    %swap3A_1230 = vector.load %arg2[%swap3A_1227, %swap3A_1228, %swap3A_1229] : memref<1x2048x64xf32, #tpu.memory_space<vmem>>, vector<1x64x64xf32>
    %swap3A_1231 = vector.shape_cast %swap3A_1230 : vector<1x64x64xf32> to vector<64x64xf32>
    %swap3A_1232 = vector.shape_cast %dot_general3A_1226 : vector<64x64xf32> to vector<1x64x64xf32>
    tpu.vector_store %arg2[%swap3A_1227, %swap3A_1228, %swap3A_1229], %swap3A_1232 {strides = array<i32>} : memref<1x2048x64xf32, #tpu.memory_space<vmem>>, vector<1x64x64xf32>,
    %slice3A_1233 = vector.extract_strided_slice %dot_general3A_1226 {offsets = [0, 0], sizes = [64, 1], strides = [1, 1]} : vector<64x64xf32> to vector<64x1xf32>
    %transpose3A_1234 = tpu.transpose %slice3A_1233, [1, 0] : vector<64x1xf32> -> vector<1x64xf32>
    %swap3A_1235 = arith.constant 0 : index
    %swap3A_1236 = arith.constant 0 : index
    %swap3A_1237 = arith.constant 1344 : index
    %swap3A_1238 = vector.load %arg3[%swap3A_1235, %swap3A_1236, %swap3A_1237] : memref<1x1x2048xf32, #tpu.memory_space<vmem>>, vector<1x1x64xf32>
    %swap3A_1239 = vector.shape_cast %swap3A_1238 : vector<1x1x64xf32> to vector<1x64xf32>
    %swap3A_1240 = vector.shape_cast %transpose3A_1234 : vector<1x64xf32> to vector<1x1x64xf32>
    tpu.vector_store %arg3[%swap3A_1235, %swap3A_1236, %swap3A_1237], %swap3A_1240 {strides = array<i32>} : memref<1x1x2048xf32, #tpu.memory_space<vmem>>, vector<1x1x64xf32>,
    %get3A_1241 = arith.constant 0 : index
    %get3A_1242 = arith.constant 1408 : index
    %get3A_1243 = arith.constant 0 : index
    %get3A_1244 = vector.load %arg1[%get3A_1241, %get3A_1242, %get3A_1243] : memref<1x2048x128xf32, #tpu.memory_space<vmem>>, vector<1x64x64xf32>
    %get3A_1245 = vector.shape_cast %get3A_1244 : vector<1x64x64xf32> to vector<64x64xf32>
    %get3A_1246 = arith.constant 0 : index
    %get3A_1247 = arith.constant 1472 : index
    %get3A_1248 = arith.constant 0 : index
    %get3A_1249 = vector.load %arg1[%get3A_1246, %get3A_1247, %get3A_1248] : memref<1x2048x128xf32, #tpu.memory_space<vmem>>, vector<1x64x64xf32>
    %get3A_1250 = vector.shape_cast %get3A_1249 : vector<1x64x64xf32> to vector<64x64xf32>
    %concatenate3A_1251 = tpu.concatenate %get3A_1245, %get3A_1250 in 0 : vector<64x64xf32>, vector<64x64xf32> -> vector<128x64xf32>
    %get3A_1252 = arith.constant 0 : index
    %get3A_1253 = arith.constant 1408 : index
    %get3A_1254 = arith.constant 64 : index
    %get3A_1255 = vector.load %arg1[%get3A_1252, %get3A_1253, %get3A_1254] : memref<1x2048x128xf32, #tpu.memory_space<vmem>>, vector<1x64x64xf32>
    %get3A_1256 = vector.shape_cast %get3A_1255 : vector<1x64x64xf32> to vector<64x64xf32>
    %get3A_1257 = arith.constant 0 : index
    %get3A_1258 = arith.constant 1472 : index
    %get3A_1259 = arith.constant 64 : index
    %get3A_1260 = vector.load %arg1[%get3A_1257, %get3A_1258, %get3A_1259] : memref<1x2048x128xf32, #tpu.memory_space<vmem>>, vector<1x64x64xf32>
    %get3A_1261 = vector.shape_cast %get3A_1260 : vector<1x64x64xf32> to vector<64x64xf32>
    %concatenate3A_1262 = tpu.concatenate %get3A_1256, %get3A_1261 in 0 : vector<64x64xf32>, vector<64x64xf32> -> vector<128x64xf32>
    %dot_general3A_1263 = arith.constant dense<0.000000e+00> : vector<64x128xf32>
    %dot_general3A_1264 = tpu.matmul %get3A_1245, %concatenate3A_1251, %dot_general3A_1263 {dimension_numbers = #tpu.dot_dimension_numbers<[1], [1], [0], [0], [0, 0, 1, 0], [], []>, transpose_lhs_hint = false} : vector<64x64xf32>, vector<128x64xf32>, vector<64x128xf32> -> vector<64x128xf32>
    %div3A_1265 = arith.constant 3.200000e+01 : f32
    %div3A_1266 = vector.broadcast %div3A_1265 : f32 to vector<64x128xf32>
    %div3A_1267 = arith.divf %dot_general3A_1264, %div3A_1266 : vector<64x128xf32>
    %jit3A_1268 = arith.constant 0xFF800000 : f32
    %broadcast_in_dim3A_1269 = vector.broadcast %jit3A_1268 : f32 to vector<64x128xf32>
    %select_n3A_1270 = arith.select %eq3A, %broadcast_in_dim3A_1269, %div3A_1267 : vector<64x128xi1>, vector<64x128xf32>
    %reduce_max3A_1271 = arith.constant dense<0xFF800000> : vector<64xf32>
    %reduce_max3A_1272 = vector.multi_reduction <maximumf>, %select_n3A_1270, %reduce_max3A_1271 [1] : vector<64x128xf32> to vector<64xf32>
    %broadcast_in_dim3A_1273 = vector.shape_cast %reduce_max3A_1272 : vector<64xf32> to vector<64x1xf32>
    %sub3A_1274 = vector.broadcast %broadcast_in_dim3A_1273 : vector<64x1xf32> to vector<64x128xf32>
    %sub3A_1275 = arith.subf %select_n3A_1270, %sub3A_1274 : vector<64x128xf32>
    %exp3A_1276 = math.exp %sub3A_1275 : vector<64x128xf32>
    %reduce_sum3A_1277 = arith.constant dense<0.000000e+00> : vector<64xf32>
    %reduce_sum3A_1278 = vector.multi_reduction <add>, %exp3A_1276, %reduce_sum3A_1277 [1] : vector<64x128xf32> to vector<64xf32>
    %broadcast_in_dim3A_1279 = vector.shape_cast %reduce_sum3A_1278 : vector<64xf32> to vector<64x1xf32>
    %div3A_1280 = vector.broadcast %broadcast_in_dim3A_1279 : vector<64x1xf32> to vector<64x128xf32>
    %div3A_1281 = arith.divf %exp3A_1276, %div3A_1280 : vector<64x128xf32>
    %dot_general3A_1282 = arith.constant dense<0.000000e+00> : vector<64x64xf32>
    %dot_general3A_1283 = tpu.matmul %div3A_1281, %concatenate3A_1262, %dot_general3A_1282 {dimension_numbers = #tpu.dot_dimension_numbers<[1], [0], [0], [1], [0, 0, 1, 1], [], []>, transpose_lhs_hint = false} : vector<64x128xf32>, vector<128x64xf32>, vector<64x64xf32> -> vector<64x64xf32>
    %swap3A_1284 = arith.constant 0 : index
    %swap3A_1285 = arith.constant 1408 : index
    %swap3A_1286 = arith.constant 0 : index
    %swap3A_1287 = vector.load %arg2[%swap3A_1284, %swap3A_1285, %swap3A_1286] : memref<1x2048x64xf32, #tpu.memory_space<vmem>>, vector<1x64x64xf32>
    %swap3A_1288 = vector.shape_cast %swap3A_1287 : vector<1x64x64xf32> to vector<64x64xf32>
    %swap3A_1289 = vector.shape_cast %dot_general3A_1283 : vector<64x64xf32> to vector<1x64x64xf32>
    tpu.vector_store %arg2[%swap3A_1284, %swap3A_1285, %swap3A_1286], %swap3A_1289 {strides = array<i32>} : memref<1x2048x64xf32, #tpu.memory_space<vmem>>, vector<1x64x64xf32>,
    %slice3A_1290 = vector.extract_strided_slice %dot_general3A_1283 {offsets = [0, 0], sizes = [64, 1], strides = [1, 1]} : vector<64x64xf32> to vector<64x1xf32>
    %transpose3A_1291 = tpu.transpose %slice3A_1290, [1, 0] : vector<64x1xf32> -> vector<1x64xf32>
    %swap3A_1292 = arith.constant 0 : index
    %swap3A_1293 = arith.constant 0 : index
    %swap3A_1294 = arith.constant 1408 : index
    %swap3A_1295 = vector.load %arg3[%swap3A_1292, %swap3A_1293, %swap3A_1294] : memref<1x1x2048xf32, #tpu.memory_space<vmem>>, vector<1x1x64xf32>
    %swap3A_1296 = vector.shape_cast %swap3A_1295 : vector<1x1x64xf32> to vector<1x64xf32>
    %swap3A_1297 = vector.shape_cast %transpose3A_1291 : vector<1x64xf32> to vector<1x1x64xf32>
    tpu.vector_store %arg3[%swap3A_1292, %swap3A_1293, %swap3A_1294], %swap3A_1297 {strides = array<i32>} : memref<1x1x2048xf32, #tpu.memory_space<vmem>>, vector<1x1x64xf32>,
    %get3A_1298 = arith.constant 0 : index
    %get3A_1299 = arith.constant 1472 : index
    %get3A_1300 = arith.constant 0 : index
    %get3A_1301 = vector.load %arg1[%get3A_1298, %get3A_1299, %get3A_1300] : memref<1x2048x128xf32, #tpu.memory_space<vmem>>, vector<1x64x64xf32>
    %get3A_1302 = vector.shape_cast %get3A_1301 : vector<1x64x64xf32> to vector<64x64xf32>
    %get3A_1303 = arith.constant 0 : index
    %get3A_1304 = arith.constant 1536 : index
    %get3A_1305 = arith.constant 0 : index
    %get3A_1306 = vector.load %arg1[%get3A_1303, %get3A_1304, %get3A_1305] : memref<1x2048x128xf32, #tpu.memory_space<vmem>>, vector<1x64x64xf32>
    %get3A_1307 = vector.shape_cast %get3A_1306 : vector<1x64x64xf32> to vector<64x64xf32>
    %concatenate3A_1308 = tpu.concatenate %get3A_1302, %get3A_1307 in 0 : vector<64x64xf32>, vector<64x64xf32> -> vector<128x64xf32>
    %get3A_1309 = arith.constant 0 : index
    %get3A_1310 = arith.constant 1472 : index
    %get3A_1311 = arith.constant 64 : index
    %get3A_1312 = vector.load %arg1[%get3A_1309, %get3A_1310, %get3A_1311] : memref<1x2048x128xf32, #tpu.memory_space<vmem>>, vector<1x64x64xf32>
    %get3A_1313 = vector.shape_cast %get3A_1312 : vector<1x64x64xf32> to vector<64x64xf32>
    %get3A_1314 = arith.constant 0 : index
    %get3A_1315 = arith.constant 1536 : index
    %get3A_1316 = arith.constant 64 : index
    %get3A_1317 = vector.load %arg1[%get3A_1314, %get3A_1315, %get3A_1316] : memref<1x2048x128xf32, #tpu.memory_space<vmem>>, vector<1x64x64xf32>
    %get3A_1318 = vector.shape_cast %get3A_1317 : vector<1x64x64xf32> to vector<64x64xf32>
    %concatenate3A_1319 = tpu.concatenate %get3A_1313, %get3A_1318 in 0 : vector<64x64xf32>, vector<64x64xf32> -> vector<128x64xf32>
    %dot_general3A_1320 = arith.constant dense<0.000000e+00> : vector<64x128xf32>
    %dot_general3A_1321 = tpu.matmul %get3A_1302, %concatenate3A_1308, %dot_general3A_1320 {dimension_numbers = #tpu.dot_dimension_numbers<[1], [1], [0], [0], [0, 0, 1, 0], [], []>, transpose_lhs_hint = false} : vector<64x64xf32>, vector<128x64xf32>, vector<64x128xf32> -> vector<64x128xf32>
    %div3A_1322 = arith.constant 3.200000e+01 : f32
    %div3A_1323 = vector.broadcast %div3A_1322 : f32 to vector<64x128xf32>
    %div3A_1324 = arith.divf %dot_general3A_1321, %div3A_1323 : vector<64x128xf32>
    %jit3A_1325 = arith.constant 0xFF800000 : f32
    %broadcast_in_dim3A_1326 = vector.broadcast %jit3A_1325 : f32 to vector<64x128xf32>
    %select_n3A_1327 = arith.select %eq3A, %broadcast_in_dim3A_1326, %div3A_1324 : vector<64x128xi1>, vector<64x128xf32>
    %reduce_max3A_1328 = arith.constant dense<0xFF800000> : vector<64xf32>
    %reduce_max3A_1329 = vector.multi_reduction <maximumf>, %select_n3A_1327, %reduce_max3A_1328 [1] : vector<64x128xf32> to vector<64xf32>
    %broadcast_in_dim3A_1330 = vector.shape_cast %reduce_max3A_1329 : vector<64xf32> to vector<64x1xf32>
    %sub3A_1331 = vector.broadcast %broadcast_in_dim3A_1330 : vector<64x1xf32> to vector<64x128xf32>
    %sub3A_1332 = arith.subf %select_n3A_1327, %sub3A_1331 : vector<64x128xf32>
    %exp3A_1333 = math.exp %sub3A_1332 : vector<64x128xf32>
    %reduce_sum3A_1334 = arith.constant dense<0.000000e+00> : vector<64xf32>
    %reduce_sum3A_1335 = vector.multi_reduction <add>, %exp3A_1333, %reduce_sum3A_1334 [1] : vector<64x128xf32> to vector<64xf32>
    %broadcast_in_dim3A_1336 = vector.shape_cast %reduce_sum3A_1335 : vector<64xf32> to vector<64x1xf32>
    %div3A_1337 = vector.broadcast %broadcast_in_dim3A_1336 : vector<64x1xf32> to vector<64x128xf32>
    %div3A_1338 = arith.divf %exp3A_1333, %div3A_1337 : vector<64x128xf32>
    %dot_general3A_1339 = arith.constant dense<0.000000e+00> : vector<64x64xf32>
    %dot_general3A_1340 = tpu.matmul %div3A_1338, %concatenate3A_1319, %dot_general3A_1339 {dimension_numbers = #tpu.dot_dimension_numbers<[1], [0], [0], [1], [0, 0, 1, 1], [], []>, transpose_lhs_hint = false} : vector<64x128xf32>, vector<128x64xf32>, vector<64x64xf32> -> vector<64x64xf32>
    %swap3A_1341 = arith.constant 0 : index
    %swap3A_1342 = arith.constant 1472 : index
    %swap3A_1343 = arith.constant 0 : index
    %swap3A_1344 = vector.load %arg2[%swap3A_1341, %swap3A_1342, %swap3A_1343] : memref<1x2048x64xf32, #tpu.memory_space<vmem>>, vector<1x64x64xf32>
    %swap3A_1345 = vector.shape_cast %swap3A_1344 : vector<1x64x64xf32> to vector<64x64xf32>
    %swap3A_1346 = vector.shape_cast %dot_general3A_1340 : vector<64x64xf32> to vector<1x64x64xf32>
    tpu.vector_store %arg2[%swap3A_1341, %swap3A_1342, %swap3A_1343], %swap3A_1346 {strides = array<i32>} : memref<1x2048x64xf32, #tpu.memory_space<vmem>>, vector<1x64x64xf32>,
    %slice3A_1347 = vector.extract_strided_slice %dot_general3A_1340 {offsets = [0, 0], sizes = [64, 1], strides = [1, 1]} : vector<64x64xf32> to vector<64x1xf32>
    %transpose3A_1348 = tpu.transpose %slice3A_1347, [1, 0] : vector<64x1xf32> -> vector<1x64xf32>
    %swap3A_1349 = arith.constant 0 : index
    %swap3A_1350 = arith.constant 0 : index
    %swap3A_1351 = arith.constant 1472 : index
    %swap3A_1352 = vector.load %arg3[%swap3A_1349, %swap3A_1350, %swap3A_1351] : memref<1x1x2048xf32, #tpu.memory_space<vmem>>, vector<1x1x64xf32>
    %swap3A_1353 = vector.shape_cast %swap3A_1352 : vector<1x1x64xf32> to vector<1x64xf32>
    %swap3A_1354 = vector.shape_cast %transpose3A_1348 : vector<1x64xf32> to vector<1x1x64xf32>
    tpu.vector_store %arg3[%swap3A_1349, %swap3A_1350, %swap3A_1351], %swap3A_1354 {strides = array<i32>} : memref<1x1x2048xf32, #tpu.memory_space<vmem>>, vector<1x1x64xf32>,
    %get3A_1355 = arith.constant 0 : index
    %get3A_1356 = arith.constant 1536 : index
    %get3A_1357 = arith.constant 0 : index
    %get3A_1358 = vector.load %arg1[%get3A_1355, %get3A_1356, %get3A_1357] : memref<1x2048x128xf32, #tpu.memory_space<vmem>>, vector<1x64x64xf32>
    %get3A_1359 = vector.shape_cast %get3A_1358 : vector<1x64x64xf32> to vector<64x64xf32>
    %get3A_1360 = arith.constant 0 : index
    %get3A_1361 = arith.constant 1600 : index
    %get3A_1362 = arith.constant 0 : index
    %get3A_1363 = vector.load %arg1[%get3A_1360, %get3A_1361, %get3A_1362] : memref<1x2048x128xf32, #tpu.memory_space<vmem>>, vector<1x64x64xf32>
    %get3A_1364 = vector.shape_cast %get3A_1363 : vector<1x64x64xf32> to vector<64x64xf32>
    %concatenate3A_1365 = tpu.concatenate %get3A_1359, %get3A_1364 in 0 : vector<64x64xf32>, vector<64x64xf32> -> vector<128x64xf32>
    %get3A_1366 = arith.constant 0 : index
    %get3A_1367 = arith.constant 1536 : index
    %get3A_1368 = arith.constant 64 : index
    %get3A_1369 = vector.load %arg1[%get3A_1366, %get3A_1367, %get3A_1368] : memref<1x2048x128xf32, #tpu.memory_space<vmem>>, vector<1x64x64xf32>
    %get3A_1370 = vector.shape_cast %get3A_1369 : vector<1x64x64xf32> to vector<64x64xf32>
    %get3A_1371 = arith.constant 0 : index
    %get3A_1372 = arith.constant 1600 : index
    %get3A_1373 = arith.constant 64 : index
    %get3A_1374 = vector.load %arg1[%get3A_1371, %get3A_1372, %get3A_1373] : memref<1x2048x128xf32, #tpu.memory_space<vmem>>, vector<1x64x64xf32>
    %get3A_1375 = vector.shape_cast %get3A_1374 : vector<1x64x64xf32> to vector<64x64xf32>
    %concatenate3A_1376 = tpu.concatenate %get3A_1370, %get3A_1375 in 0 : vector<64x64xf32>, vector<64x64xf32> -> vector<128x64xf32>
    %dot_general3A_1377 = arith.constant dense<0.000000e+00> : vector<64x128xf32>
    %dot_general3A_1378 = tpu.matmul %get3A_1359, %concatenate3A_1365, %dot_general3A_1377 {dimension_numbers = #tpu.dot_dimension_numbers<[1], [1], [0], [0], [0, 0, 1, 0], [], []>, transpose_lhs_hint = false} : vector<64x64xf32>, vector<128x64xf32>, vector<64x128xf32> -> vector<64x128xf32>
    %div3A_1379 = arith.constant 3.200000e+01 : f32
    %div3A_1380 = vector.broadcast %div3A_1379 : f32 to vector<64x128xf32>
    %div3A_1381 = arith.divf %dot_general3A_1378, %div3A_1380 : vector<64x128xf32>
    %jit3A_1382 = arith.constant 0xFF800000 : f32
    %broadcast_in_dim3A_1383 = vector.broadcast %jit3A_1382 : f32 to vector<64x128xf32>
    %select_n3A_1384 = arith.select %eq3A, %broadcast_in_dim3A_1383, %div3A_1381 : vector<64x128xi1>, vector<64x128xf32>
    %reduce_max3A_1385 = arith.constant dense<0xFF800000> : vector<64xf32>
    %reduce_max3A_1386 = vector.multi_reduction <maximumf>, %select_n3A_1384, %reduce_max3A_1385 [1] : vector<64x128xf32> to vector<64xf32>
    %broadcast_in_dim3A_1387 = vector.shape_cast %reduce_max3A_1386 : vector<64xf32> to vector<64x1xf32>
    %sub3A_1388 = vector.broadcast %broadcast_in_dim3A_1387 : vector<64x1xf32> to vector<64x128xf32>
    %sub3A_1389 = arith.subf %select_n3A_1384, %sub3A_1388 : vector<64x128xf32>
    %exp3A_1390 = math.exp %sub3A_1389 : vector<64x128xf32>
    %reduce_sum3A_1391 = arith.constant dense<0.000000e+00> : vector<64xf32>
    %reduce_sum3A_1392 = vector.multi_reduction <add>, %exp3A_1390, %reduce_sum3A_1391 [1] : vector<64x128xf32> to vector<64xf32>
    %broadcast_in_dim3A_1393 = vector.shape_cast %reduce_sum3A_1392 : vector<64xf32> to vector<64x1xf32>
    %div3A_1394 = vector.broadcast %broadcast_in_dim3A_1393 : vector<64x1xf32> to vector<64x128xf32>
    %div3A_1395 = arith.divf %exp3A_1390, %div3A_1394 : vector<64x128xf32>
    %dot_general3A_1396 = arith.constant dense<0.000000e+00> : vector<64x64xf32>
    %dot_general3A_1397 = tpu.matmul %div3A_1395, %concatenate3A_1376, %dot_general3A_1396 {dimension_numbers = #tpu.dot_dimension_numbers<[1], [0], [0], [1], [0, 0, 1, 1], [], []>, transpose_lhs_hint = false} : vector<64x128xf32>, vector<128x64xf32>, vector<64x64xf32> -> vector<64x64xf32>
    %swap3A_1398 = arith.constant 0 : index
    %swap3A_1399 = arith.constant 1536 : index
    %swap3A_1400 = arith.constant 0 : index
    %swap3A_1401 = vector.load %arg2[%swap3A_1398, %swap3A_1399, %swap3A_1400] : memref<1x2048x64xf32, #tpu.memory_space<vmem>>, vector<1x64x64xf32>
    %swap3A_1402 = vector.shape_cast %swap3A_1401 : vector<1x64x64xf32> to vector<64x64xf32>
    %swap3A_1403 = vector.shape_cast %dot_general3A_1397 : vector<64x64xf32> to vector<1x64x64xf32>
    tpu.vector_store %arg2[%swap3A_1398, %swap3A_1399, %swap3A_1400], %swap3A_1403 {strides = array<i32>} : memref<1x2048x64xf32, #tpu.memory_space<vmem>>, vector<1x64x64xf32>,
    %slice3A_1404 = vector.extract_strided_slice %dot_general3A_1397 {offsets = [0, 0], sizes = [64, 1], strides = [1, 1]} : vector<64x64xf32> to vector<64x1xf32>
    %transpose3A_1405 = tpu.transpose %slice3A_1404, [1, 0] : vector<64x1xf32> -> vector<1x64xf32>
    %swap3A_1406 = arith.constant 0 : index
    %swap3A_1407 = arith.constant 0 : index
    %swap3A_1408 = arith.constant 1536 : index
    %swap3A_1409 = vector.load %arg3[%swap3A_1406, %swap3A_1407, %swap3A_1408] : memref<1x1x2048xf32, #tpu.memory_space<vmem>>, vector<1x1x64xf32>
    %swap3A_1410 = vector.shape_cast %swap3A_1409 : vector<1x1x64xf32> to vector<1x64xf32>
    %swap3A_1411 = vector.shape_cast %transpose3A_1405 : vector<1x64xf32> to vector<1x1x64xf32>
    tpu.vector_store %arg3[%swap3A_1406, %swap3A_1407, %swap3A_1408], %swap3A_1411 {strides = array<i32>} : memref<1x1x2048xf32, #tpu.memory_space<vmem>>, vector<1x1x64xf32>,
    %get3A_1412 = arith.constant 0 : index
    %get3A_1413 = arith.constant 1600 : index
    %get3A_1414 = arith.constant 0 : index
    %get3A_1415 = vector.load %arg1[%get3A_1412, %get3A_1413, %get3A_1414] : memref<1x2048x128xf32, #tpu.memory_space<vmem>>, vector<1x64x64xf32>
    %get3A_1416 = vector.shape_cast %get3A_1415 : vector<1x64x64xf32> to vector<64x64xf32>
    %get3A_1417 = arith.constant 0 : index
    %get3A_1418 = arith.constant 1664 : index
    %get3A_1419 = arith.constant 0 : index
    %get3A_1420 = vector.load %arg1[%get3A_1417, %get3A_1418, %get3A_1419] : memref<1x2048x128xf32, #tpu.memory_space<vmem>>, vector<1x64x64xf32>
    %get3A_1421 = vector.shape_cast %get3A_1420 : vector<1x64x64xf32> to vector<64x64xf32>
    %concatenate3A_1422 = tpu.concatenate %get3A_1416, %get3A_1421 in 0 : vector<64x64xf32>, vector<64x64xf32> -> vector<128x64xf32>
    %get3A_1423 = arith.constant 0 : index
    %get3A_1424 = arith.constant 1600 : index
    %get3A_1425 = arith.constant 64 : index
    %get3A_1426 = vector.load %arg1[%get3A_1423, %get3A_1424, %get3A_1425] : memref<1x2048x128xf32, #tpu.memory_space<vmem>>, vector<1x64x64xf32>
    %get3A_1427 = vector.shape_cast %get3A_1426 : vector<1x64x64xf32> to vector<64x64xf32>
    %get3A_1428 = arith.constant 0 : index
    %get3A_1429 = arith.constant 1664 : index
    %get3A_1430 = arith.constant 64 : index
    %get3A_1431 = vector.load %arg1[%get3A_1428, %get3A_1429, %get3A_1430] : memref<1x2048x128xf32, #tpu.memory_space<vmem>>, vector<1x64x64xf32>
    %get3A_1432 = vector.shape_cast %get3A_1431 : vector<1x64x64xf32> to vector<64x64xf32>
    %concatenate3A_1433 = tpu.concatenate %get3A_1427, %get3A_1432 in 0 : vector<64x64xf32>, vector<64x64xf32> -> vector<128x64xf32>
    %dot_general3A_1434 = arith.constant dense<0.000000e+00> : vector<64x128xf32>
    %dot_general3A_1435 = tpu.matmul %get3A_1416, %concatenate3A_1422, %dot_general3A_1434 {dimension_numbers = #tpu.dot_dimension_numbers<[1], [1], [0], [0], [0, 0, 1, 0], [], []>, transpose_lhs_hint = false} : vector<64x64xf32>, vector<128x64xf32>, vector<64x128xf32> -> vector<64x128xf32>
    %div3A_1436 = arith.constant 3.200000e+01 : f32
    %div3A_1437 = vector.broadcast %div3A_1436 : f32 to vector<64x128xf32>
    %div3A_1438 = arith.divf %dot_general3A_1435, %div3A_1437 : vector<64x128xf32>
    %jit3A_1439 = arith.constant 0xFF800000 : f32
    %broadcast_in_dim3A_1440 = vector.broadcast %jit3A_1439 : f32 to vector<64x128xf32>
    %select_n3A_1441 = arith.select %eq3A, %broadcast_in_dim3A_1440, %div3A_1438 : vector<64x128xi1>, vector<64x128xf32>
    %reduce_max3A_1442 = arith.constant dense<0xFF800000> : vector<64xf32>
    %reduce_max3A_1443 = vector.multi_reduction <maximumf>, %select_n3A_1441, %reduce_max3A_1442 [1] : vector<64x128xf32> to vector<64xf32>
    %broadcast_in_dim3A_1444 = vector.shape_cast %reduce_max3A_1443 : vector<64xf32> to vector<64x1xf32>
    %sub3A_1445 = vector.broadcast %broadcast_in_dim3A_1444 : vector<64x1xf32> to vector<64x128xf32>
    %sub3A_1446 = arith.subf %select_n3A_1441, %sub3A_1445 : vector<64x128xf32>
    %exp3A_1447 = math.exp %sub3A_1446 : vector<64x128xf32>
    %reduce_sum3A_1448 = arith.constant dense<0.000000e+00> : vector<64xf32>
    %reduce_sum3A_1449 = vector.multi_reduction <add>, %exp3A_1447, %reduce_sum3A_1448 [1] : vector<64x128xf32> to vector<64xf32>
    %broadcast_in_dim3A_1450 = vector.shape_cast %reduce_sum3A_1449 : vector<64xf32> to vector<64x1xf32>
    %div3A_1451 = vector.broadcast %broadcast_in_dim3A_1450 : vector<64x1xf32> to vector<64x128xf32>
    %div3A_1452 = arith.divf %exp3A_1447, %div3A_1451 : vector<64x128xf32>
    %dot_general3A_1453 = arith.constant dense<0.000000e+00> : vector<64x64xf32>
    %dot_general3A_1454 = tpu.matmul %div3A_1452, %concatenate3A_1433, %dot_general3A_1453 {dimension_numbers = #tpu.dot_dimension_numbers<[1], [0], [0], [1], [0, 0, 1, 1], [], []>, transpose_lhs_hint = false} : vector<64x128xf32>, vector<128x64xf32>, vector<64x64xf32> -> vector<64x64xf32>
    %swap3A_1455 = arith.constant 0 : index
    %swap3A_1456 = arith.constant 1600 : index
    %swap3A_1457 = arith.constant 0 : index
    %swap3A_1458 = vector.load %arg2[%swap3A_1455, %swap3A_1456, %swap3A_1457] : memref<1x2048x64xf32, #tpu.memory_space<vmem>>, vector<1x64x64xf32>
    %swap3A_1459 = vector.shape_cast %swap3A_1458 : vector<1x64x64xf32> to vector<64x64xf32>
    %swap3A_1460 = vector.shape_cast %dot_general3A_1454 : vector<64x64xf32> to vector<1x64x64xf32>
    tpu.vector_store %arg2[%swap3A_1455, %swap3A_1456, %swap3A_1457], %swap3A_1460 {strides = array<i32>} : memref<1x2048x64xf32, #tpu.memory_space<vmem>>, vector<1x64x64xf32>,
    %slice3A_1461 = vector.extract_strided_slice %dot_general3A_1454 {offsets = [0, 0], sizes = [64, 1], strides = [1, 1]} : vector<64x64xf32> to vector<64x1xf32>
    %transpose3A_1462 = tpu.transpose %slice3A_1461, [1, 0] : vector<64x1xf32> -> vector<1x64xf32>
    %swap3A_1463 = arith.constant 0 : index
    %swap3A_1464 = arith.constant 0 : index
    %swap3A_1465 = arith.constant 1600 : index
    %swap3A_1466 = vector.load %arg3[%swap3A_1463, %swap3A_1464, %swap3A_1465] : memref<1x1x2048xf32, #tpu.memory_space<vmem>>, vector<1x1x64xf32>
    %swap3A_1467 = vector.shape_cast %swap3A_1466 : vector<1x1x64xf32> to vector<1x64xf32>
    %swap3A_1468 = vector.shape_cast %transpose3A_1462 : vector<1x64xf32> to vector<1x1x64xf32>
    tpu.vector_store %arg3[%swap3A_1463, %swap3A_1464, %swap3A_1465], %swap3A_1468 {strides = array<i32>} : memref<1x1x2048xf32, #tpu.memory_space<vmem>>, vector<1x1x64xf32>,
    %get3A_1469 = arith.constant 0 : index
    %get3A_1470 = arith.constant 1664 : index
    %get3A_1471 = arith.constant 0 : index
    %get3A_1472 = vector.load %arg1[%get3A_1469, %get3A_1470, %get3A_1471] : memref<1x2048x128xf32, #tpu.memory_space<vmem>>, vector<1x64x64xf32>
    %get3A_1473 = vector.shape_cast %get3A_1472 : vector<1x64x64xf32> to vector<64x64xf32>
    %get3A_1474 = arith.constant 0 : index
    %get3A_1475 = arith.constant 1728 : index
    %get3A_1476 = arith.constant 0 : index
    %get3A_1477 = vector.load %arg1[%get3A_1474, %get3A_1475, %get3A_1476] : memref<1x2048x128xf32, #tpu.memory_space<vmem>>, vector<1x64x64xf32>
    %get3A_1478 = vector.shape_cast %get3A_1477 : vector<1x64x64xf32> to vector<64x64xf32>
    %concatenate3A_1479 = tpu.concatenate %get3A_1473, %get3A_1478 in 0 : vector<64x64xf32>, vector<64x64xf32> -> vector<128x64xf32>
    %get3A_1480 = arith.constant 0 : index
    %get3A_1481 = arith.constant 1664 : index
    %get3A_1482 = arith.constant 64 : index
    %get3A_1483 = vector.load %arg1[%get3A_1480, %get3A_1481, %get3A_1482] : memref<1x2048x128xf32, #tpu.memory_space<vmem>>, vector<1x64x64xf32>
    %get3A_1484 = vector.shape_cast %get3A_1483 : vector<1x64x64xf32> to vector<64x64xf32>
    %get3A_1485 = arith.constant 0 : index
    %get3A_1486 = arith.constant 1728 : index
    %get3A_1487 = arith.constant 64 : index
    %get3A_1488 = vector.load %arg1[%get3A_1485, %get3A_1486, %get3A_1487] : memref<1x2048x128xf32, #tpu.memory_space<vmem>>, vector<1x64x64xf32>
    %get3A_1489 = vector.shape_cast %get3A_1488 : vector<1x64x64xf32> to vector<64x64xf32>
    %concatenate3A_1490 = tpu.concatenate %get3A_1484, %get3A_1489 in 0 : vector<64x64xf32>, vector<64x64xf32> -> vector<128x64xf32>
    %dot_general3A_1491 = arith.constant dense<0.000000e+00> : vector<64x128xf32>
    %dot_general3A_1492 = tpu.matmul %get3A_1473, %concatenate3A_1479, %dot_general3A_1491 {dimension_numbers = #tpu.dot_dimension_numbers<[1], [1], [0], [0], [0, 0, 1, 0], [], []>, transpose_lhs_hint = false} : vector<64x64xf32>, vector<128x64xf32>, vector<64x128xf32> -> vector<64x128xf32>
    %div3A_1493 = arith.constant 3.200000e+01 : f32
    %div3A_1494 = vector.broadcast %div3A_1493 : f32 to vector<64x128xf32>
    %div3A_1495 = arith.divf %dot_general3A_1492, %div3A_1494 : vector<64x128xf32>
    %jit3A_1496 = arith.constant 0xFF800000 : f32
    %broadcast_in_dim3A_1497 = vector.broadcast %jit3A_1496 : f32 to vector<64x128xf32>
    %select_n3A_1498 = arith.select %eq3A, %broadcast_in_dim3A_1497, %div3A_1495 : vector<64x128xi1>, vector<64x128xf32>
    %reduce_max3A_1499 = arith.constant dense<0xFF800000> : vector<64xf32>
    %reduce_max3A_1500 = vector.multi_reduction <maximumf>, %select_n3A_1498, %reduce_max3A_1499 [1] : vector<64x128xf32> to vector<64xf32>
    %broadcast_in_dim3A_1501 = vector.shape_cast %reduce_max3A_1500 : vector<64xf32> to vector<64x1xf32>
    %sub3A_1502 = vector.broadcast %broadcast_in_dim3A_1501 : vector<64x1xf32> to vector<64x128xf32>
    %sub3A_1503 = arith.subf %select_n3A_1498, %sub3A_1502 : vector<64x128xf32>
    %exp3A_1504 = math.exp %sub3A_1503 : vector<64x128xf32>
    %reduce_sum3A_1505 = arith.constant dense<0.000000e+00> : vector<64xf32>
    %reduce_sum3A_1506 = vector.multi_reduction <add>, %exp3A_1504, %reduce_sum3A_1505 [1] : vector<64x128xf32> to vector<64xf32>
    %broadcast_in_dim3A_1507 = vector.shape_cast %reduce_sum3A_1506 : vector<64xf32> to vector<64x1xf32>
    %div3A_1508 = vector.broadcast %broadcast_in_dim3A_1507 : vector<64x1xf32> to vector<64x128xf32>
    %div3A_1509 = arith.divf %exp3A_1504, %div3A_1508 : vector<64x128xf32>
    %dot_general3A_1510 = arith.constant dense<0.000000e+00> : vector<64x64xf32>
    %dot_general3A_1511 = tpu.matmul %div3A_1509, %concatenate3A_1490, %dot_general3A_1510 {dimension_numbers = #tpu.dot_dimension_numbers<[1], [0], [0], [1], [0, 0, 1, 1], [], []>, transpose_lhs_hint = false} : vector<64x128xf32>, vector<128x64xf32>, vector<64x64xf32> -> vector<64x64xf32>
    %swap3A_1512 = arith.constant 0 : index
    %swap3A_1513 = arith.constant 1664 : index
    %swap3A_1514 = arith.constant 0 : index
    %swap3A_1515 = vector.load %arg2[%swap3A_1512, %swap3A_1513, %swap3A_1514] : memref<1x2048x64xf32, #tpu.memory_space<vmem>>, vector<1x64x64xf32>
    %swap3A_1516 = vector.shape_cast %swap3A_1515 : vector<1x64x64xf32> to vector<64x64xf32>
    %swap3A_1517 = vector.shape_cast %dot_general3A_1511 : vector<64x64xf32> to vector<1x64x64xf32>
    tpu.vector_store %arg2[%swap3A_1512, %swap3A_1513, %swap3A_1514], %swap3A_1517 {strides = array<i32>} : memref<1x2048x64xf32, #tpu.memory_space<vmem>>, vector<1x64x64xf32>,
    %slice3A_1518 = vector.extract_strided_slice %dot_general3A_1511 {offsets = [0, 0], sizes = [64, 1], strides = [1, 1]} : vector<64x64xf32> to vector<64x1xf32>
    %transpose3A_1519 = tpu.transpose %slice3A_1518, [1, 0] : vector<64x1xf32> -> vector<1x64xf32>
    %swap3A_1520 = arith.constant 0 : index
    %swap3A_1521 = arith.constant 0 : index
    %swap3A_1522 = arith.constant 1664 : index
    %swap3A_1523 = vector.load %arg3[%swap3A_1520, %swap3A_1521, %swap3A_1522] : memref<1x1x2048xf32, #tpu.memory_space<vmem>>, vector<1x1x64xf32>
    %swap3A_1524 = vector.shape_cast %swap3A_1523 : vector<1x1x64xf32> to vector<1x64xf32>
    %swap3A_1525 = vector.shape_cast %transpose3A_1519 : vector<1x64xf32> to vector<1x1x64xf32>
    tpu.vector_store %arg3[%swap3A_1520, %swap3A_1521, %swap3A_1522], %swap3A_1525 {strides = array<i32>} : memref<1x1x2048xf32, #tpu.memory_space<vmem>>, vector<1x1x64xf32>,
    %get3A_1526 = arith.constant 0 : index
    %get3A_1527 = arith.constant 1728 : index
    %get3A_1528 = arith.constant 0 : index
    %get3A_1529 = vector.load %arg1[%get3A_1526, %get3A_1527, %get3A_1528] : memref<1x2048x128xf32, #tpu.memory_space<vmem>>, vector<1x64x64xf32>
    %get3A_1530 = vector.shape_cast %get3A_1529 : vector<1x64x64xf32> to vector<64x64xf32>
    %get3A_1531 = arith.constant 0 : index
    %get3A_1532 = arith.constant 1792 : index
    %get3A_1533 = arith.constant 0 : index
    %get3A_1534 = vector.load %arg1[%get3A_1531, %get3A_1532, %get3A_1533] : memref<1x2048x128xf32, #tpu.memory_space<vmem>>, vector<1x64x64xf32>
    %get3A_1535 = vector.shape_cast %get3A_1534 : vector<1x64x64xf32> to vector<64x64xf32>
    %concatenate3A_1536 = tpu.concatenate %get3A_1530, %get3A_1535 in 0 : vector<64x64xf32>, vector<64x64xf32> -> vector<128x64xf32>
    %get3A_1537 = arith.constant 0 : index
    %get3A_1538 = arith.constant 1728 : index
    %get3A_1539 = arith.constant 64 : index
    %get3A_1540 = vector.load %arg1[%get3A_1537, %get3A_1538, %get3A_1539] : memref<1x2048x128xf32, #tpu.memory_space<vmem>>, vector<1x64x64xf32>
    %get3A_1541 = vector.shape_cast %get3A_1540 : vector<1x64x64xf32> to vector<64x64xf32>
    %get3A_1542 = arith.constant 0 : index
    %get3A_1543 = arith.constant 1792 : index
    %get3A_1544 = arith.constant 64 : index
    %get3A_1545 = vector.load %arg1[%get3A_1542, %get3A_1543, %get3A_1544] : memref<1x2048x128xf32, #tpu.memory_space<vmem>>, vector<1x64x64xf32>
    %get3A_1546 = vector.shape_cast %get3A_1545 : vector<1x64x64xf32> to vector<64x64xf32>
    %concatenate3A_1547 = tpu.concatenate %get3A_1541, %get3A_1546 in 0 : vector<64x64xf32>, vector<64x64xf32> -> vector<128x64xf32>
    %dot_general3A_1548 = arith.constant dense<0.000000e+00> : vector<64x128xf32>
    %dot_general3A_1549 = tpu.matmul %get3A_1530, %concatenate3A_1536, %dot_general3A_1548 {dimension_numbers = #tpu.dot_dimension_numbers<[1], [1], [0], [0], [0, 0, 1, 0], [], []>, transpose_lhs_hint = false} : vector<64x64xf32>, vector<128x64xf32>, vector<64x128xf32> -> vector<64x128xf32>
    %div3A_1550 = arith.constant 3.200000e+01 : f32
    %div3A_1551 = vector.broadcast %div3A_1550 : f32 to vector<64x128xf32>
    %div3A_1552 = arith.divf %dot_general3A_1549, %div3A_1551 : vector<64x128xf32>
    %jit3A_1553 = arith.constant 0xFF800000 : f32
    %broadcast_in_dim3A_1554 = vector.broadcast %jit3A_1553 : f32 to vector<64x128xf32>
    %select_n3A_1555 = arith.select %eq3A, %broadcast_in_dim3A_1554, %div3A_1552 : vector<64x128xi1>, vector<64x128xf32>
    %reduce_max3A_1556 = arith.constant dense<0xFF800000> : vector<64xf32>
    %reduce_max3A_1557 = vector.multi_reduction <maximumf>, %select_n3A_1555, %reduce_max3A_1556 [1] : vector<64x128xf32> to vector<64xf32>
    %broadcast_in_dim3A_1558 = vector.shape_cast %reduce_max3A_1557 : vector<64xf32> to vector<64x1xf32>
    %sub3A_1559 = vector.broadcast %broadcast_in_dim3A_1558 : vector<64x1xf32> to vector<64x128xf32>
    %sub3A_1560 = arith.subf %select_n3A_1555, %sub3A_1559 : vector<64x128xf32>
    %exp3A_1561 = math.exp %sub3A_1560 : vector<64x128xf32>
    %reduce_sum3A_1562 = arith.constant dense<0.000000e+00> : vector<64xf32>
    %reduce_sum3A_1563 = vector.multi_reduction <add>, %exp3A_1561, %reduce_sum3A_1562 [1] : vector<64x128xf32> to vector<64xf32>
    %broadcast_in_dim3A_1564 = vector.shape_cast %reduce_sum3A_1563 : vector<64xf32> to vector<64x1xf32>
    %div3A_1565 = vector.broadcast %broadcast_in_dim3A_1564 : vector<64x1xf32> to vector<64x128xf32>
    %div3A_1566 = arith.divf %exp3A_1561, %div3A_1565 : vector<64x128xf32>
    %dot_general3A_1567 = arith.constant dense<0.000000e+00> : vector<64x64xf32>
    %dot_general3A_1568 = tpu.matmul %div3A_1566, %concatenate3A_1547, %dot_general3A_1567 {dimension_numbers = #tpu.dot_dimension_numbers<[1], [0], [0], [1], [0, 0, 1, 1], [], []>, transpose_lhs_hint = false} : vector<64x128xf32>, vector<128x64xf32>, vector<64x64xf32> -> vector<64x64xf32>
    %swap3A_1569 = arith.constant 0 : index
    %swap3A_1570 = arith.constant 1728 : index
    %swap3A_1571 = arith.constant 0 : index
    %swap3A_1572 = vector.load %arg2[%swap3A_1569, %swap3A_1570, %swap3A_1571] : memref<1x2048x64xf32, #tpu.memory_space<vmem>>, vector<1x64x64xf32>
    %swap3A_1573 = vector.shape_cast %swap3A_1572 : vector<1x64x64xf32> to vector<64x64xf32>
    %swap3A_1574 = vector.shape_cast %dot_general3A_1568 : vector<64x64xf32> to vector<1x64x64xf32>
    tpu.vector_store %arg2[%swap3A_1569, %swap3A_1570, %swap3A_1571], %swap3A_1574 {strides = array<i32>} : memref<1x2048x64xf32, #tpu.memory_space<vmem>>, vector<1x64x64xf32>,
    %slice3A_1575 = vector.extract_strided_slice %dot_general3A_1568 {offsets = [0, 0], sizes = [64, 1], strides = [1, 1]} : vector<64x64xf32> to vector<64x1xf32>
    %transpose3A_1576 = tpu.transpose %slice3A_1575, [1, 0] : vector<64x1xf32> -> vector<1x64xf32>
    %swap3A_1577 = arith.constant 0 : index
    %swap3A_1578 = arith.constant 0 : index
    %swap3A_1579 = arith.constant 1728 : index
    %swap3A_1580 = vector.load %arg3[%swap3A_1577, %swap3A_1578, %swap3A_1579] : memref<1x1x2048xf32, #tpu.memory_space<vmem>>, vector<1x1x64xf32>
    %swap3A_1581 = vector.shape_cast %swap3A_1580 : vector<1x1x64xf32> to vector<1x64xf32>
    %swap3A_1582 = vector.shape_cast %transpose3A_1576 : vector<1x64xf32> to vector<1x1x64xf32>
    tpu.vector_store %arg3[%swap3A_1577, %swap3A_1578, %swap3A_1579], %swap3A_1582 {strides = array<i32>} : memref<1x1x2048xf32, #tpu.memory_space<vmem>>, vector<1x1x64xf32>,
    %get3A_1583 = arith.constant 0 : index
    %get3A_1584 = arith.constant 1792 : index
    %get3A_1585 = arith.constant 0 : index
    %get3A_1586 = vector.load %arg1[%get3A_1583, %get3A_1584, %get3A_1585] : memref<1x2048x128xf32, #tpu.memory_space<vmem>>, vector<1x64x64xf32>
    %get3A_1587 = vector.shape_cast %get3A_1586 : vector<1x64x64xf32> to vector<64x64xf32>
    %get3A_1588 = arith.constant 0 : index
    %get3A_1589 = arith.constant 1856 : index
    %get3A_1590 = arith.constant 0 : index
    %get3A_1591 = vector.load %arg1[%get3A_1588, %get3A_1589, %get3A_1590] : memref<1x2048x128xf32, #tpu.memory_space<vmem>>, vector<1x64x64xf32>
    %get3A_1592 = vector.shape_cast %get3A_1591 : vector<1x64x64xf32> to vector<64x64xf32>
    %concatenate3A_1593 = tpu.concatenate %get3A_1587, %get3A_1592 in 0 : vector<64x64xf32>, vector<64x64xf32> -> vector<128x64xf32>
    %get3A_1594 = arith.constant 0 : index
    %get3A_1595 = arith.constant 1792 : index
    %get3A_1596 = arith.constant 64 : index
    %get3A_1597 = vector.load %arg1[%get3A_1594, %get3A_1595, %get3A_1596] : memref<1x2048x128xf32, #tpu.memory_space<vmem>>, vector<1x64x64xf32>
    %get3A_1598 = vector.shape_cast %get3A_1597 : vector<1x64x64xf32> to vector<64x64xf32>
    %get3A_1599 = arith.constant 0 : index
    %get3A_1600 = arith.constant 1856 : index
    %get3A_1601 = arith.constant 64 : index
    %get3A_1602 = vector.load %arg1[%get3A_1599, %get3A_1600, %get3A_1601] : memref<1x2048x128xf32, #tpu.memory_space<vmem>>, vector<1x64x64xf32>
    %get3A_1603 = vector.shape_cast %get3A_1602 : vector<1x64x64xf32> to vector<64x64xf32>
    %concatenate3A_1604 = tpu.concatenate %get3A_1598, %get3A_1603 in 0 : vector<64x64xf32>, vector<64x64xf32> -> vector<128x64xf32>
    %dot_general3A_1605 = arith.constant dense<0.000000e+00> : vector<64x128xf32>
    %dot_general3A_1606 = tpu.matmul %get3A_1587, %concatenate3A_1593, %dot_general3A_1605 {dimension_numbers = #tpu.dot_dimension_numbers<[1], [1], [0], [0], [0, 0, 1, 0], [], []>, transpose_lhs_hint = false} : vector<64x64xf32>, vector<128x64xf32>, vector<64x128xf32> -> vector<64x128xf32>
    %div3A_1607 = arith.constant 3.200000e+01 : f32
    %div3A_1608 = vector.broadcast %div3A_1607 : f32 to vector<64x128xf32>
    %div3A_1609 = arith.divf %dot_general3A_1606, %div3A_1608 : vector<64x128xf32>
    %jit3A_1610 = arith.constant 0xFF800000 : f32
    %broadcast_in_dim3A_1611 = vector.broadcast %jit3A_1610 : f32 to vector<64x128xf32>
    %select_n3A_1612 = arith.select %eq3A, %broadcast_in_dim3A_1611, %div3A_1609 : vector<64x128xi1>, vector<64x128xf32>
    %reduce_max3A_1613 = arith.constant dense<0xFF800000> : vector<64xf32>
    %reduce_max3A_1614 = vector.multi_reduction <maximumf>, %select_n3A_1612, %reduce_max3A_1613 [1] : vector<64x128xf32> to vector<64xf32>
    %broadcast_in_dim3A_1615 = vector.shape_cast %reduce_max3A_1614 : vector<64xf32> to vector<64x1xf32>
    %sub3A_1616 = vector.broadcast %broadcast_in_dim3A_1615 : vector<64x1xf32> to vector<64x128xf32>
    %sub3A_1617 = arith.subf %select_n3A_1612, %sub3A_1616 : vector<64x128xf32>
    %exp3A_1618 = math.exp %sub3A_1617 : vector<64x128xf32>
    %reduce_sum3A_1619 = arith.constant dense<0.000000e+00> : vector<64xf32>
    %reduce_sum3A_1620 = vector.multi_reduction <add>, %exp3A_1618, %reduce_sum3A_1619 [1] : vector<64x128xf32> to vector<64xf32>
    %broadcast_in_dim3A_1621 = vector.shape_cast %reduce_sum3A_1620 : vector<64xf32> to vector<64x1xf32>
    %div3A_1622 = vector.broadcast %broadcast_in_dim3A_1621 : vector<64x1xf32> to vector<64x128xf32>
    %div3A_1623 = arith.divf %exp3A_1618, %div3A_1622 : vector<64x128xf32>
    %dot_general3A_1624 = arith.constant dense<0.000000e+00> : vector<64x64xf32>
    %dot_general3A_1625 = tpu.matmul %div3A_1623, %concatenate3A_1604, %dot_general3A_1624 {dimension_numbers = #tpu.dot_dimension_numbers<[1], [0], [0], [1], [0, 0, 1, 1], [], []>, transpose_lhs_hint = false} : vector<64x128xf32>, vector<128x64xf32>, vector<64x64xf32> -> vector<64x64xf32>
    %swap3A_1626 = arith.constant 0 : index
    %swap3A_1627 = arith.constant 1792 : index
    %swap3A_1628 = arith.constant 0 : index
    %swap3A_1629 = vector.load %arg2[%swap3A_1626, %swap3A_1627, %swap3A_1628] : memref<1x2048x64xf32, #tpu.memory_space<vmem>>, vector<1x64x64xf32>
    %swap3A_1630 = vector.shape_cast %swap3A_1629 : vector<1x64x64xf32> to vector<64x64xf32>
    %swap3A_1631 = vector.shape_cast %dot_general3A_1625 : vector<64x64xf32> to vector<1x64x64xf32>
    tpu.vector_store %arg2[%swap3A_1626, %swap3A_1627, %swap3A_1628], %swap3A_1631 {strides = array<i32>} : memref<1x2048x64xf32, #tpu.memory_space<vmem>>, vector<1x64x64xf32>,
    %slice3A_1632 = vector.extract_strided_slice %dot_general3A_1625 {offsets = [0, 0], sizes = [64, 1], strides = [1, 1]} : vector<64x64xf32> to vector<64x1xf32>
    %transpose3A_1633 = tpu.transpose %slice3A_1632, [1, 0] : vector<64x1xf32> -> vector<1x64xf32>
    %swap3A_1634 = arith.constant 0 : index
    %swap3A_1635 = arith.constant 0 : index
    %swap3A_1636 = arith.constant 1792 : index
    %swap3A_1637 = vector.load %arg3[%swap3A_1634, %swap3A_1635, %swap3A_1636] : memref<1x1x2048xf32, #tpu.memory_space<vmem>>, vector<1x1x64xf32>
    %swap3A_1638 = vector.shape_cast %swap3A_1637 : vector<1x1x64xf32> to vector<1x64xf32>
    %swap3A_1639 = vector.shape_cast %transpose3A_1633 : vector<1x64xf32> to vector<1x1x64xf32>
    tpu.vector_store %arg3[%swap3A_1634, %swap3A_1635, %swap3A_1636], %swap3A_1639 {strides = array<i32>} : memref<1x1x2048xf32, #tpu.memory_space<vmem>>, vector<1x1x64xf32>,
    %get3A_1640 = arith.constant 0 : index
    %get3A_1641 = arith.constant 1856 : index
    %get3A_1642 = arith.constant 0 : index
    %get3A_1643 = vector.load %arg1[%get3A_1640, %get3A_1641, %get3A_1642] : memref<1x2048x128xf32, #tpu.memory_space<vmem>>, vector<1x64x64xf32>
    %get3A_1644 = vector.shape_cast %get3A_1643 : vector<1x64x64xf32> to vector<64x64xf32>
    %get3A_1645 = arith.constant 0 : index
    %get3A_1646 = arith.constant 1920 : index
    %get3A_1647 = arith.constant 0 : index
    %get3A_1648 = vector.load %arg1[%get3A_1645, %get3A_1646, %get3A_1647] : memref<1x2048x128xf32, #tpu.memory_space<vmem>>, vector<1x64x64xf32>
    %get3A_1649 = vector.shape_cast %get3A_1648 : vector<1x64x64xf32> to vector<64x64xf32>
    %concatenate3A_1650 = tpu.concatenate %get3A_1644, %get3A_1649 in 0 : vector<64x64xf32>, vector<64x64xf32> -> vector<128x64xf32>
    %get3A_1651 = arith.constant 0 : index
    %get3A_1652 = arith.constant 1856 : index
    %get3A_1653 = arith.constant 64 : index
    %get3A_1654 = vector.load %arg1[%get3A_1651, %get3A_1652, %get3A_1653] : memref<1x2048x128xf32, #tpu.memory_space<vmem>>, vector<1x64x64xf32>
    %get3A_1655 = vector.shape_cast %get3A_1654 : vector<1x64x64xf32> to vector<64x64xf32>
    %get3A_1656 = arith.constant 0 : index
    %get3A_1657 = arith.constant 1920 : index
    %get3A_1658 = arith.constant 64 : index
    %get3A_1659 = vector.load %arg1[%get3A_1656, %get3A_1657, %get3A_1658] : memref<1x2048x128xf32, #tpu.memory_space<vmem>>, vector<1x64x64xf32>
    %get3A_1660 = vector.shape_cast %get3A_1659 : vector<1x64x64xf32> to vector<64x64xf32>
    %concatenate3A_1661 = tpu.concatenate %get3A_1655, %get3A_1660 in 0 : vector<64x64xf32>, vector<64x64xf32> -> vector<128x64xf32>
    %dot_general3A_1662 = arith.constant dense<0.000000e+00> : vector<64x128xf32>
    %dot_general3A_1663 = tpu.matmul %get3A_1644, %concatenate3A_1650, %dot_general3A_1662 {dimension_numbers = #tpu.dot_dimension_numbers<[1], [1], [0], [0], [0, 0, 1, 0], [], []>, transpose_lhs_hint = false} : vector<64x64xf32>, vector<128x64xf32>, vector<64x128xf32> -> vector<64x128xf32>
    %div3A_1664 = arith.constant 3.200000e+01 : f32
    %div3A_1665 = vector.broadcast %div3A_1664 : f32 to vector<64x128xf32>
    %div3A_1666 = arith.divf %dot_general3A_1663, %div3A_1665 : vector<64x128xf32>
    %jit3A_1667 = arith.constant 0xFF800000 : f32
    %broadcast_in_dim3A_1668 = vector.broadcast %jit3A_1667 : f32 to vector<64x128xf32>
    %select_n3A_1669 = arith.select %eq3A, %broadcast_in_dim3A_1668, %div3A_1666 : vector<64x128xi1>, vector<64x128xf32>
    %reduce_max3A_1670 = arith.constant dense<0xFF800000> : vector<64xf32>
    %reduce_max3A_1671 = vector.multi_reduction <maximumf>, %select_n3A_1669, %reduce_max3A_1670 [1] : vector<64x128xf32> to vector<64xf32>
    %broadcast_in_dim3A_1672 = vector.shape_cast %reduce_max3A_1671 : vector<64xf32> to vector<64x1xf32>
    %sub3A_1673 = vector.broadcast %broadcast_in_dim3A_1672 : vector<64x1xf32> to vector<64x128xf32>
    %sub3A_1674 = arith.subf %select_n3A_1669, %sub3A_1673 : vector<64x128xf32>
    %exp3A_1675 = math.exp %sub3A_1674 : vector<64x128xf32>
    %reduce_sum3A_1676 = arith.constant dense<0.000000e+00> : vector<64xf32>
    %reduce_sum3A_1677 = vector.multi_reduction <add>, %exp3A_1675, %reduce_sum3A_1676 [1] : vector<64x128xf32> to vector<64xf32>
    %broadcast_in_dim3A_1678 = vector.shape_cast %reduce_sum3A_1677 : vector<64xf32> to vector<64x1xf32>
    %div3A_1679 = vector.broadcast %broadcast_in_dim3A_1678 : vector<64x1xf32> to vector<64x128xf32>
    %div3A_1680 = arith.divf %exp3A_1675, %div3A_1679 : vector<64x128xf32>
    %dot_general3A_1681 = arith.constant dense<0.000000e+00> : vector<64x64xf32>
    %dot_general3A_1682 = tpu.matmul %div3A_1680, %concatenate3A_1661, %dot_general3A_1681 {dimension_numbers = #tpu.dot_dimension_numbers<[1], [0], [0], [1], [0, 0, 1, 1], [], []>, transpose_lhs_hint = false} : vector<64x128xf32>, vector<128x64xf32>, vector<64x64xf32> -> vector<64x64xf32>
    %swap3A_1683 = arith.constant 0 : index
    %swap3A_1684 = arith.constant 1856 : index
    %swap3A_1685 = arith.constant 0 : index
    %swap3A_1686 = vector.load %arg2[%swap3A_1683, %swap3A_1684, %swap3A_1685] : memref<1x2048x64xf32, #tpu.memory_space<vmem>>, vector<1x64x64xf32>
    %swap3A_1687 = vector.shape_cast %swap3A_1686 : vector<1x64x64xf32> to vector<64x64xf32>
    %swap3A_1688 = vector.shape_cast %dot_general3A_1682 : vector<64x64xf32> to vector<1x64x64xf32>
    tpu.vector_store %arg2[%swap3A_1683, %swap3A_1684, %swap3A_1685], %swap3A_1688 {strides = array<i32>} : memref<1x2048x64xf32, #tpu.memory_space<vmem>>, vector<1x64x64xf32>,
    %slice3A_1689 = vector.extract_strided_slice %dot_general3A_1682 {offsets = [0, 0], sizes = [64, 1], strides = [1, 1]} : vector<64x64xf32> to vector<64x1xf32>
    %transpose3A_1690 = tpu.transpose %slice3A_1689, [1, 0] : vector<64x1xf32> -> vector<1x64xf32>
    %swap3A_1691 = arith.constant 0 : index
    %swap3A_1692 = arith.constant 0 : index
    %swap3A_1693 = arith.constant 1856 : index
    %swap3A_1694 = vector.load %arg3[%swap3A_1691, %swap3A_1692, %swap3A_1693] : memref<1x1x2048xf32, #tpu.memory_space<vmem>>, vector<1x1x64xf32>
    %swap3A_1695 = vector.shape_cast %swap3A_1694 : vector<1x1x64xf32> to vector<1x64xf32>
    %swap3A_1696 = vector.shape_cast %transpose3A_1690 : vector<1x64xf32> to vector<1x1x64xf32>
    tpu.vector_store %arg3[%swap3A_1691, %swap3A_1692, %swap3A_1693], %swap3A_1696 {strides = array<i32>} : memref<1x1x2048xf32, #tpu.memory_space<vmem>>, vector<1x1x64xf32>,
    %get3A_1697 = arith.constant 0 : index
    %get3A_1698 = arith.constant 1920 : index
    %get3A_1699 = arith.constant 0 : index
    %get3A_1700 = vector.load %arg1[%get3A_1697, %get3A_1698, %get3A_1699] : memref<1x2048x128xf32, #tpu.memory_space<vmem>>, vector<1x64x64xf32>
    %get3A_1701 = vector.shape_cast %get3A_1700 : vector<1x64x64xf32> to vector<64x64xf32>
    %get3A_1702 = arith.constant 0 : index
    %get3A_1703 = arith.constant 1984 : index
    %get3A_1704 = arith.constant 0 : index
    %get3A_1705 = vector.load %arg1[%get3A_1702, %get3A_1703, %get3A_1704] : memref<1x2048x128xf32, #tpu.memory_space<vmem>>, vector<1x64x64xf32>
    %get3A_1706 = vector.shape_cast %get3A_1705 : vector<1x64x64xf32> to vector<64x64xf32>
    %concatenate3A_1707 = tpu.concatenate %get3A_1701, %get3A_1706 in 0 : vector<64x64xf32>, vector<64x64xf32> -> vector<128x64xf32>
    %get3A_1708 = arith.constant 0 : index
    %get3A_1709 = arith.constant 1920 : index
    %get3A_1710 = arith.constant 64 : index
    %get3A_1711 = vector.load %arg1[%get3A_1708, %get3A_1709, %get3A_1710] : memref<1x2048x128xf32, #tpu.memory_space<vmem>>, vector<1x64x64xf32>
    %get3A_1712 = vector.shape_cast %get3A_1711 : vector<1x64x64xf32> to vector<64x64xf32>
    %get3A_1713 = arith.constant 0 : index
    %get3A_1714 = arith.constant 1984 : index
    %get3A_1715 = arith.constant 64 : index
    %get3A_1716 = vector.load %arg1[%get3A_1713, %get3A_1714, %get3A_1715] : memref<1x2048x128xf32, #tpu.memory_space<vmem>>, vector<1x64x64xf32>
    %get3A_1717 = vector.shape_cast %get3A_1716 : vector<1x64x64xf32> to vector<64x64xf32>
    %concatenate3A_1718 = tpu.concatenate %get3A_1712, %get3A_1717 in 0 : vector<64x64xf32>, vector<64x64xf32> -> vector<128x64xf32>
    %dot_general3A_1719 = arith.constant dense<0.000000e+00> : vector<64x128xf32>
    %dot_general3A_1720 = tpu.matmul %get3A_1701, %concatenate3A_1707, %dot_general3A_1719 {dimension_numbers = #tpu.dot_dimension_numbers<[1], [1], [0], [0], [0, 0, 1, 0], [], []>, transpose_lhs_hint = false} : vector<64x64xf32>, vector<128x64xf32>, vector<64x128xf32> -> vector<64x128xf32>
    %div3A_1721 = arith.constant 3.200000e+01 : f32
    %div3A_1722 = vector.broadcast %div3A_1721 : f32 to vector<64x128xf32>
    %div3A_1723 = arith.divf %dot_general3A_1720, %div3A_1722 : vector<64x128xf32>
    %jit3A_1724 = arith.constant 0xFF800000 : f32
    %broadcast_in_dim3A_1725 = vector.broadcast %jit3A_1724 : f32 to vector<64x128xf32>
    %select_n3A_1726 = arith.select %eq3A, %broadcast_in_dim3A_1725, %div3A_1723 : vector<64x128xi1>, vector<64x128xf32>
    %reduce_max3A_1727 = arith.constant dense<0xFF800000> : vector<64xf32>
    %reduce_max3A_1728 = vector.multi_reduction <maximumf>, %select_n3A_1726, %reduce_max3A_1727 [1] : vector<64x128xf32> to vector<64xf32>
    %broadcast_in_dim3A_1729 = vector.shape_cast %reduce_max3A_1728 : vector<64xf32> to vector<64x1xf32>
    %sub3A_1730 = vector.broadcast %broadcast_in_dim3A_1729 : vector<64x1xf32> to vector<64x128xf32>
    %sub3A_1731 = arith.subf %select_n3A_1726, %sub3A_1730 : vector<64x128xf32>
    %exp3A_1732 = math.exp %sub3A_1731 : vector<64x128xf32>
    %reduce_sum3A_1733 = arith.constant dense<0.000000e+00> : vector<64xf32>
    %reduce_sum3A_1734 = vector.multi_reduction <add>, %exp3A_1732, %reduce_sum3A_1733 [1] : vector<64x128xf32> to vector<64xf32>
    %broadcast_in_dim3A_1735 = vector.shape_cast %reduce_sum3A_1734 : vector<64xf32> to vector<64x1xf32>
    %div3A_1736 = vector.broadcast %broadcast_in_dim3A_1735 : vector<64x1xf32> to vector<64x128xf32>
    %div3A_1737 = arith.divf %exp3A_1732, %div3A_1736 : vector<64x128xf32>
    %dot_general3A_1738 = arith.constant dense<0.000000e+00> : vector<64x64xf32>
    %dot_general3A_1739 = tpu.matmul %div3A_1737, %concatenate3A_1718, %dot_general3A_1738 {dimension_numbers = #tpu.dot_dimension_numbers<[1], [0], [0], [1], [0, 0, 1, 1], [], []>, transpose_lhs_hint = false} : vector<64x128xf32>, vector<128x64xf32>, vector<64x64xf32> -> vector<64x64xf32>
    %swap3A_1740 = arith.constant 0 : index
    %swap3A_1741 = arith.constant 1920 : index
    %swap3A_1742 = arith.constant 0 : index
    %swap3A_1743 = vector.load %arg2[%swap3A_1740, %swap3A_1741, %swap3A_1742] : memref<1x2048x64xf32, #tpu.memory_space<vmem>>, vector<1x64x64xf32>
    %swap3A_1744 = vector.shape_cast %swap3A_1743 : vector<1x64x64xf32> to vector<64x64xf32>
    %swap3A_1745 = vector.shape_cast %dot_general3A_1739 : vector<64x64xf32> to vector<1x64x64xf32>
    tpu.vector_store %arg2[%swap3A_1740, %swap3A_1741, %swap3A_1742], %swap3A_1745 {strides = array<i32>} : memref<1x2048x64xf32, #tpu.memory_space<vmem>>, vector<1x64x64xf32>,
    %slice3A_1746 = vector.extract_strided_slice %dot_general3A_1739 {offsets = [0, 0], sizes = [64, 1], strides = [1, 1]} : vector<64x64xf32> to vector<64x1xf32>
    %transpose3A_1747 = tpu.transpose %slice3A_1746, [1, 0] : vector<64x1xf32> -> vector<1x64xf32>
    %swap3A_1748 = arith.constant 0 : index
    %swap3A_1749 = arith.constant 0 : index
    %swap3A_1750 = arith.constant 1920 : index
    %swap3A_1751 = vector.load %arg3[%swap3A_1748, %swap3A_1749, %swap3A_1750] : memref<1x1x2048xf32, #tpu.memory_space<vmem>>, vector<1x1x64xf32>
    %swap3A_1752 = vector.shape_cast %swap3A_1751 : vector<1x1x64xf32> to vector<1x64xf32>
    %swap3A_1753 = vector.shape_cast %transpose3A_1747 : vector<1x64xf32> to vector<1x1x64xf32>
    tpu.vector_store %arg3[%swap3A_1748, %swap3A_1749, %swap3A_1750], %swap3A_1753 {strides = array<i32>} : memref<1x1x2048xf32, #tpu.memory_space<vmem>>, vector<1x1x64xf32>,
    %get3A_1754 = arith.constant 0 : index
    %get3A_1755 = arith.constant 1984 : index
    %get3A_1756 = arith.constant 0 : index
    %get3A_1757 = vector.load %arg1[%get3A_1754, %get3A_1755, %get3A_1756] : memref<1x2048x128xf32, #tpu.memory_space<vmem>>, vector<1x64x64xf32>
    %get3A_1758 = vector.shape_cast %get3A_1757 : vector<1x64x64xf32> to vector<64x64xf32>
    %get3A_1759 = arith.constant 0 : index
    %get3A_1760 = arith.constant 0 : index
    %get3A_1761 = arith.constant 0 : index
    %get3A_1762 = vector.load %arg1[%get3A_1759, %get3A_1760, %get3A_1761] : memref<1x2048x128xf32, #tpu.memory_space<vmem>>, vector<1x64x64xf32>
    %get3A_1763 = vector.shape_cast %get3A_1762 : vector<1x64x64xf32> to vector<64x64xf32>
    %concatenate3A_1764 = tpu.concatenate %get3A_1758, %get3A_1763 in 0 : vector<64x64xf32>, vector<64x64xf32> -> vector<128x64xf32>
    %get3A_1765 = arith.constant 0 : index
    %get3A_1766 = arith.constant 1984 : index
    %get3A_1767 = arith.constant 64 : index
    %get3A_1768 = vector.load %arg1[%get3A_1765, %get3A_1766, %get3A_1767] : memref<1x2048x128xf32, #tpu.memory_space<vmem>>, vector<1x64x64xf32>
    %get3A_1769 = vector.shape_cast %get3A_1768 : vector<1x64x64xf32> to vector<64x64xf32>
    %get3A_1770 = arith.constant 0 : index
    %get3A_1771 = arith.constant 0 : index
    %get3A_1772 = arith.constant 64 : index
    %get3A_1773 = vector.load %arg1[%get3A_1770, %get3A_1771, %get3A_1772] : memref<1x2048x128xf32, #tpu.memory_space<vmem>>, vector<1x64x64xf32>
    %get3A_1774 = vector.shape_cast %get3A_1773 : vector<1x64x64xf32> to vector<64x64xf32>
    %concatenate3A_1775 = tpu.concatenate %get3A_1769, %get3A_1774 in 0 : vector<64x64xf32>, vector<64x64xf32> -> vector<128x64xf32>
    %dot_general3A_1776 = arith.constant dense<0.000000e+00> : vector<64x128xf32>
    %dot_general3A_1777 = tpu.matmul %get3A_1758, %concatenate3A_1764, %dot_general3A_1776 {dimension_numbers = #tpu.dot_dimension_numbers<[1], [1], [0], [0], [0, 0, 1, 0], [], []>, transpose_lhs_hint = false} : vector<64x64xf32>, vector<128x64xf32>, vector<64x128xf32> -> vector<64x128xf32>
    %div3A_1778 = arith.constant 3.200000e+01 : f32
    %div3A_1779 = vector.broadcast %div3A_1778 : f32 to vector<64x128xf32>
    %div3A_1780 = arith.divf %dot_general3A_1777, %div3A_1779 : vector<64x128xf32>
    %jit3A_1781 = arith.constant 0xFF800000 : f32
    %broadcast_in_dim3A_1782 = vector.broadcast %jit3A_1781 : f32 to vector<64x128xf32>
    %select_n3A_1783 = arith.select %eq3A, %broadcast_in_dim3A_1782, %div3A_1780 : vector<64x128xi1>, vector<64x128xf32>
    %reduce_max3A_1784 = arith.constant dense<0xFF800000> : vector<64xf32>
    %reduce_max3A_1785 = vector.multi_reduction <maximumf>, %select_n3A_1783, %reduce_max3A_1784 [1] : vector<64x128xf32> to vector<64xf32>
    %broadcast_in_dim3A_1786 = vector.shape_cast %reduce_max3A_1785 : vector<64xf32> to vector<64x1xf32>
    %sub3A_1787 = vector.broadcast %broadcast_in_dim3A_1786 : vector<64x1xf32> to vector<64x128xf32>
    %sub3A_1788 = arith.subf %select_n3A_1783, %sub3A_1787 : vector<64x128xf32>
    %exp3A_1789 = math.exp %sub3A_1788 : vector<64x128xf32>
    %reduce_sum3A_1790 = arith.constant dense<0.000000e+00> : vector<64xf32>
    %reduce_sum3A_1791 = vector.multi_reduction <add>, %exp3A_1789, %reduce_sum3A_1790 [1] : vector<64x128xf32> to vector<64xf32>
    %broadcast_in_dim3A_1792 = vector.shape_cast %reduce_sum3A_1791 : vector<64xf32> to vector<64x1xf32>
    %div3A_1793 = vector.broadcast %broadcast_in_dim3A_1792 : vector<64x1xf32> to vector<64x128xf32>
    %div3A_1794 = arith.divf %exp3A_1789, %div3A_1793 : vector<64x128xf32>
    %dot_general3A_1795 = arith.constant dense<0.000000e+00> : vector<64x64xf32>
    %dot_general3A_1796 = tpu.matmul %div3A_1794, %concatenate3A_1775, %dot_general3A_1795 {dimension_numbers = #tpu.dot_dimension_numbers<[1], [0], [0], [1], [0, 0, 1, 1], [], []>, transpose_lhs_hint = false} : vector<64x128xf32>, vector<128x64xf32>, vector<64x64xf32> -> vector<64x64xf32>
    %swap3A_1797 = arith.constant 0 : index
    %swap3A_1798 = arith.constant 1984 : index
    %swap3A_1799 = arith.constant 0 : index
    %swap3A_1800 = vector.load %arg2[%swap3A_1797, %swap3A_1798, %swap3A_1799] : memref<1x2048x64xf32, #tpu.memory_space<vmem>>, vector<1x64x64xf32>
    %swap3A_1801 = vector.shape_cast %swap3A_1800 : vector<1x64x64xf32> to vector<64x64xf32>
    %swap3A_1802 = vector.shape_cast %dot_general3A_1796 : vector<64x64xf32> to vector<1x64x64xf32>
    tpu.vector_store %arg2[%swap3A_1797, %swap3A_1798, %swap3A_1799], %swap3A_1802 {strides = array<i32>} : memref<1x2048x64xf32, #tpu.memory_space<vmem>>, vector<1x64x64xf32>,
    %slice3A_1803 = vector.extract_strided_slice %dot_general3A_1796 {offsets = [0, 0], sizes = [64, 1], strides = [1, 1]} : vector<64x64xf32> to vector<64x1xf32>
    %transpose3A_1804 = tpu.transpose %slice3A_1803, [1, 0] : vector<64x1xf32> -> vector<1x64xf32>
    %swap3A_1805 = arith.constant 0 : index
    %swap3A_1806 = arith.constant 0 : index
    %swap3A_1807 = arith.constant 1984 : index
    %swap3A_1808 = vector.load %arg3[%swap3A_1805, %swap3A_1806, %swap3A_1807] : memref<1x1x2048xf32, #tpu.memory_space<vmem>>, vector<1x1x64xf32>
    %swap3A_1809 = vector.shape_cast %swap3A_1808 : vector<1x1x64xf32> to vector<1x64xf32>
    %swap3A_1810 = vector.shape_cast %transpose3A_1804 : vector<1x64xf32> to vector<1x1x64xf32>
    tpu.vector_store %arg3[%swap3A_1805, %swap3A_1806, %swap3A_1807], %swap3A_1810 {strides = array<i32>} : memref<1x1x2048xf32, #tpu.memory_space<vmem>>, vector<1x1x64xf32>,
    return
  }
  func.func @transform_0(%arg0: i32) -> (i32, i32, i32) {
    %c0_i32 = arith.constant 0 : i32
    %c0_i32_0 = arith.constant 0 : i32
    %c0_i32_1 = arith.constant 0 : i32
    return %arg0, %c0_i32, %c0_i32_0 : i32, i32, i32
  }
  func.func @transform_1(%arg0: i32) -> (i32, i32, i32) {
    %c0_i32 = arith.constant 0 : i32
    %c0_i32_0 = arith.constant 0 : i32
    %c0_i32_1 = arith.constant 0 : i32
    return %arg0, %c0_i32, %c0_i32_0 : i32, i32, i32
  }
  func.func @transform_2(%arg0: i32) -> (i32, i32, i32) {
    %c0_i32 = arith.constant 0 : i32
    %c0_i32_0 = arith.constant 0 : i32
    %c0_i32_1 = arith.constant 0 : i32
    return %arg0, %c0_i32, %c0_i32_0 : i32, i32, i32
  }
}

module attributes {stable_mosaic.version = 14 : i64} {
  func.func @_out_kernel(%arg0: i32, %arg1: i32, %arg2: memref<1x256x1024xf32, #tpu.memory_space<vmem>>, %arg3: memref<16x256xf32, #tpu.memory_space<vmem>>, %arg4: memref<1024x1024xf32, #tpu.memory_space<vmem>>, %arg5: memref<1x1024xf32, #tpu.memory_space<vmem>>, %arg6: memref<1x256x1024xf32, #tpu.memory_space<vmem>>) attributes {dimension_semantics = [#tpu.dimension_semantics<arbitrary>, #tpu.dimension_semantics<arbitrary>], iteration_bounds = array<i64: 2, 8>, scalar_prefetch = 0 : i64, scratch_operands = 0 : i64, tpu.core_type = #tpu.core_type<tc>, window_params = [{transform_indices = @transform_0, window_bounds = array<i64: 1, 256, 1024>}, {transform_indices = @transform_1, window_bounds = array<i64: 16, 256>}, {pipeline_mode = #tpu.pipeline_mode<synchronous>, transform_indices = @transform_2, window_bounds = array<i64: 1024, 1024>}, {pipeline_mode = #tpu.pipeline_mode<synchronous>, transform_indices = @transform_3, window_bounds = array<i64: 1, 1024>}, {transform_indices = @transform_4, window_bounds = array<i64: 1, 256, 1024>}]} {
    %get3A = arith.constant 0 : index
    %get3A_0 = arith.constant 0 : index
    %get3A_1 = arith.constant 0 : index
    %get3A_2 = vector.load %arg2[%get3A, %get3A_0, %get3A_1] : memref<1x256x1024xf32, #tpu.memory_space<vmem>>, vector<1x256x1024xf32>
    %get3A_3 = vector.shape_cast %get3A_2 : vector<1x256x1024xf32> to vector<256x1024xf32>
    %get3A_4 = arith.constant 0 : index
    %get3A_5 = arith.constant 0 : index
    %get3A_6 = vector.load %arg3[%get3A_4, %get3A_5] : memref<16x256xf32, #tpu.memory_space<vmem>>, vector<16x256xf32>
    %transpose3A = tpu.transpose %get3A_6, [1, 0] : vector<16x256xf32> -> vector<256x16xf32>
    %iota3A = tpu.iota {dimensions = array<i32: 0>} : vector<16x1024xi32>
    %iota3A_7 = tpu.iota {dimensions = array<i32: 1>} : vector<16x1024xi32>
    %mul3A = arith.constant 64 : i32
    %mul3A_8 = vector.broadcast %mul3A : i32 to vector<16x1024xi32>
    %mul3A_9 = arith.muli %iota3A, %mul3A_8 : vector<16x1024xi32>
    %eq3A = arith.cmpi eq, %iota3A_7, %mul3A_9 : vector<16x1024xi32>
    %convert_element_type3A = arith.extui %eq3A : vector<16x1024xi1> to vector<16x1024xi32>
    %convert_element_type3A_10 = arith.sitofp %convert_element_type3A : vector<16x1024xi32> to vector<16x1024xf32>
    %dot_general3A = arith.constant dense<0.000000e+00> : vector<256x1024xf32>
    %dot_general3A_11 = tpu.matmul %transpose3A, %convert_element_type3A_10, %dot_general3A {dimension_numbers = #tpu.dot_dimension_numbers<[1], [0], [0], [1], [0, 0, 1, 1], [], []>, transpose_lhs_hint = false} : vector<256x16xf32>, vector<16x1024xf32>, vector<256x1024xf32> -> vector<256x1024xf32>
    %iota3A_12 = tpu.iota {dimensions = array<i32: 1>} : vector<256x1024xi32>
    %jit3A = arith.constant 64 : i32
    %eq3A_13 = arith.constant 0 : i32
    %eq3A_14 = arith.cmpi eq, %jit3A, %eq3A_13 : i32
    %jit3A_15 = arith.constant 1 : i32
    %select_n3A = arith.select %eq3A_14, %jit3A_15, %jit3A : i32
    %rem3A = vector.broadcast %select_n3A : i32 to vector<256x1024xi32>
    %rem3A_16 = arith.remsi %iota3A_12, %rem3A : vector<256x1024xi32>
    %ne3A = arith.constant 0 : i32
    %ne3A_17 = vector.broadcast %ne3A : i32 to vector<256x1024xi32>
    %ne3A_18 = arith.cmpi ne, %rem3A_16, %ne3A_17 : vector<256x1024xi32>
    %lt3A = arith.constant 0 : i32
    %lt3A_19 = vector.broadcast %lt3A : i32 to vector<256x1024xi32>
    %lt3A_20 = arith.cmpi slt, %rem3A_16, %lt3A_19 : vector<256x1024xi32>
    %lt3A_21 = arith.constant 0 : i32
    %lt3A_22 = arith.cmpi slt, %select_n3A, %lt3A_21 : i32
    %ne3A_23 = vector.broadcast %lt3A_22 : i1 to vector<256x1024xi1>
    %ne3A_24 = vector.broadcast %ne3A_23 : vector<256x1024xi1> to vector<256x1024xi1>
    %ne3A_25 = arith.xori %lt3A_20, %ne3A_24 : vector<256x1024xi1>
    %and3A = arith.andi %ne3A_25, %ne3A_18 : vector<256x1024xi1>
    %add3A = vector.broadcast %select_n3A : i32 to vector<256x1024xi32>
    %add3A_26 = arith.addi %rem3A_16, %add3A : vector<256x1024xi32>
    %select_n3A_27 = arith.select %and3A, %add3A_26, %rem3A_16 : vector<256x1024xi1>, vector<256x1024xi32>
    %eq3A_28 = arith.constant 0 : i32
    %eq3A_29 = vector.broadcast %eq3A_28 : i32 to vector<256x1024xi32>
    %eq3A_30 = arith.cmpi eq, %select_n3A_27, %eq3A_29 : vector<256x1024xi32>
    %select_n3A_31 = arith.select %eq3A_30, %dot_general3A_11, %get3A_3 : vector<256x1024xi1>, vector<256x1024xf32>
    %get3A_32 = arith.constant 0 : index
    %get3A_33 = arith.constant 0 : index
    %get3A_34 = vector.load %arg4[%get3A_32, %get3A_33] : memref<1024x1024xf32, #tpu.memory_space<vmem>>, vector<1024x1024xf32>
    %dot_general3A_35 = arith.constant dense<0.000000e+00> : vector<256x1024xf32>
    %dot_general3A_36 = tpu.matmul %select_n3A_31, %get3A_34, %dot_general3A_35 {dimension_numbers = #tpu.dot_dimension_numbers<[1], [0], [0], [1], [0, 0, 1, 1], [], []>, transpose_lhs_hint = false} : vector<256x1024xf32>, vector<1024x1024xf32>, vector<256x1024xf32> -> vector<256x1024xf32>
    %get3A_37 = arith.constant 0 : index
    %get3A_38 = arith.constant 0 : index
    %get3A_39 = vector.load %arg5[%get3A_37, %get3A_38] : memref<1x1024xf32, #tpu.memory_space<vmem>>, vector<1x1024xf32>
    %add3A_40 = vector.broadcast %get3A_39 : vector<1x1024xf32> to vector<256x1024xf32>
    %add3A_41 = arith.addf %dot_general3A_36, %add3A_40 : vector<256x1024xf32>
    %swap3A = arith.constant 0 : index
    %swap3A_42 = arith.constant 0 : index
    %swap3A_43 = arith.constant 0 : index
    %swap3A_44 = vector.load %arg6[%swap3A, %swap3A_42, %swap3A_43] : memref<1x256x1024xf32, #tpu.memory_space<vmem>>, vector<1x256x1024xf32>
    %swap3A_45 = vector.shape_cast %swap3A_44 : vector<1x256x1024xf32> to vector<256x1024xf32>
    %swap3A_46 = vector.shape_cast %add3A_41 : vector<256x1024xf32> to vector<1x256x1024xf32>
    tpu.vector_store %arg6[%swap3A, %swap3A_42, %swap3A_43], %swap3A_46 {strides = array<i32>} : memref<1x256x1024xf32, #tpu.memory_space<vmem>>, vector<1x256x1024xf32>,
    return
  }
  func.func @transform_0(%arg0: i32, %arg1: i32) -> (i32, i32, i32) {
    %c0_i32 = arith.constant 0 : i32
    %c0_i32_0 = arith.constant 0 : i32
    return %arg0, %arg1, %c0_i32 : i32, i32, i32
  }
  func.func @transform_1(%arg0: i32, %arg1: i32) -> (i32, i32) {
    %c0_i32 = arith.constant 0 : i32
    return %arg0, %arg1 : i32, i32
  }
  func.func @transform_2(%arg0: i32, %arg1: i32) -> (i32, i32) {
    %c0_i32 = arith.constant 0 : i32
    %c0_i32_0 = arith.constant 0 : i32
    %c0_i32_1 = arith.constant 0 : i32
    return %c0_i32, %c0_i32_0 : i32, i32
  }
  func.func @transform_3(%arg0: i32, %arg1: i32) -> (i32, i32) {
    %c0_i32 = arith.constant 0 : i32
    %c0_i32_0 = arith.constant 0 : i32
    %c0_i32_1 = arith.constant 0 : i32
    return %c0_i32, %c0_i32_0 : i32, i32
  }
  func.func @transform_4(%arg0: i32, %arg1: i32) -> (i32, i32, i32) {
    %c0_i32 = arith.constant 0 : i32
    %c0_i32_0 = arith.constant 0 : i32
    return %arg0, %arg1, %c0_i32 : i32, i32, i32
  }
}

</mosaic_0001>

<sc_bundles>
// kernel: kernel.11.cloned.1.call-start
scs
__scs_entry_jumppad:
0x0: {  	(pc) =	sbr.rel $0x88, $3  }
0x1: {  	(tag) =	ssettag $0x0;
	lr =	simm.s32 $0x1  }
0x2: {  	[smem:$0x3F99] =	sst lr;
	_ =	strace $0xD0000000  }
0x3: {  	_ = 	snop  }
0x4: {  	_ = 	snop  }
0x5: {  	_ = 	snop  }
0x6: {  	_ = 	snop  }
0x7: {  	_ = 	snop  }
__scs_overlays_trampoline_lowered:
0x8: {  	[smem:$0x3FA8] =	sst s0  }
0x9: {  	[smem:$0x3FA9] =	sst s1  }
0xa: {  	[smem:$0x3FAA] =	sst s2  }
0xb: {  	[smem:$0x3FAB] =	sst s3  }
0xc: {  	[smem:$0x3FAC] =	sst s4  }
0xd: {  	[smem:$0x3FAD] =	sst s5  }
0xe: {  	[smem:$0x3FAE] =	sst s6  }
0xf: {  	[smem:$0x3FAF] =	sst s7  }
0x10: {  	[smem:$0x3FB0] =	sst s8  }
0x11: {  	[smem:$0x3FB1] =	sst s9;
	s0 =	simm.s32 @!p0 $0x0  }
0x12: {  	s1 =	sld [smem:$0x3F97];
	s0 =	simm.s32 @p0 $0x1  }
0x13: {  	[smem:$0x3FB2] =	sst s0;
	s0 =	simm.s32 @!p1 $0x0  }
0x14: {  	s2 =	sld [smem:$0x3F96];
	s0 =	simm.s32 @p1 $0x1  }
0x15: {  	[smem:$0x3FB3] =	sst s0;
	s0 =	simm.s32 @!p2 $0x0  }
0x16: {  	s3 =	sld [smem:$0x3FDB];
	s0 =	simm.s32 @p2 $0x1  }
0x17: {  	s4 =	simm.s32 $0x1BF5;
	[smem:$0x3FB5] =	sst s0  }
0x18: {  	s0 =	sld [smem:$0x3F98];
	_ =	swait.ge [sflag:s4], $0x0  }
0x19: {  	s7 =	sld [smem:$0x3F99]  }
0x1a: {  	s8 =	sadd.s32 $0xFFFFE003, lr  }
0x1b: {  	s9 =	sadd.s32 $0xFFFFFEF7, lr;
	s5 =	simm.s32 $0xFFFFFFFF;
	p2 =	slt.u32 s8, $0xFFFFF086  }
0x1c: {  	p1 =	slt.u32 s9, $0xF7A;
	s5 =	simm.s32 @!p2 $0x0  }
0x1d: {  	s5 =	simm.s32 @p1 $0x1;
	p0 =	seq.s32 s7, s2  }
0x1e: {  	s7 =	smul.u32 @!p0 $0xF7A, s2;
	p2 =	seq.s32 @!p0 s5, $0x0  }
0x1f: {  	s9 =	smul.u32 $0xF7A, s1;
	s8 =	simm.s32 @!p0 $0x1BF5;
	p2 =	por !p2, p0  }
0x20: {  	[sflag:s8] =	ssyncset.s32 @!p0 $0xFFFFF086;
	s6 =	sadd.s32 @!p0 s3, s7;
	s7 =	simm.s32 @!p0 $0x108  }
0x21: {  	s3 =	sadd.s32 s3, s9;
	s6 =	sadd.s32 @!p0 $0x88, s6;
	s7 =	simm.s32 @p2 $0x1082  }
0x22: {  	[simem:s7], [sflag:s8] =	dma.local @!p0 [hbm:s6], $0xF7A  }
0x23: {  	s9 =	sor.u32 $0xD0000000, s2;
	s6 =	simm.s32 $0x108;
	_ =	swait.ge @!p0 [sflag:s8], $0x0  }
0x24: {  	s3 =	sadd.s32 $0x88, s3;
	s6 =	simm.s32 @!p1 $0x1082;
	[sflag:s4] =	ssyncset.s32 $0xFFFFF086  }
0x25: {  	[simem:s6], [sflag:s4] =	dma.local [hbm:s3], $0xF7A  }
0x26: {  	[smem:$0x3F99] =	sst s1;
	(tag) =	ssettag s2;
	_ =	strace s9  }
0x27: {  	s1 =	sld [smem:$0x3FA9]  }
0x28: {  	s2 =	sld [smem:$0x3FAA]  }
0x29: {  	s4 =	sld [smem:$0x3FAC]  }
0x2a: {  	p0 =	seq.s32 s5, $0x0;
	s5 =	sld [smem:$0x3FAD]  }
0x2b: {  	s6 =	sld [smem:$0x3FAE]  }
0x2c: {  	s7 =	sld [smem:$0x3FAF]  }
0x2d: {  	s3 =	simm.s32 $0x108;
	s8 =	sld [smem:$0x3FB0]  }
0x2e: {  	s3 =	simm.s32 @!p0 $0x1082;
	s9 =	sld [smem:$0x3FB1]  }
0x2f: {  	lr =	sadd.s32 s0, s3;
	s0 =	sld [smem:$0x3FA8]  }
0x30: {  	s3 =	sld [smem:$0x3FAB]  }
0x31: {  	[smem:$0x3FB4] =	sst s10  }
0x32: {  	s10 =	sld [smem:$0x3FB2];
	_ =	sdelay $0x3  }
0x33: {  	p0 =	seq.s32 s10, $0x1;
	s10 =	sld [smem:$0x3FB4];
	_ =	sdelay $0x3  }
0x34: {  	[smem:$0x3FB4] =	sst s10  }
0x35: {  	s10 =	sld [smem:$0x3FB3];
	_ =	sdelay $0x3  }
0x36: {  	p1 =	seq.s32 s10, $0x1;
	s10 =	sld [smem:$0x3FB4];
	_ =	sdelay $0x3  }
0x37: {  	[smem:$0x3FB4] =	sst s10  }
0x38: {  	s10 =	sld [smem:$0x3FB5]  }
0x39: {  	_ = 	snop;
	(pc) =	sbr.ind lr, $3  }
0x3a: {  	_ = 	snop  }
0x3b: {  	_ = 	snop  }
0x3c: {  	p2 =	seq.s32 s10, $0x1;
	s10 =	sld [smem:$0x3FB4]  }
0x3d: {  	_ =	shalt  }
0x3e: {  	_ =	shalt  }
0x3f: {  	_ =	shalt  }
0x40: {  	_ =	shalt  }
0x41: {  	_ =	shalt  }
0x42: {  	_ =	shalt  }
0x43: {  	_ =	shalt  }
0x44: {  	_ =	shalt  }
0x45: {  	_ =	shalt  }
0x46: {  	_ =	shalt  }
0x47: {  	_ =	shalt  }
0x48: {  	_ =	shalt  }
0x49: {  	_ =	shalt  }
0x4a: {  	_ =	shalt  }
0x4b: {  	_ =	shalt  }
0x4c: {  	_ =	shalt  }
0x4d: {  	_ =	shalt  }
0x4e: {  	_ =	shalt  }
0x4f: {  	_ =	shalt  }
0x50: {  	_ =	shalt  }
0x51: {  	_ =	shalt  }
0x52: {  	_ =	shalt  }
0x53: {  	_ =	shalt  }
0x54: {  	_ =	shalt  }
0x55: {  	_ =	shalt  }
0x56: {  	_ =	shalt  }
0x57: {  	_ =	shalt  }
0x58: {  	_ =	shalt  }
0x59: {  	_ =	shalt  }
0x5a: {  	_ =	shalt  }
0x5b: {  	_ =	shalt  }
0x5c: {  	_ =	shalt  }
0x5d: {  	_ =	shalt  }
0x5e: {  	_ =	shalt  }
0x5f: {  	_ =	shalt  }
0x60: {  	_ =	shalt  }
0x61: {  	_ =	shalt  }
0x62: {  	_ =	shalt  }
0x63: {  	_ =	shalt  }
0x64: {  	_ =	shalt  }
0x65: {  	_ =	shalt  }
0x66: {  	_ =	shalt  }
0x67: {  	_ =	shalt  }
0x68: {  	_ =	shalt  }
0x69: {  	_ =	shalt  }
0x6a: {  	_ =	shalt  }
0x6b: {  	_ =	shalt  }
0x6c: {  	_ =	shalt  }
0x6d: {  	_ =	shalt  }
0x6e: {  	_ =	shalt  }
0x6f: {  	_ =	shalt  }
0x70: {  	_ =	shalt  }
0x71: {  	_ =	shalt  }
0x72: {  	_ =	shalt  }
0x73: {  	_ =	shalt  }
0x74: {  	_ =	shalt  }
0x75: {  	_ =	shalt  }
0x76: {  	_ =	shalt  }
0x77: {  	_ =	shalt  }
0x78: {  	_ =	shalt  }
0x79: {  	_ =	shalt  }
0x7a: {  	_ =	shalt  }
0x7b: {  	_ =	shalt  }
0x7c: {  	_ =	shalt  }
0x7d: {  	_ =	shalt  }
0x7e: {  	_ =	shalt  }
0x7f: {  	_ =	shalt  }
0x80: {  	_ =	shalt  }
0x81: {  	_ =	shalt  }
0x82: {  	_ =	shalt  }
0x83: {  	_ =	shalt  }
0x84: {  	_ =	shalt  }
0x85: {  	_ =	shalt  }
0x86: {  	_ =	shalt  }
0x87: {  	_ =	shalt  }
.Lfunc_end0:
.L_simem_size_0:
called_computation.2_lowered:
.L_overlay_start_0:
0x88: {  	s2 =	sld [smem:$0x3FD9]  }
0x89: {  	s3 =	sld [smem:$0x3FFE];
	_ =	sdelay $0x1  }
0x8a: {  	s1 =	srdreg.scid  }
0x8b: {  	s0 =	sand.u32 $0x1, s1  }
0x8c: {  	s16 =	sshll.u32 s0, $0xA;
	s2 =	sadd.s32 s3, s2  }
0x8d: {  	s2 =	sadd.s32 s2, s16  }
0x8e: {  	[smem:$0x3FC0] =	sst s2  }
0x8f: {  	_ = 	snop  }
0x90: {  	(tm) =	ssettm $0x1  }
0x91: {  	s17 =	sld [smem:$0x3FFB];
	_ =	sdelay $0x3  }
0x92: {  	_ =	strace s17  }
0x93: {  	s2 =	sld [smem:$0x3FFC];
	_ =	sdelay $0x3  }
0x94: {  	_ =	strace s2  }
0x95: {  	s2 =	sld [smem:$0x3FFD];
	_ =	sdelay $0x3  }
0x96: {  	_ =	strace s2  }
0x97: {  	_ =	strace $0x8FFFFFFF  }
0x98: {  	s18 =	sld [smem:$0x3FDB];
	_ =	sdelay $0x1  }
0x99: {  	s19 =	simm.s32 $_scs_section_size  }
0x9a: {  	s4 =	simm.s32 $_size__tile_overlayer_lowered;
	s5 =	simm.s32 $_tile_overlayer_lowered  }
0x9b: {  	s22 =	simm.s32 $0x1BFF;
	s21 =	sshll.u32 s5, $0x1;
	s2 =	sadd.s32 s19, s18  }
0x9c: {  	s6 =	simm.s32 $0x0;
	s20 =	sshll.u32 s4, $0x1;
	s4 =	sadd.s32 s21, s2  }
0x9d: {  	[timem:s6], [sflag:s22] =	dma.local [hbm:s4], s20  }
0x9e: {  	_ =	swait.ge [sflag:s22], s20  }
0x9f: {  	s3 =	ssub.s32 $0x0, s20;
	[sflag:s22] =	ssyncset.done $0x0  }
0xa0: {  	[sflag:s22] =	ssyncadd.s32 s3;
	_ =	sdelay $0x1  }
0xa1: {  	s23 =	simm.s32 $0x1B8B  }
0xa2: {  	_ =	swait.ge [sflag:s23], $0x1  }
0xa3: {  	[sflag:s23] =	ssyncset.done $0x0  }
0xa4: {  	s25 =	simm.s32 $0x1B8E;
	s24 =	sld [smem:$0x3FFE];
	[sflag:s23] =	ssyncadd.s32 $0xFFFFFFFF  }
0xa5: {  	s26 =	simm.s32 $execute0_lowered;
	[smem:$0x3FD2] =	sst s25  }
0xa6: {  	s4 =	sshll.u32 s26, $0x1;
	_ =	strace $0x8000004C;
	[dreg:$0x1] =	wrdreg $0xFFFFFFFF  }
0xa7: {  	s28 =	simm.s32 $_size_execute0_lowered;
	s2 =	sadd.s32 s2, s4;
	[dreg:$0x0] =	wrdreg $0x0  }
0xa8: {  	s4 =	sshll.u32 s28, $0x1;
	[dreg:$0x2] =	wrdreg s2  }
0xa9: {  	[dreg:$0x3] =	wrdreg s4  }
0xaa: {  	[dreg:$0x4] =	wrdreg $0xC0  }
0xab: {  	_ =	task [dreg:s6], $0x5FFFF  }
0xac: {  	[dreg:$0x1] =	wrdreg $0xFFFFFFFF  }
0xad: {  	[dreg:$0x0] =	wrdreg $0x60  }
0xae: {  	[dreg:$0x2] =	wrdreg s24  }
0xaf: {  	[dreg:$0x3] =	wrdreg $0x9  }
0xb0: {  	_ =	task.clear_ibuf [dreg:s6], $0x4FFFF;
	_ =	strace $0x9000004C  }
0xb1: {  	s29 =	simm.s32 $0x9;
	_ =	strace $0x8000004E  }
0xb2: {  	_ =	swait.ge [sflag:s29], $0x1  }
0xb3: {  	[sflag:s29] =	ssyncadd.s32 $0xFFFFFFFF  }
0xb4: {  	_ =	strace $0x9000004E  }
0xb5: {  	_ =	sfence  }
0xb6: {  	s30 =	sld [smem:$0x0];
	_ =	sdelay $0x2  }
0xb7: {  	s31 =	sshll.u32 s1, $0xD;
	s1 =	sshrl.u32 s1, $0x2  }
0xb8: {  	s3 =	sand.u32 $0x4000, s31;
	s1 =	sadd.s32 s1, s30  }
0xb9: {  	s0 =	sor.u32 s3, s0;
	s1 =	sshll.u32 s1, $0x11  }
0xba: {  	s0 =	sor.u32 s1, s0  }
0xbb: {  	s0 =	sadd.s32 $0x8F2B, s0  }
0xbc: {  	[sflag:s0] =	ssyncadd.remote.s32 $0x1  }
0xbd: {  	_ =	sfence.sel $0xFFFF  }
0xbe: {  	[dreg:$0x0] =	wrdreg $0xFFFFFFFF;
	(pc) =	sbr.abs _section_cstart, $3  }
0xbf: {  	[dreg:$0x1] =	wrdreg $0xFFFFFFFF  }
0xc0: {  	_ =	task.clear_ibuf [dreg:s6], $0x2FFFF;
	_ =	strace $0x9FFFFFFF  }
0xc1: {  	(tm) =	ssettm $0x7FFFFFFF  }
tec
execute0_lowered:
.L_overlay_start_1:
0x0: {  	(tag) =	ssettag $0x1  }
0x1: {  	s3 =	rddreg [dreg:$0x0];
	s2 =	srdreg.scid  }
0x2: {  	s0 =	rddreg [dreg:$0x1];
	s1 =	stileid.u32;
	s7 =	simm.s32 $0x1  }
0x3: {  	s8 =	simm.s32 $0x800;
	s9 =	simm.s32 $0x1000;
	s4 =	sand.u32 $0x1, s2  }
0x4: {  	s10 =	simm.s32 $0x0;
	s5 =	sshll.u32 s1, $0x9;
	s6 =	sshll.u32 s4, $0x8  }
0x5: {  	s2 =	simm.s32 $0x0;
	s4 =	ssub.s32 $0x2, s4;
	s5 =	sor.u32 s6, s5  }
0x6: {  	[smem:$0x7FF] =	sst s2;
	s30 =	sshrl.u32 s4, $0x1;
	s5 =	sadd.s32 s5, s3  }
0x7: {  	_ =	strace $0x8000004D;
	s31 =	ssub.s32 s4, s30;
	s3 =	sadd.s32 $0x1C00, s5  }
0x8: {  	s4 =	sadd.s32 $0x3C00, s5;
	s5 =	sadd.s32 $0x5C00, s5;
	s6 =	smax.u32 s31, $0x1  }
.LBB2_1:
0x9: {  	[tilespmem:s2], [sflag:$0x1] =	stream.linear.gather [hbm4b:s3+s2], $0x800, $0x38;
	[tilespmem:$0x1800] =	vst v63  }
0xa: {  	_ =	swait.ge [sflag:s7], $0x800  }
0xb: {  	[sflag:s7] =	ssyncset.done $0x0  }
0xc: {  	[sflag:s7] =	ssyncadd.s32 $0xFFFFF800  }
0xd: {  	[tilespmem:s8], [sflag:$0x1] =	stream.linear.gather [hbm4b:s4+s2], $0x800, $0x38;
	[tilespmem:$0x1800] =	vst v63  }
0xe: {  	_ =	swait.ge [sflag:s7], $0x800  }
0xf: {  	[sflag:s7] =	ssyncset.done $0x0  }
0x10: {  	s11 =	simm.s32 $0x0;
	[sflag:s7] =	ssyncadd.s32 $0xFFFFF800  }
0x11: {  	v0 =	vld [tilespmem:s11+$0x0];
	_ =	sdelay $0x7  }
0x12: {  	s12 =	simm.s32 $0x10;
	s13 =	simm.s32 $0x80;
	v0 =	vld.idx.msk [tilespmem:v0+s8+$0x0], $0xffff  }
.LBB2_2:
0x13: {  	p0 =	sne.s32 s13, $0x1FC0;
	v1 =	vld [tilespmem:s12+$0x0];
	_ =	sdelay $0x3  }
.Ltmp0:
0x14: {  	(pc) =	sbr.rel @p0 .LBB2_2-.Ltmp0, $2  }
0x15: {  	[tilespmem:s11+$0x1000] =	vst v0;
	s11 =	smov.u32 s12;
	_ =	sdelay $0x2  }
0x16: {  	s12 =	sshra.s32 s13, $0x2;
	s13 =	sadd.s32 $0x40, s13;
	v0 =	vld.idx.msk [tilespmem:v1+s8+$0x0], $0xffff  }
0x17: {  	v1 =	vld [tilespmem:s12+$0x0];
	_ =	sdelay $0x6  }
0x18: {  	[tilespmem:s11+$0x1000] =	vst v0  }
0x19: {  	v0 =	vld.idx.msk [tilespmem:v1+s8+$0x0], $0xffff;
	_ =	sdelay $0x2  }
0x1a: {  	s10 =	sadd.s32 $0x1, s10  }
0x1b: {  	p0 =	sne.s32 s10, s6  }
.Ltmp1:
0x1c: {  	[tilespmem:s12+$0x1000] =	vst v0;
	(pc) =	sbr.rel @p0 .LBB2_1-.Ltmp1, $4  }
0x1d: {  	[hbm4b:s5+s2] =	stream.linear.scatter [tilespmem:s9], [sflag:$0x1], $0x800, $0x38;
	[tilespmem:$0x1800] =	vst v63  }
0x1e: {  	_ =	swait.ge [sflag:s7], $0x800  }
0x1f: {  	[sflag:s7] =	ssyncset.done $0x0  }
0x20: {  	[sflag:s7] =	ssyncadd.s32 $0xFFFFF800  }
0x21: {  	_ =	sfence.sel $0x180000  }
0x22: {  	[bflag:$0x0] =	sbarrier.arrive $0xFFFF  }
0x23: {  	p0 =	sne.s32 s1, $0x0;
	_ =	strace $0x9000004D  }
0x24: {  	s0 =	sadd.s32 @!p0 $0x100000, s0;
	[bflag:$0x2] =	sbarrier.arrive $0xFFFF  }
0x25: {  	[sflag:s0] =	ssyncadd.tile.s32 @!p0 $0x1;
	_ =	shalt  }
.Lfunc_end2:
_tile_overlayer_lowered:
.L_overlay_start_2:
0x26: {  	(tag) =	ssettag $0x2  }
0x27: {  	s0 =	rddreg [dreg:$0x0];
	s2 =	stileid.u32  }
0x28: {  	s1 =	rddreg [dreg:$0x1];
	p0 =	sne.s32 s2, $0x0  }
0x29: {  	s3 =	rddreg [dreg:$0x2];
	[bflag:$0x3] =	sbarrier.arrive $0xFFFF;
	s2 =	simm.s32 @!p0 $0x1C01  }
0x2a: {  	[timem:s3], [sflag:s2] =	dma.local @!p0 [hbm:s0], s1  }
0x2b: {  	s0 =	simm.s32 @!p0 $0x1  }
0x2c: {  	_ =	swait.ge @!p0 [sflag:s0], s1  }
0x2d: {  	s1 =	ssub.s32 @!p0 $0x0, s1;
	[sflag:s0] =	ssyncset.done @!p0 $0x0  }
0x2e: {  	[sflag:s0] =	ssyncadd.s32 @!p0 s1  }
0x2f: {  	[bflag:$0x3] =	sbarrier.arrive $0xFFFF  }
0x30: {  	_ =	shalt  }

// kernel: kernel.8.cloned.1.call-start
scs
__scs_entry_jumppad:
0x0: {  	(pc) =	sbr.rel $0x88, $3  }
0x1: {  	(tag) =	ssettag $0x0;
	lr =	simm.s32 $0x1  }
0x2: {  	[smem:$0x3F99] =	sst lr;
	_ =	strace $0xD0000000  }
0x3: {  	_ = 	snop  }
0x4: {  	_ = 	snop  }
0x5: {  	_ = 	snop  }
0x6: {  	_ = 	snop  }
0x7: {  	_ = 	snop  }
__scs_overlays_trampoline_lowered:
0x8: {  	[smem:$0x3FA8] =	sst s0  }
0x9: {  	[smem:$0x3FA9] =	sst s1  }
0xa: {  	[smem:$0x3FAA] =	sst s2  }
0xb: {  	[smem:$0x3FAB] =	sst s3  }
0xc: {  	[smem:$0x3FAC] =	sst s4  }
0xd: {  	[smem:$0x3FAD] =	sst s5  }
0xe: {  	[smem:$0x3FAE] =	sst s6  }
0xf: {  	[smem:$0x3FAF] =	sst s7  }
0x10: {  	[smem:$0x3FB0] =	sst s8  }
0x11: {  	[smem:$0x3FB1] =	sst s9;
	s0 =	simm.s32 @!p0 $0x0  }
0x12: {  	s1 =	sld [smem:$0x3F97];
	s0 =	simm.s32 @p0 $0x1  }
0x13: {  	[smem:$0x3FB2] =	sst s0;
	s0 =	simm.s32 @!p1 $0x0  }
0x14: {  	s2 =	sld [smem:$0x3F96];
	s0 =	simm.s32 @p1 $0x1  }
0x15: {  	[smem:$0x3FB3] =	sst s0;
	s0 =	simm.s32 @!p2 $0x0  }
0x16: {  	s3 =	sld [smem:$0x3FDB];
	s0 =	simm.s32 @p2 $0x1  }
0x17: {  	s4 =	simm.s32 $0x1BF5;
	[smem:$0x3FB5] =	sst s0  }
0x18: {  	s0 =	sld [smem:$0x3F98];
	_ =	swait.ge [sflag:s4], $0x0  }
0x19: {  	s7 =	sld [smem:$0x3F99]  }
0x1a: {  	s8 =	sadd.s32 $0xFFFFE003, lr  }
0x1b: {  	s9 =	sadd.s32 $0xFFFFFEF7, lr;
	s5 =	simm.s32 $0xFFFFFFFF;
	p2 =	slt.u32 s8, $0xFFFFF086  }
0x1c: {  	p1 =	slt.u32 s9, $0xF7A;
	s5 =	simm.s32 @!p2 $0x0  }
0x1d: {  	s5 =	simm.s32 @p1 $0x1;
	p0 =	seq.s32 s7, s2  }
0x1e: {  	s7 =	smul.u32 @!p0 $0xF7A, s2;
	p2 =	seq.s32 @!p0 s5, $0x0  }
0x1f: {  	s9 =	smul.u32 $0xF7A, s1;
	s8 =	simm.s32 @!p0 $0x1BF5;
	p2 =	por !p2, p0  }
0x20: {  	[sflag:s8] =	ssyncset.s32 @!p0 $0xFFFFF086;
	s6 =	sadd.s32 @!p0 s3, s7;
	s7 =	simm.s32 @!p0 $0x108  }
0x21: {  	s3 =	sadd.s32 s3, s9;
	s6 =	sadd.s32 @!p0 $0x88, s6;
	s7 =	simm.s32 @p2 $0x1082  }
0x22: {  	[simem:s7], [sflag:s8] =	dma.local @!p0 [hbm:s6], $0xF7A  }
0x23: {  	s9 =	sor.u32 $0xD0000000, s2;
	s6 =	simm.s32 $0x108;
	_ =	swait.ge @!p0 [sflag:s8], $0x0  }
0x24: {  	s3 =	sadd.s32 $0x88, s3;
	s6 =	simm.s32 @!p1 $0x1082;
	[sflag:s4] =	ssyncset.s32 $0xFFFFF086  }
0x25: {  	[simem:s6], [sflag:s4] =	dma.local [hbm:s3], $0xF7A  }
0x26: {  	[smem:$0x3F99] =	sst s1;
	(tag) =	ssettag s2;
	_ =	strace s9  }
0x27: {  	s1 =	sld [smem:$0x3FA9]  }
0x28: {  	s2 =	sld [smem:$0x3FAA]  }
0x29: {  	s4 =	sld [smem:$0x3FAC]  }
0x2a: {  	p0 =	seq.s32 s5, $0x0;
	s5 =	sld [smem:$0x3FAD]  }
0x2b: {  	s6 =	sld [smem:$0x3FAE]  }
0x2c: {  	s7 =	sld [smem:$0x3FAF]  }
0x2d: {  	s3 =	simm.s32 $0x108;
	s8 =	sld [smem:$0x3FB0]  }
0x2e: {  	s3 =	simm.s32 @!p0 $0x1082;
	s9 =	sld [smem:$0x3FB1]  }
0x2f: {  	lr =	sadd.s32 s0, s3;
	s0 =	sld [smem:$0x3FA8]  }
0x30: {  	s3 =	sld [smem:$0x3FAB]  }
0x31: {  	[smem:$0x3FB4] =	sst s10  }
0x32: {  	s10 =	sld [smem:$0x3FB2];
	_ =	sdelay $0x3  }
0x33: {  	p0 =	seq.s32 s10, $0x1;
	s10 =	sld [smem:$0x3FB4];
	_ =	sdelay $0x3  }
0x34: {  	[smem:$0x3FB4] =	sst s10  }
0x35: {  	s10 =	sld [smem:$0x3FB3];
	_ =	sdelay $0x3  }
0x36: {  	p1 =	seq.s32 s10, $0x1;
	s10 =	sld [smem:$0x3FB4];
	_ =	sdelay $0x3  }
0x37: {  	[smem:$0x3FB4] =	sst s10  }
0x38: {  	s10 =	sld [smem:$0x3FB5]  }
0x39: {  	_ = 	snop;
	(pc) =	sbr.ind lr, $3  }
0x3a: {  	_ = 	snop  }
0x3b: {  	_ = 	snop  }
0x3c: {  	p2 =	seq.s32 s10, $0x1;
	s10 =	sld [smem:$0x3FB4]  }
0x3d: {  	_ =	shalt  }
0x3e: {  	_ =	shalt  }
0x3f: {  	_ =	shalt  }
0x40: {  	_ =	shalt  }
0x41: {  	_ =	shalt  }
0x42: {  	_ =	shalt  }
0x43: {  	_ =	shalt  }
0x44: {  	_ =	shalt  }
0x45: {  	_ =	shalt  }
0x46: {  	_ =	shalt  }
0x47: {  	_ =	shalt  }
0x48: {  	_ =	shalt  }
0x49: {  	_ =	shalt  }
0x4a: {  	_ =	shalt  }
0x4b: {  	_ =	shalt  }
0x4c: {  	_ =	shalt  }
0x4d: {  	_ =	shalt  }
0x4e: {  	_ =	shalt  }
0x4f: {  	_ =	shalt  }
0x50: {  	_ =	shalt  }
0x51: {  	_ =	shalt  }
0x52: {  	_ =	shalt  }
0x53: {  	_ =	shalt  }
0x54: {  	_ =	shalt  }
0x55: {  	_ =	shalt  }
0x56: {  	_ =	shalt  }
0x57: {  	_ =	shalt  }
0x58: {  	_ =	shalt  }
0x59: {  	_ =	shalt  }
0x5a: {  	_ =	shalt  }
0x5b: {  	_ =	shalt  }
0x5c: {  	_ =	shalt  }
0x5d: {  	_ =	shalt  }
0x5e: {  	_ =	shalt  }
0x5f: {  	_ =	shalt  }
0x60: {  	_ =	shalt  }
0x61: {  	_ =	shalt  }
0x62: {  	_ =	shalt  }
0x63: {  	_ =	shalt  }
0x64: {  	_ =	shalt  }
0x65: {  	_ =	shalt  }
0x66: {  	_ =	shalt  }
0x67: {  	_ =	shalt  }
0x68: {  	_ =	shalt  }
0x69: {  	_ =	shalt  }
0x6a: {  	_ =	shalt  }
0x6b: {  	_ =	shalt  }
0x6c: {  	_ =	shalt  }
0x6d: {  	_ =	shalt  }
0x6e: {  	_ =	shalt  }
0x6f: {  	_ =	shalt  }
0x70: {  	_ =	shalt  }
0x71: {  	_ =	shalt  }
0x72: {  	_ =	shalt  }
0x73: {  	_ =	shalt  }
0x74: {  	_ =	shalt  }
0x75: {  	_ =	shalt  }
0x76: {  	_ =	shalt  }
0x77: {  	_ =	shalt  }
0x78: {  	_ =	shalt  }
0x79: {  	_ =	shalt  }
0x7a: {  	_ =	shalt  }
0x7b: {  	_ =	shalt  }
0x7c: {  	_ =	shalt  }
0x7d: {  	_ =	shalt  }
0x7e: {  	_ =	shalt  }
0x7f: {  	_ =	shalt  }
0x80: {  	_ =	shalt  }
0x81: {  	_ =	shalt  }
0x82: {  	_ =	shalt  }
0x83: {  	_ =	shalt  }
0x84: {  	_ =	shalt  }
0x85: {  	_ =	shalt  }
0x86: {  	_ =	shalt  }
0x87: {  	_ =	shalt  }
.Lfunc_end0:
.L_simem_size_0:
called_computation.1_lowered:
.L_overlay_start_0:
0x88: {  	s2 =	sld [smem:$0x3FD9]  }
0x89: {  	s3 =	sld [smem:$0x3FFE];
	_ =	sdelay $0x1  }
0x8a: {  	s1 =	srdreg.scid  }
0x8b: {  	s0 =	sand.u32 $0x1, s1  }
0x8c: {  	s16 =	sshll.u32 s0, $0xA;
	s2 =	sadd.s32 s3, s2  }
0x8d: {  	s2 =	sadd.s32 s2, s16  }
0x8e: {  	[smem:$0x3FC0] =	sst s2  }
0x8f: {  	_ = 	snop  }
0x90: {  	(tm) =	ssettm $0x1  }
0x91: {  	s17 =	sld [smem:$0x3FFB];
	_ =	sdelay $0x3  }
0x92: {  	_ =	strace s17  }
0x93: {  	s2 =	sld [smem:$0x3FFC];
	_ =	sdelay $0x3  }
0x94: {  	_ =	strace s2  }
0x95: {  	s2 =	sld [smem:$0x3FFD];
	_ =	sdelay $0x3  }
0x96: {  	_ =	strace s2  }
0x97: {  	_ =	strace $0x8FFFFFFF  }
0x98: {  	s18 =	sld [smem:$0x3FDB];
	_ =	sdelay $0x1  }
0x99: {  	s19 =	simm.s32 $_scs_section_size  }
0x9a: {  	s4 =	simm.s32 $_size__tile_overlayer_lowered;
	s5 =	simm.s32 $_tile_overlayer_lowered  }
0x9b: {  	s22 =	simm.s32 $0x1BFF;
	s21 =	sshll.u32 s5, $0x1;
	s2 =	sadd.s32 s19, s18  }
0x9c: {  	s6 =	simm.s32 $0x0;
	s20 =	sshll.u32 s4, $0x1;
	s4 =	sadd.s32 s21, s2  }
0x9d: {  	[timem:s6], [sflag:s22] =	dma.local [hbm:s4], s20  }
0x9e: {  	_ =	swait.ge [sflag:s22], s20  }
0x9f: {  	s3 =	ssub.s32 $0x0, s20;
	[sflag:s22] =	ssyncset.done $0x0  }
0xa0: {  	[sflag:s22] =	ssyncadd.s32 s3;
	_ =	sdelay $0x1  }
0xa1: {  	s23 =	simm.s32 $0x1B8B  }
0xa2: {  	_ =	swait.ge [sflag:s23], $0x1  }
0xa3: {  	[sflag:s23] =	ssyncset.done $0x0  }
0xa4: {  	s25 =	simm.s32 $0x1B8E;
	s24 =	sld [smem:$0x3FFE];
	[sflag:s23] =	ssyncadd.s32 $0xFFFFFFFF  }
0xa5: {  	s26 =	simm.s32 $execute0_lowered;
	[smem:$0x3FD2] =	sst s25  }
0xa6: {  	s4 =	sshll.u32 s26, $0x1;
	_ =	strace $0x80000049;
	[dreg:$0x1] =	wrdreg $0xFFFFFFFF  }
0xa7: {  	s28 =	simm.s32 $_size_execute0_lowered;
	s2 =	sadd.s32 s2, s4;
	[dreg:$0x0] =	wrdreg $0x0  }
0xa8: {  	s4 =	sshll.u32 s28, $0x1;
	[dreg:$0x2] =	wrdreg s2  }
0xa9: {  	[dreg:$0x3] =	wrdreg s4  }
0xaa: {  	[dreg:$0x4] =	wrdreg $0xC0  }
0xab: {  	_ =	task [dreg:s6], $0x5FFFF  }
0xac: {  	[dreg:$0x1] =	wrdreg $0xFFFFFFFF  }
0xad: {  	[dreg:$0x0] =	wrdreg $0x60  }
0xae: {  	[dreg:$0x2] =	wrdreg s24  }
0xaf: {  	[dreg:$0x3] =	wrdreg $0x9  }
0xb0: {  	_ =	task.clear_ibuf [dreg:s6], $0x4FFFF;
	_ =	strace $0x90000049  }
0xb1: {  	s29 =	simm.s32 $0x9;
	_ =	strace $0x8000004B  }
0xb2: {  	_ =	swait.ge [sflag:s29], $0x1  }
0xb3: {  	[sflag:s29] =	ssyncadd.s32 $0xFFFFFFFF  }
0xb4: {  	_ =	strace $0x9000004B  }
0xb5: {  	_ =	sfence  }
0xb6: {  	s30 =	sld [smem:$0x0];
	_ =	sdelay $0x2  }
0xb7: {  	s31 =	sshll.u32 s1, $0xD;
	s1 =	sshrl.u32 s1, $0x2  }
0xb8: {  	s3 =	sand.u32 $0x4000, s31;
	s1 =	sadd.s32 s1, s30  }
0xb9: {  	s0 =	sor.u32 s3, s0;
	s1 =	sshll.u32 s1, $0x11  }
0xba: {  	s0 =	sor.u32 s1, s0  }
0xbb: {  	s0 =	sadd.s32 $0x8F2B, s0  }
0xbc: {  	[sflag:s0] =	ssyncadd.remote.s32 $0x1  }
0xbd: {  	_ =	sfence.sel $0xFFFF  }
0xbe: {  	[dreg:$0x0] =	wrdreg $0xFFFFFFFF;
	(pc) =	sbr.abs _section_cstart, $3  }
0xbf: {  	[dreg:$0x1] =	wrdreg $0xFFFFFFFF  }
0xc0: {  	_ =	task.clear_ibuf [dreg:s6], $0x2FFFF;
	_ =	strace $0x9FFFFFFF  }
0xc1: {  	(tm) =	ssettm $0x7FFFFFFF  }
tec
execute0_lowered:
.L_overlay_start_1:
0x0: {  	(tag) =	ssettag $0x1  }
0x1: {  	s4 =	rddreg [dreg:$0x0]  }
0x2: {  	s2 =	srdreg.scid;
	s0 =	rddreg [dreg:$0x1]  }
0x3: {  	s1 =	stileid.u32;
	s10 =	simm.s32 $0x80;
	s11 =	simm.s32 $0x1000  }
0x4: {  	s12 =	simm.s32 $0x1;
	s13 =	simm.s32 $0x0;
	s5 =	sand.u32 $0x1, s2  }
0x5: {  	s2 =	simm.s32 $0x0;
	s3 =	sshll.u32 s1, $0xC;
	s7 =	sshll.u32 s1, $0x10  }
0x6: {  	s6 =	sshll.u32 s5, $0xB;
	[smem:$0x7FF] =	sst s2;
	s8 =	ssub.s32 $0x2, s5  }
0x7: {  	s7 =	sadd.s32 s7, s4;
	s5 =	sshll.u32 s5, $0xF;
	s3 =	sor.u32 s6, s3  }
0x8: {  	_ =	strace $0x8000004A;
	s9 =	sshrl.u32 s8, $0x1;
	s7 =	sadd.s32 s5, s7  }
0x9: {  	s6 =	sshrl.u32 s3, $0x3;
	s8 =	ssub.s32 s8, s9;
	s7 =	sadd.s32 $0x3C00, s7  }
0xa: {  	s9 =	simm.s32 $0x800;
	s6 =	sadd.s32 s6, s4;
	s4 =	sadd.s32 $0x181C00, s4  }
0xb: {  	v0 =	vlaneseq.u32;
	s5 =	sadd.s32 $0x1C00, s6;
	s6 =	smax.u32 s8, $0x1;
	s8 =	simm.s32 $0x2  }
.LBB2_1:
0xc: {  	[tilespmem:s2], [sflag:$0x2] =	stream.linear.gather [hbm4b:s5+s2], $0x800, $0x38;
	[tilespmem:$0x5000] =	vst v63  }
0xd: {  	_ =	swait.ge [sflag:s8], $0x800  }
0xe: {  	[sflag:s8] =	ssyncset.done $0x0  }
0xf: {  	s14 =	smov.u32 s3;
	s15 =	simm.s32 $0x0;
	[sflag:s8] =	ssyncadd.s32 $0xFFFFF800  }
.LBB2_2:
0x10: {  	s16 =	sshra.s32 s15, $0x2  }
0x11: {  	v1 =	vld [tilespmem:s16+$0x0];
	_ =	sdelay $0x2  }
0x12: {  	p0 =	sne.s32 s15, $0x1FC0  }
.Ltmp0:
0x13: {  	_ = 	snop;
	(pc) =	sbr.rel @p0 .LBB2_2-.Ltmp0, $3  }
0x14: {  	_ =	sdelay $0x1  }
0x15: {  	v2 =	vor.u32 s14, v0  }
0x16: {  	s14 =	sadd.s32 $0x10, s14;
	s15 =	sadd.s32 $0x40, s15;
	[tilespmem:v1+s9+$0x0] =	vst.idx.msk $0xffff, v2  }
0x17: {  	s14 =	simm.s32 $0x800  }
0x18: {  	[tilespmem:s11], [sflag:$0x1] =	stream.indirect.gather [hbm4b:s4+s10], $0x80, s14, s10, $0xb8;
	[tilespmem:$0x5000] =	vst v63  }
0x19: {  	_ =	swait.ge [sflag:s12], $0x4000  }
0x1a: {  	[sflag:s12] =	ssyncset.done $0x0  }
0x1b: {  	[sflag:s12] =	ssyncadd.s32 $0xFFFFC000  }
0x1c: {  	[hbm4b:s7+s2] =	stream.linear.scatter [tilespmem:s11], [sflag:$0x2], $0x4000, $0x38;
	[tilespmem:$0x5000] =	vst v63  }
0x1d: {  	s15 =	simm.s32 $0x400;
	_ =	swait.ge [sflag:s8], $0x4000  }
0x1e: {  	s16 =	simm.s32 $0x80;
	s14 =	sadd.s32 $0x800, s7;
	[sflag:s8] =	ssyncset.done $0x0  }
.LBB2_4:
0x1f: {  	s16 =	sadd.s32 $0x800, s16  }
0x20: {  	[sflag:s8] =	ssyncadd.s32 $0xFFFFC000;
	s17 =	smov.u32 s15;
	s18 =	sadd.s32 $0x200, s15  }
0x21: {  	[tilespmem:s11], [sflag:$0x1] =	stream.indirect.gather [hbm4b:s4+s10], $0x80, s16, s10, $0xb8;
	[tilespmem:$0x5000] =	vst v63  }
0x22: {  	p0 =	sne.s32 s15, $0x1E00;
	_ =	swait.ge [sflag:s12], $0x4000  }
.Ltmp1:
0x23: {  	[sflag:s12] =	ssyncset.done $0x0;
	(pc) =	sbr.rel @p0 .LBB2_4-.Ltmp1, $4  }
0x24: {  	[sflag:s12] =	ssyncadd.s32 $0xFFFFC000  }
0x25: {  	[hbm4b:s14+s2] =	stream.linear.scatter [tilespmem:s11], [sflag:$0x2], $0x4000, $0x38;
	[tilespmem:$0x5000] =	vst v63  }
0x26: {  	s16 =	sshra.s32 s17, $0x2;
	_ =	swait.ge [sflag:s8], $0x4000  }
0x27: {  	s15 =	smov.u32 s18;
	s14 =	sadd.s32 $0x800, s14;
	[sflag:s8] =	ssyncset.done $0x0  }
0x28: {  	s15 =	sadd.s32 $0x800, s16;
	[sflag:s8] =	ssyncadd.s32 $0xFFFFC000  }
0x29: {  	[tilespmem:s11], [sflag:$0x1] =	stream.indirect.gather [hbm4b:s4+s10], $0x80, s15, s10, $0xb8;
	[tilespmem:$0x5000] =	vst v63  }
0x2a: {  	s13 =	sadd.s32 $0x1, s13;
	_ =	swait.ge [sflag:s12], $0x4000  }
0x2b: {  	p0 =	sne.s32 s13, s6;
	[sflag:s12] =	ssyncset.done $0x0  }
.Ltmp2:
0x2c: {  	[sflag:s12] =	ssyncadd.s32 $0xFFFFC000;
	(pc) =	sbr.rel @p0 .LBB2_1-.Ltmp2, $4  }
0x2d: {  	[hbm4b:s14+s2] =	stream.linear.scatter [tilespmem:s11], [sflag:$0x2], $0x4000, $0x38;
	[tilespmem:$0x5000] =	vst v63  }
0x2e: {  	_ =	swait.ge [sflag:s8], $0x4000  }
0x2f: {  	[sflag:s8] =	ssyncset.done $0x0  }
0x30: {  	[sflag:s8] =	ssyncadd.s32 $0xFFFFC000  }
0x31: {  	_ =	sfence.sel $0x180000  }
0x32: {  	[bflag:$0x0] =	sbarrier.arrive $0xFFFF  }
0x33: {  	p0 =	sne.s32 s1, $0x0;
	_ =	strace $0x9000004A  }
0x34: {  	s0 =	sadd.s32 @!p0 $0x100000, s0;
	[bflag:$0x2] =	sbarrier.arrive $0xFFFF  }
0x35: {  	[sflag:s0] =	ssyncadd.tile.s32 @!p0 $0x1;
	_ =	shalt  }
.Lfunc_end2:
_tile_overlayer_lowered:
.L_overlay_start_2:
0x36: {  	(tag) =	ssettag $0x2  }
0x37: {  	s0 =	rddreg [dreg:$0x0];
	s2 =	stileid.u32  }
0x38: {  	s1 =	rddreg [dreg:$0x1];
	p0 =	sne.s32 s2, $0x0  }
0x39: {  	s3 =	rddreg [dreg:$0x2];
	[bflag:$0x3] =	sbarrier.arrive $0xFFFF;
	s2 =	simm.s32 @!p0 $0x1C02  }
0x3a: {  	[timem:s3], [sflag:s2] =	dma.local @!p0 [hbm:s0], s1  }
0x3b: {  	s0 =	simm.s32 @!p0 $0x2  }
0x3c: {  	_ =	swait.ge @!p0 [sflag:s0], s1  }
0x3d: {  	s1 =	ssub.s32 @!p0 $0x0, s1;
	[sflag:s0] =	ssyncset.done @!p0 $0x0  }
0x3e: {  	[sflag:s0] =	ssyncadd.s32 @!p0 s1  }
0x3f: {  	[bflag:$0x3] =	sbarrier.arrive $0xFFFF  }
0x40: {  	_ =	shalt  }

// kernel: sparse-core-data-format-call.cloned.1.call-start
scs
called_computation_lowered:
.L_overlay_start_0:
0x0: {  	s1 =	sld [smem:$0x3FD9]  }
0x1: {  	s2 =	sld [smem:$0x3FFE];
	_ =	sdelay $0x1  }
0x2: {  	s3 =	srdreg.scid  }
0x3: {  	s0 =	sand.u32 $0x1, s3  }
0x4: {  	s17 =	sshll.u32 s0, $0xA;
	s1 =	sadd.s32 s2, s1  }
0x5: {  	s1 =	sadd.s32 s1, s17  }
0x6: {  	[smem:$0x3FC0] =	sst s1  }
0x7: {  	_ = 	snop  }
0x8: {  	(tm) =	ssettm $0x1  }
0x9: {  	s18 =	sld [smem:$0x3FFB];
	_ =	sdelay $0x3  }
0xa: {  	_ =	strace s18  }
0xb: {  	s1 =	sld [smem:$0x3FFC];
	_ =	sdelay $0x3  }
0xc: {  	_ =	strace s1  }
0xd: {  	s1 =	sld [smem:$0x3FFD];
	_ =	sdelay $0x3  }
0xe: {  	_ =	strace s1  }
0xf: {  	_ =	strace $0x8FFFFFFF  }
0x10: {  	s19 =	sld [smem:$0x3FDB];
	_ =	sdelay $0x1  }
0x11: {  	s20 =	simm.s32 $_scs_section_size  }
0x12: {  	s4 =	simm.s32 $_size__tile_overlayer_lowered;
	s5 =	simm.s32 $_tile_overlayer_lowered  }
0x13: {  	s23 =	simm.s32 $0x1BFF;
	s22 =	sshll.u32 s5, $0x1;
	s1 =	sadd.s32 s20, s19  }
0x14: {  	s6 =	simm.s32 $0x0;
	s21 =	sshll.u32 s4, $0x1;
	s4 =	sadd.s32 s22, s1  }
0x15: {  	[timem:s6], [sflag:s23] =	dma.local [hbm:s4], s21  }
0x16: {  	_ =	swait.ge [sflag:s23], s21  }
0x17: {  	s2 =	ssub.s32 $0x0, s21;
	[sflag:s23] =	ssyncset.done $0x0  }
0x18: {  	[sflag:s23] =	ssyncadd.s32 s2;
	_ =	sdelay $0x1  }
0x19: {  	s24 =	simm.s32 $0x1B8B  }
0x1a: {  	_ =	swait.ge [sflag:s24], $0x1  }
0x1b: {  	[sflag:s24] =	ssyncset.done $0x0  }
0x1c: {  	s26 =	simm.s32 $0x1B8E;
	s25 =	sld [smem:$0x3FFE];
	[sflag:s24] =	ssyncadd.s32 $0xFFFFFFFF  }
0x1d: {  	s27 =	simm.s32 $execute0_lowered;
	[smem:$0x3FD2] =	sst s26  }
0x1e: {  	s4 =	sshll.u32 s27, $0x1;
	_ =	strace $0x80000046;
	[dreg:$0x1] =	wrdreg $0xFFFFFFFF  }
0x1f: {  	s28 =	simm.s32 $_size_execute0_lowered;
	s1 =	sadd.s32 s1, s4;
	[dreg:$0x0] =	wrdreg $0x0  }
0x20: {  	s4 =	sshll.u32 s28, $0x1;
	[dreg:$0x2] =	wrdreg s1  }
0x21: {  	[dreg:$0x3] =	wrdreg s4  }
0x22: {  	[dreg:$0x4] =	wrdreg $0xC0  }
0x23: {  	_ =	task [dreg:s6], $0x5FFFF  }
0x24: {  	[dreg:$0x1] =	wrdreg $0xFFFFFFFF  }
0x25: {  	[dreg:$0x0] =	wrdreg $0x60  }
0x26: {  	[dreg:$0x2] =	wrdreg s25  }
0x27: {  	[dreg:$0x3] =	wrdreg $0x9  }
0x28: {  	_ =	task.clear_ibuf [dreg:s6], $0x4FFFF;
	_ =	strace $0x90000046  }
0x29: {  	s29 =	simm.s32 $0x9;
	_ =	strace $0x80000048  }
0x2a: {  	_ =	swait.ge [sflag:s29], $0x1  }
0x2b: {  	[sflag:s29] =	ssyncadd.s32 $0xFFFFFFFF  }
0x2c: {  	_ =	strace $0x90000048  }
0x2d: {  	_ =	sfence  }
0x2e: {  	s30 =	sld [smem:$0x0];
	_ =	sdelay $0x2  }
0x2f: {  	s31 =	sshll.u32 s3, $0xD;
	s3 =	sshrl.u32 s3, $0x2  }
0x30: {  	s2 =	sand.u32 $0x4000, s31;
	s1 =	sadd.s32 s3, s30  }
0x31: {  	s0 =	sor.u32 s2, s0;
	s1 =	sshll.u32 s1, $0x11  }
0x32: {  	s0 =	sor.u32 s1, s0  }
0x33: {  	s0 =	sadd.s32 $0x8F2B, s0  }
0x34: {  	[sflag:s0] =	ssyncadd.remote.s32 $0x1  }
0x35: {  	_ =	sfence.sel $0xFFFF  }
0x36: {  	[dreg:$0x0] =	wrdreg $0xFFFFFFFF;
	(pc) =	sbr.abs _section_cstart, $3  }
0x37: {  	[dreg:$0x1] =	wrdreg $0xFFFFFFFF  }
0x38: {  	_ =	task.clear_ibuf [dreg:s6], $0x2FFFF;
	_ =	strace $0x9FFFFFFF  }
0x39: {  	(tm) =	ssettm $0x7FFFFFFF  }
tec
execute0_lowered:
.L_overlay_start_1:
0x0: {  	(tag) =	ssettag $0x1  }
0x1: {  	s4 =	rddreg [dreg:$0x0]  }
0x2: {  	s0 =	rddreg [dreg:$0x1];
	s2 =	srdreg.scid  }
0x3: {  	_ =	strace $0x80000047;
	s1 =	stileid.u32;
	s9 =	simm.s32 $0x2  }
0x4: {  	s17 =	simm.s32 $0x0;
	p0 =	por $0x0, $0x0;
	s14 =	simm.s32 $0x0  }
0x5: {  	s15 =	simm.s32 $0x0;
	s16 =	simm.s32 $0x0;
	s10 =	simm.s32 $0x0  }
0x6: {  	s13 =	simm.s32 $0x0;
	s3 =	sshll.u32 s2, $0x4;
	s2 =	sadd.s32 $0x81C00, s4  }
0x7: {  	s4 =	sadd.s32 $0x181C00, s4;
	s5 =	sand.u32 $0x10, s3;
	s3 =	sand.u32 $0x1, s1  }
.Ltmp0:
0x8: {  	s6 =	sor.u32 s1, s5;
	s7 =	ssub.s32 $0x2, s3;
	(pc) =	sbr.rel .LBB1_1-.Ltmp0, $4  }
0x9: {  	s5 =	simm.s32 $0x1;
	s8 =	sshrl.u32 s7, $0x1;
	s7 =	sand.u32 $0x1, s7  }
0xa: {  	s12 =	smov.u32 s3;
	[sflag:s5] =	ssyncpa.u1 $0x0;
	s7 =	sadd.s32 s7, s8  }
0xb: {  	s6 =	sshrl.u32 s6, $0x1;
	[sflag:s9] =	ssyncpa.u1 $0x0;
	s7 =	sshll.u32 s7, $0x4  }
0xc: {  	s9 =	simm.s32 $0x0;
	s11 =	smov.u32 s6;
	s8 =	sor.u32 $0x1, s7  }
.LBB1_4:
0xd: {  	v5 =	vld [tilespmem:s20+$0xFFFFFFD0];
	[tilespmem:s21+$0x2040 ss:$0x81] =	vst.msk $0xffff, v1  }
0xe: {  	v58 =	vld [tilespmem:s20+$0xFFFFFFE0];
	[tilespmem:s21+$0x2850 ss:$0x81] =	vst.msk $0xffff, v2  }
0xf: {  	s22 =	sshra.s32 s22, $0x2;
	v59 =	vld [tilespmem:s20+$0xFFFFFFF0];
	[tilespmem:s21+$0x3060 ss:$0x81] =	vst.msk $0xffff, v3  }
0x10: {  	v60 =	vld [tilespmem:s20+$0x0];
	[tilespmem:s21+$0x0 ss:$0x81] =	vst.msk $0xffff, v0;
	s19 =	sadd.s32 s22, s19  }
0x11: {  	v61 =	vld [tilespmem:s20+$0x10];
	[tilespmem:s19+$0x3870 ss:$0x81] =	vst.msk $0xffff, v4  }
0x12: {  	s17 =	sshll.u32 s17, $0x7;
	s26 =	sshll.u32 s14, $0x3;
	v62 =	vld [tilespmem:s20+$0x20];
	[tilespmem:s19+$0x810 ss:$0x81] =	vst.msk $0xffff, v5  }
0x13: {  	v63 =	vld [tilespmem:s20+$0xFFFFFFC0];
	s16 =	sshll.u32 s16, $0x13;
	s27 =	sand.u32 $0x3FC00, s17;
	s21 =	sand.u32 $0x3FC00, s26;
	[tilespmem:s19+$0x1020 ss:$0x81] =	vst.msk $0xffff, v58  }
0x14: {  	s15 =	sshll.u32 s15, $0xF;
	s17 =	sand.u32 $0x380, s17;
	s28 =	sadd.s32 s21, s27;
	[tilespmem:s19+$0x1830 ss:$0x81] =	vst.msk $0xffff, v59  }
0x15: {  	s29 =	sshrl.u32 s14, $0x3;
	s16 =	sadd.s32 s4, s16;
	s17 =	sor.u32 s17, s28;
	[tilespmem:s19+$0x2040 ss:$0x81] =	vst.msk $0xffff, v60  }
0x16: {  	s20 =	sand.u32 $0xF, s29;
	s15 =	sadd.s32 s15, s16;
	s17 =	sshrl.u32 s17, $0x3;
	[tilespmem:s19+$0x2850 ss:$0x81] =	vst.msk $0xffff, v61  }
0x17: {  	s15 =	sadd.s32 s20, s15;
	[tilespmem:s19+$0x3060 ss:$0x81] =	vst.msk $0xffff, v62;
	s30 =	sand.u32 $0x7FF0, s17  }
0x18: {  	s31 =	sand.u32 $0x7, s14;
	[tilespmem:s19+$0x0 ss:$0x81] =	vst.msk $0xffff, v63;
	s15 =	sadd.s32 s30, s15  }
0x19: {  	[hbm4b:s15+s31] =	stream.linear.scatter [tilespmem:s18], [sflag:$0x2], $0x4000, $0x20;
	[tilespmem:$0x10100] =	vst v63  }
.LBB1_5:
0x1a: {  	s18 =	sadd.s32 $0x80, s9  }
0x1b: {  	s14 =	sadd.s32 $0x80, s10;
	s19 =	smov.u32 s10;
	p2 =	sgt.s32 s18, $0x7FF  }
0x1c: {  	s19 =	smov.u32 @p2 s14  }
0x1d: {  	s20 =	smov.u32 s11;
	s14 =	sadd.s32 $0x10, s11;
	p3 =	sgt.s32 s19, $0x7F  }
0x1e: {  	s20 =	smov.u32 @p3 s14  }
0x1f: {  	s21 =	smov.u32 s12;
	s14 =	sadd.s32 $0x2, s12;
	p4 =	sgt.s32 s20, $0xF  }
0x20: {  	p1 =	slt.u32 s13, $0x2;
	s21 =	smov.u32 @p4 s14  }
0x21: {  	s17 =	smov.u32 s9;
	s18 =	simm.s32 @p2 $0x0;
	p2 =	sgt.s32 s21, $0x1  }
0x22: {  	s22 =	simm.s32 @!p1 $0x2;
	s21 =	smov.u32 @p2 s3;
	p2 =	sne.s32 s13, s8  }
.Ltmp1:
0x23: {  	s15 =	smov.u32 s11;
	_ =	swait.ge @!p1 [sflag:s22], $0x4000;
	(pc) =	sbr.rel @!p2 .LBB1_6-.Ltmp1, $4  }
0x24: {  	s16 =	smov.u32 s12;
	p0 =	por !p0, !p0;
	[sflag:s22] =	ssyncset.done @!p1 $0x0  }
0x25: {  	s9 =	smov.u32 s18;
	s19 =	simm.s32 @p3 $0x0;
	[sflag:s22] =	ssyncadd.s32 @!p1 $0xFFFFC000  }
0x26: {  	s20 =	smov.u32 @p4 s6;
	s14 =	smov.u32 s10;
	s10 =	smov.u32 s19  }
0x27: {  	s11 =	smov.u32 s20;
	s13 =	sadd.s32 $0x1, s13;
	s12 =	smov.u32 s21  }
.LBB1_1:
0x28: {  	p1 =	sge.u32 s13, s7  }
0x29: {  	s31 =	sadd.s32 $0xFFFFFFFF, s13;
	s18 =	sxor.u32 @!p1 $0xFFFFFFFF, s13;
	s19 =	sand.u32 @!p1 $0x78, s9  }
0x2a: {  	s20 =	sshll.u32 @!p1 s10, $0x7;
	s21 =	sshll.u32 @!p1 s10, $0xB;
	s22 =	sshll.u32 @!p1 s9, $0x3  }
0x2b: {  	s18 =	sshll.u32 @!p1 s18, $0xE;
	s20 =	sand.u32 @!p1 $0x380, s20;
	s21 =	sand.u32 @!p1 $0x3C000, s21  }
0x2c: {  	s18 =	sand.u32 @!p1 $0x4000, s18;
	s19 =	sor.u32 @!p1 s20, s19;
	s20 =	sand.u32 @!p1 $0x400, s22  }
0x2d: {  	s21 =	sadd.s32 @!p1 s21, s22;
	s19 =	sor.u32 @!p1 s20, s19;
	s20 =	sshll.u32 @!p1 s12, $0x13  }
0x2e: {  	s22 =	sshll.u32 @!p1 s11, $0xF;
	s21 =	sshrl.u32 @!p1 s21, $0x3;
	s20 =	sadd.s32 @!p1 s2, s20  }
0x2f: {  	s21 =	sand.u32 @!p1 $0x7F00, s21;
	s20 =	sadd.s32 @!p1 s22, s20;
	s22 =	sand.u32 @!p1 $0x7, s9  }
0x30: {  	s19 =	sshrl.u32 @!p1 s19, $0x3;
	s20 =	sadd.s32 @!p1 s21, s20;
	s21 =	sshll.u32 @!p1 s22, $0x12  }
0x31: {  	s19 =	sadd.s32 @!p1 s19, s20;
	s20 =	sor.u32 @!p1 $0x400, s21;
	s21 =	simm.s32 @!p1 $0x4000  }
0x32: {  	[tilespmem:s18], [sflag:$0x1] =	stream.strided.gather @!p1 [hbm4b:s19+s20], $0x4000, s21, s20, $0x38;
	[tilespmem:$0x10100] =	vst v63  }
0x33: {  	p1 =	sge.u32 s31, s7  }
.Ltmp2:
0x34: {  	_ = 	snop;
	(pc) =	sbr.rel @p1 .LBB1_5-.Ltmp2, $1  }
0x35: {  	_ =	sdelay $0x3  }
0x36: {  	s18 =	simm.s32 $0x1  }
0x37: {  	_ =	swait.ge [sflag:s5], $0x4000;
	s18 =	simm.s32 @!p0 $0x0  }
0x38: {  	[sflag:s5] =	ssyncset.done $0x0;
	s19 =	sshll.u32 s18, $0xE  }
0x39: {  	[sflag:s5] =	ssyncadd.s32 $0xFFFFC000;
	s20 =	sor.u32 $0x40, s19  }
0x3a: {  	s18 =	smul.u32 $0x10200, s18;
	v0 =	vld [tilespmem:s20+$0x30]  }
0x3b: {  	v3 =	vld [tilespmem:s20+$0xFFFFFFD0]  }
0x3c: {  	s18 =	sshrl.u32 s18, $0x2;
	v4 =	vld [tilespmem:s20+$0xFFFFFFE0]  }
0x3d: {  	v5 =	vld [tilespmem:s20+$0xFFFFFFF0];
	s19 =	sor.u32 $0x8000, s18  }
0x3e: {  	s31 =	sand.u32 $0x1, s13;
	v1 =	vld [tilespmem:s20+$0x0];
	s21 =	sadd.s32 $0x0, s19  }
0x3f: {  	v2 =	vld [tilespmem:s20+$0x10];
	s18 =	smul.u32 $0x10200, s31;
	[tilespmem:s21+$0x3870 ss:$0x81] =	vst.msk $0xffff, v0  }
0x40: {  	[tilespmem:s21+$0x810 ss:$0x81] =	vst.msk $0xffff, v3;
	v3 =	vld [tilespmem:s20+$0x20]  }
0x41: {  	s18 =	sshrl.u32 s18, $0x2;
	v0 =	vld [tilespmem:s20+$0xFFFFFFC0];
	[tilespmem:s21+$0x1020 ss:$0x81] =	vst.msk $0xffff, v4;
	s20 =	sadd.s32 $0x80, s20  }
0x42: {  	s22 =	simm.s32 $0x4;
	s23 =	simm.s32 $0x8;
	s18 =	sor.u32 $0x8000, s18;
	[tilespmem:s21+$0x1830 ss:$0x81] =	vst.msk $0xffff, v5;
	v4 =	vld [tilespmem:s20+$0x30]  }
.LBB1_3:
0x43: {  	p1 =	sne.s32 s23, $0x1FC;
	v5 =	vld [tilespmem:s20+$0xFFFFFFD0];
	[tilespmem:s21+$0x2040 ss:$0x81] =	vst.msk $0xffff, v1  }
0x44: {  	v6 =	vld [tilespmem:s20+$0xFFFFFFE0];
	[tilespmem:s21+$0x2850 ss:$0x81] =	vst.msk $0xffff, v2  }
0x45: {  	s24 =	sshra.s32 s22, $0x2;
	s22 =	smov.u32 s23;
	v7 =	vld [tilespmem:s20+$0xFFFFFFF0];
	[tilespmem:s21+$0x3060 ss:$0x81] =	vst.msk $0xffff, v3  }
.Ltmp3:
0x46: {  	v1 =	vld [tilespmem:s20+$0x0];
	[tilespmem:s21+$0x0 ss:$0x81] =	vst.msk $0xffff, v0;
	s21 =	sadd.s32 s24, s19;
	(pc) =	sbr.rel @p1 .LBB1_3-.Ltmp3, $4  }
0x47: {  	v2 =	vld [tilespmem:s20+$0x10];
	[tilespmem:s21+$0x3870 ss:$0x81] =	vst.msk $0xffff, v4  }
0x48: {  	[tilespmem:s21+$0x810 ss:$0x81] =	vst.msk $0xffff, v5;
	v3 =	vld [tilespmem:s20+$0x20]  }
0x49: {  	v0 =	vld [tilespmem:s20+$0xFFFFFFC0];
	[tilespmem:s21+$0x1020 ss:$0x81] =	vst.msk $0xffff, v6;
	s20 =	sadd.s32 $0x80, s20  }
0x4a: {  	s23 =	sadd.s32 $0x4, s23;
	v4 =	vld [tilespmem:s20+$0x30];
	[tilespmem:s21+$0x1830 ss:$0x81] =	vst.msk $0xffff, v7  }
.Ltmp4:
0x4b: {  	_ = 	snop;
	(pc) =	sbr.rel .LBB1_4-.Ltmp4, $1  }
0x4c: {  	_ =	sdelay $0x3  }
.LBB1_6:
0x4d: {  	_ =	sfence.sel $0x180000  }
0x4e: {  	s2 =	simm.s32 $0x1;
	[bflag:$0x0] =	sbarrier.arrive $0xFFFF  }
0x4f: {  	s31 =	simm.s32 $0x2;
	[sflag:s2] =	ssyncpa.u1 $0x1  }
0x50: {  	[sflag:s31] =	ssyncpa.u1 $0x1  }
0x51: {  	p0 =	sne.s32 s1, $0x0;
	_ =	strace $0x90000047  }
0x52: {  	s0 =	sadd.s32 @!p0 $0x100000, s0;
	[bflag:$0x2] =	sbarrier.arrive $0xFFFF  }
0x53: {  	[sflag:s0] =	ssyncadd.tile.s32 @!p0 $0x1;
	_ =	shalt  }
.Lfunc_end1:
_tile_overlayer_lowered:
.L_overlay_start_2:
0x54: {  	(tag) =	ssettag $0x2  }
0x55: {  	s0 =	rddreg [dreg:$0x0];
	s2 =	stileid.u32  }
0x56: {  	s1 =	rddreg [dreg:$0x1];
	p0 =	sne.s32 s2, $0x0  }
0x57: {  	s3 =	rddreg [dreg:$0x2];
	[bflag:$0x3] =	sbarrier.arrive $0xFFFF;
	s2 =	simm.s32 @!p0 $0x1C01  }
0x58: {  	[timem:s3], [sflag:s2] =	dma.local @!p0 [hbm:s0], s1  }
0x59: {  	s0 =	simm.s32 @!p0 $0x1  }
0x5a: {  	_ =	swait.ge @!p0 [sflag:s0], s1  }
0x5b: {  	s1 =	ssub.s32 @!p0 $0x0, s1;
	[sflag:s0] =	ssyncset.done @!p0 $0x0  }
0x5c: {  	[sflag:s0] =	ssyncadd.s32 @!p0 s1  }
0x5d: {  	[bflag:$0x3] =	sbarrier.arrive $0xFFFF  }
0x5e: {  	_ =	shalt  }

</sc_bundles>
